<compile_context>
chip_gen: v7x
topology: tpu7x:2x2x1
jax: 0.10.2.dev20260603
libtpu: 0.0.44.dev20260713+nightly
codegen_flags: <defaults>
</compile_context>

<pallas_src>
import functools

import jax
import jax.numpy as jnp
from jax import lax
from jax.experimental import pallas as pl
from jax.experimental.pallas import tpu as pltpu
from jax.experimental.pallas import tpu_sc as plsc

NUM_LAYERS = 3
D = 128
N = 10000
E = 320000

NC = 2
NS = 16
HALF = N // NC
CH = 32
NCH = 640
NCHP = 656
GB = 4
NGB = NCH // 8
ACCR = 5056
HL1 = 520
HL2 = 112
HST = 632
EXR = 632


def _sc_body(h_hbm, z_hbm, src_hbm, dst_hbm, out_hbm,
             slotSA, slotSB, slotDA, slotDB, buf0, buf1, h_sh, acc_sh,
             semA, semB, semS, semT):
    c = lax.axis_index("c")
    s = lax.axis_index("s")

    st1 = s * HST
    pltpu.sync_copy(h_hbm.at[pl.ds(st1, HL1)], h_sh.at[pl.ds(st1, HL1)])
    st2 = jnp.minimum(st1 + HL1, N - HL2)
    pltpu.sync_copy(h_hbm.at[pl.ds(st2, HL2)], h_sh.at[pl.ds(st2, HL2)])

    @pl.when(s >= 8)
    def _():
        pltpu.sync_copy(z_hbm, acc_sh.at[pl.ds((s - 8) * EXR, EXR)])

    pltpu.sync_copy(src_hbm.at[s, pl.ds(0, GB)], slotSA)
    pltpu.sync_copy(dst_hbm.at[c, s, pl.ds(0, GB)], slotDA)
    pltpu.async_copy(src_hbm.at[s, pl.ds(GB, GB)], slotSB, semS)
    pltpu.async_copy(dst_hbm.at[c, s, pl.ds(GB, GB)], slotDB, semT)
    plsc.subcore_barrier()
    pltpu.async_copy(h_sh.at[slotSA.at[0]], buf0, semA)

    def body(g, _):
        j0 = 8 * g

        pltpu.async_copy(h_sh.at[slotSA.at[1]], buf1, semB)
        pltpu.make_async_copy(h_sh.at[slotSA.at[0]], buf0, semA).wait()
        pltpu.sync_copy(buf0, acc_sh.at[slotDA.at[0]], add=True)

        pltpu.async_copy(h_sh.at[slotSA.at[2]], buf0, semA)
        pltpu.make_async_copy(h_sh.at[slotSA.at[1]], buf1, semB).wait()
        pltpu.sync_copy(buf1, acc_sh.at[slotDA.at[1]], add=True)

        pltpu.async_copy(h_sh.at[slotSA.at[3]], buf1, semB)
        pltpu.make_async_copy(h_sh.at[slotSA.at[2]], buf0, semA).wait()
        pltpu.sync_copy(buf0, acc_sh.at[slotDA.at[2]], add=True)

        pltpu.make_async_copy(src_hbm.at[s, pl.ds(GB, GB)], slotSB, semS).wait()
        pltpu.async_copy(h_sh.at[slotSB.at[0]], buf0, semA)
        pltpu.make_async_copy(h_sh.at[slotSA.at[3]], buf1, semB).wait()
        pltpu.async_copy(src_hbm.at[s, pl.ds(j0 + 8, GB)], slotSA, semS)
        pltpu.make_async_copy(dst_hbm.at[c, s, pl.ds(GB, GB)], slotDB, semT).wait()
        pltpu.sync_copy(buf1, acc_sh.at[slotDA.at[3]], add=True)
        pltpu.async_copy(dst_hbm.at[c, s, pl.ds(j0 + 8, GB)], slotDA, semT)

        pltpu.async_copy(h_sh.at[slotSB.at[1]], buf1, semB)
        pltpu.make_async_copy(h_sh.at[slotSB.at[0]], buf0, semA).wait()
        pltpu.sync_copy(buf0, acc_sh.at[slotDB.at[0]], add=True)

        pltpu.async_copy(h_sh.at[slotSB.at[2]], buf0, semA)
        pltpu.make_async_copy(h_sh.at[slotSB.at[1]], buf1, semB).wait()
        pltpu.sync_copy(buf1, acc_sh.at[slotDB.at[1]], add=True)

        pltpu.async_copy(h_sh.at[slotSB.at[3]], buf1, semB)
        pltpu.make_async_copy(h_sh.at[slotSB.at[2]], buf0, semA).wait()
        pltpu.sync_copy(buf0, acc_sh.at[slotDB.at[2]], add=True)

        pltpu.make_async_copy(src_hbm.at[s, pl.ds(0, GB)], slotSA, semS).wait()
        pltpu.async_copy(h_sh.at[slotSA.at[0]], buf0, semA)
        pltpu.make_async_copy(h_sh.at[slotSB.at[3]], buf1, semB).wait()
        pltpu.async_copy(src_hbm.at[s, pl.ds(j0 + 12, GB)], slotSB, semS)
        pltpu.make_async_copy(dst_hbm.at[c, s, pl.ds(GB, GB)], slotDA, semT).wait()
        pltpu.sync_copy(buf1, acc_sh.at[slotDB.at[3]], add=True)
        pltpu.async_copy(dst_hbm.at[c, s, pl.ds(j0 + 12, GB)], slotDB, semT)
        return 0

    lax.fori_loop(0, NGB, body, 0)

    pltpu.make_async_copy(src_hbm.at[s, pl.ds(0, GB)], slotSB, semS).wait()
    pltpu.make_async_copy(dst_hbm.at[c, s, pl.ds(GB, GB)], slotDB, semT).wait()
    pltpu.make_async_copy(h_sh.at[slotSA.at[0]], buf0, semA).wait()
    plsc.subcore_barrier()

    @pl.when(s < 8)
    def _():
        pltpu.sync_copy(acc_sh.at[pl.ds(s * EXR, EXR)],
                        out_hbm.at[c, pl.ds(s * EXR, EXR)])


_sc_segment_sum = functools.partial(
    pl.kernel,
    mesh=plsc.VectorSubcoreMesh(core_axis_name="c", subcore_axis_name="s"),
    out_type=jax.ShapeDtypeStruct((NC, ACCR, D), jnp.float32),
    scratch_types=[
        pltpu.VMEM((GB, CH), jnp.int32),
        pltpu.VMEM((GB, CH), jnp.int32),
        pltpu.VMEM((GB, CH), jnp.int32),
        pltpu.VMEM((GB, CH), jnp.int32),
        pltpu.VMEM((CH, D), jnp.float32),
        pltpu.VMEM((CH, D), jnp.float32),
        pltpu.VMEM_SHARED((N, D), jnp.float32),
        pltpu.VMEM_SHARED((ACCR, D), jnp.float32),
        pltpu.SemaphoreType.DMA,
        pltpu.SemaphoreType.DMA,
        pltpu.SemaphoreType.DMA,
        pltpu.SemaphoreType.DMA,
    ],
)(_sc_body)


def _tc_body(h_ref, a_ref, w1_ref, b1_ref, w2_ref, b2_ref,
             g_ref, be_ref, o_ref):
    agg = jnp.concatenate([a_ref[0, :HALF], a_ref[1, :HALF]], axis=0)
    z = h_ref[...] + agg
    z = jnp.dot(z, w1_ref[...], preferred_element_type=jnp.float32) + b1_ref[...]
    z = jnp.where(z > 0, z, 0.01 * z)
    z = jnp.dot(z, w2_ref[...], preferred_element_type=jnp.float32) + b2_ref[...]
    z = jnp.maximum(z, 0.0)
    mean = jnp.sum(z, axis=0, keepdims=True) * (1.0 / N)
    var = jnp.sum(z * z, axis=0, keepdims=True) * (1.0 / N) - mean * mean
    o_ref[...] = (z - mean) * lax.rsqrt(var + 1e-4) * g_ref[...] + be_ref[...]


def _tc_layer(h, agg, W1, b1, W2, b2, gamma, beta):
    return pl.pallas_call(
        _tc_body,
        out_shape=jax.ShapeDtypeStruct((N, D), jnp.float32),
    )(h, agg, W1, b1.reshape(1, D), W2, b2.reshape(1, D),
      gamma.reshape(1, D), beta.reshape(1, D))


def kernel(x, edge_index, W1, b1, W2, b2, gamma, beta):
    pad = NS * NCH * CH - E
    src = jnp.concatenate(
        [edge_index[0].astype(jnp.int32),
         jnp.zeros((pad,), jnp.int32)]).reshape(NS, NCH, CH)
    src = jnp.concatenate(
        [src, jnp.zeros((NS, NCHP - NCH, CH), jnp.int32)], axis=1)
    dstp = jnp.concatenate(
        [edge_index[1].astype(jnp.int32),
         jnp.full((pad,), N, jnp.int32)]).reshape(NS, NCH, CH)
    tid = HALF + jnp.arange(NS, dtype=jnp.int32).reshape(NS, 1, 1)
    d0 = jnp.where(dstp < HALF, dstp, tid)
    d1 = jnp.where((dstp >= HALF) & (dstp < N), dstp - HALF, tid)
    dst = jnp.stack([d0, d1])
    dst = jnp.concatenate(
        [dst, jnp.full((NC, NS, NCHP - NCH, CH), HALF, jnp.int32)], axis=2)
    zrows = jnp.zeros((EXR, D), jnp.float32)
    h = x
    for i in range(NUM_LAYERS):
        agg = _sc_segment_sum(h, zrows, src, dst)
        h = _tc_layer(h, agg, W1[i], b1[i], W2[i], b2[i], gamma[i], beta[i])
    return h

# --- scband reference (transcript-rebuilt; emitter-appended) ---
"""Pipeline reference for scband-server-encoder-multi-25752623907302 (READ-ONLY COPY).

The authoritative reference and input builder live on the scoring server;
editing this copy changes nothing except your own understanding.
"""

import jax, jax.numpy as jnp
import numpy as np

NUM_LAYERS = 3
DIM = 128
N_NODES = 10000
N_EDGES = 320000


def setup_inputs(seed: int = 0) -> dict:
    key = jax.random.key(seed)
    ks = jax.random.split(key, 10)
    x = jax.random.normal(ks[0], (N_NODES, DIM), dtype=jnp.float32)
    edge_index = jax.random.randint(ks[1], (2, N_EDGES), 0, N_NODES, dtype=jnp.int32)
    bound = 1.0 / np.sqrt(DIM)
    W1 = jax.random.uniform(ks[2], (NUM_LAYERS, DIM, DIM), dtype=jnp.float32, minval=-bound, maxval=bound)
    b1 = jax.random.uniform(ks[3], (NUM_LAYERS, DIM), dtype=jnp.float32, minval=-bound, maxval=bound)
    W2 = jax.random.uniform(ks[4], (NUM_LAYERS, DIM, DIM), dtype=jnp.float32, minval=-bound, maxval=bound)
    b2 = jax.random.uniform(ks[5], (NUM_LAYERS, DIM), dtype=jnp.float32, minval=-bound, maxval=bound)
    gamma = jnp.ones((NUM_LAYERS, DIM), dtype=jnp.float32)
    beta = jnp.zeros((NUM_LAYERS, DIM), dtype=jnp.float32)
    return {"x": x, "edge_index": edge_index, "W1": W1, "b1": b1, "W2": W2, "b2": b2, "gamma": gamma, "beta": beta}


def reference(x, edge_index, W1, b1, W2, b2, gamma, beta):
    # Server_encoder_multi forward: stacked GINConv (eps=0) -> ReLU -> BatchNorm1d(eps=1e-4, training stats)
    src = edge_index[0]
    dst = edge_index[1]
    h = x
    for i in range(NUM_LAYERS):
        # GIN aggregation: sum over incoming neighbors (scatter-add by dst)
        agg = jax.ops.segment_sum(h[src], dst, num_segments=N_NODES)
        z = h + agg  # (1 + eps) * x + aggr, eps = 0
        # MLP: Linear -> LeakyReLU(0.01) -> Linear
        z = z @ W1[i] + b1[i]
        z = jnp.where(z > 0, z, 0.01 * z)
        z = z @ W2[i] + b2[i]
        # F.relu after conv
        z = jax.nn.relu(z)
        # BatchNorm1d with batch statistics, eps=1e-4
        mean = jnp.mean(z, axis=0)
        var = jnp.var(z, axis=0)
        h = (z - mean) * jax.lax.rsqrt(var + 1e-4) * gamma[i] + beta[i]
    return h

if __name__ == "__main__":
    import jax
    _d = setup_inputs()
    print(jax.jit(kernel)(*tuple(_d.values())))

</pallas_src>

<mosaic_0001>
#map = affine_map<(d0, d1) -> (0, 0)>
#map1 = affine_map<(d0, d1) -> (0, 0, 0)>
#map2 = affine_map<(d0, d1) -> (0, 0, 0, 0)>
module attributes {stable_mosaic.version = 14 : i64} {
  func.func @_sc_body(%arg0: i32, %arg1: i32, %arg2: memref<10000x128xf32, #tpu.memory_space<hbm>>, %arg3: memref<632x128xf32, #tpu.memory_space<hbm>>, %arg4: memref<16x656x32xi32, #tpu.memory_space<hbm>>, %arg5: memref<2x16x656x32xi32, #tpu.memory_space<hbm>>, %arg6: memref<2x5056x128xf32, #tpu.memory_space<hbm>>, %arg7: memref<4x32xi32, #tpu.memory_space<vmem>>, %arg8: memref<4x32xi32, #tpu.memory_space<vmem>>, %arg9: memref<4x32xi32, #tpu.memory_space<vmem>>, %arg10: memref<4x32xi32, #tpu.memory_space<vmem>>, %arg11: memref<32x128xf32, #tpu.memory_space<vmem>>, %arg12: memref<32x128xf32, #tpu.memory_space<vmem>>, %arg13: memref<10000x128xf32, #tpu.memory_space<vmem_shared>>, %arg14: memref<5056x128xf32, #tpu.memory_space<vmem_shared>>, %arg15: memref<!tpu.dma_semaphore, #tpu.memory_space<semaphore_mem>>, %arg16: memref<!tpu.dma_semaphore, #tpu.memory_space<semaphore_mem>>, %arg17: memref<!tpu.dma_semaphore, #tpu.memory_space<semaphore_mem>>, %arg18: memref<!tpu.dma_semaphore, #tpu.memory_space<semaphore_mem>>) attributes {dimension_semantics = [#tpu.dimension_semantics<core_parallel>, #tpu.dimension_semantics<subcore_parallel>], iteration_bounds = array<i64: 2, 16>, scalar_prefetch = 0 : i64, scratch_operands = 12 : i64, tpu.core_type = #tpu.core_type<sc_vector_subcore>, window_params = [{transform_indices = #map}, {transform_indices = #map}, {transform_indices = #map1}, {transform_indices = #map2}, {transform_indices = #map1}]} {
    %mul3A = arith.constant 632 : i32
    %mul3A_0 = arith.muli %arg1, %mul3A : i32
    "tpu.region"() ({
      %run_scoped3A = tpu.sem_alloc : memref<!tpu.dma_semaphore, #tpu.memory_space<semaphore_mem>>
      %dma_start3A_60 = arith.constant 0 : i32
      %dma_start3A_61 = tpu.memref_slice %arg13[%mul3A_0, %dma_start3A_60] : memref<10000x128xf32, #tpu.memory_space<vmem_shared>> -> memref<520x128xf32, #tpu.memory_space<vmem_shared>>
      %dma_start3A_62 = arith.constant 0 : i32
      %dma_start3A_63 = tpu.memref_slice %arg2[%mul3A_0, %dma_start3A_62] : memref<10000x128xf32, #tpu.memory_space<hbm>> -> memref<520x128xf32, #tpu.memory_space<hbm>>
      tpu.enqueue_dma source(%dma_start3A_63 : memref<520x128xf32, #tpu.memory_space<hbm>>) target(%dma_start3A_61 : memref<520x128xf32, #tpu.memory_space<vmem_shared>>) target_semaphore(%run_scoped3A : memref<!tpu.dma_semaphore, #tpu.memory_space<semaphore_mem>>)
      %dma_wait3A_64 = arith.constant 0 : i32
      %dma_wait3A_65 = tpu.memref_slice %arg13[%mul3A_0, %dma_wait3A_64] : memref<10000x128xf32, #tpu.memory_space<vmem_shared>> -> memref<520x128xf32, #tpu.memory_space<vmem_shared>>
      %dma_wait3A_66 = arith.constant 0 : i32
      %dma_wait3A_67 = tpu.memref_slice %arg2[%mul3A_0, %dma_wait3A_66] : memref<10000x128xf32, #tpu.memory_space<hbm>> -> memref<520x128xf32, #tpu.memory_space<hbm>>
      tpu.wait_dma2 semaphore(%run_scoped3A : memref<!tpu.dma_semaphore, #tpu.memory_space<semaphore_mem>>) src(%dma_wait3A_67 : memref<520x128xf32, #tpu.memory_space<hbm>>) dst(%dma_wait3A_65 : memref<520x128xf32, #tpu.memory_space<vmem_shared>>)
      tpu.yield
    }) : () -> ()
    %add3A = arith.constant 520 : i32
    %add3A_1 = arith.addi %mul3A_0, %add3A : i32
    %min3A = arith.constant 9888 : i32
    %min3A_2 = arith.minsi %add3A_1, %min3A : i32
    "tpu.region"() ({
      %run_scoped3A = tpu.sem_alloc : memref<!tpu.dma_semaphore, #tpu.memory_space<semaphore_mem>>
      %dma_start3A_60 = arith.constant 0 : i32
      %dma_start3A_61 = tpu.memref_slice %arg13[%min3A_2, %dma_start3A_60] : memref<10000x128xf32, #tpu.memory_space<vmem_shared>> -> memref<112x128xf32, #tpu.memory_space<vmem_shared>>
      %dma_start3A_62 = arith.constant 0 : i32
      %dma_start3A_63 = tpu.memref_slice %arg2[%min3A_2, %dma_start3A_62] : memref<10000x128xf32, #tpu.memory_space<hbm>> -> memref<112x128xf32, #tpu.memory_space<hbm>>
      tpu.enqueue_dma source(%dma_start3A_63 : memref<112x128xf32, #tpu.memory_space<hbm>>) target(%dma_start3A_61 : memref<112x128xf32, #tpu.memory_space<vmem_shared>>) target_semaphore(%run_scoped3A : memref<!tpu.dma_semaphore, #tpu.memory_space<semaphore_mem>>)
      %dma_wait3A_64 = arith.constant 0 : i32
      %dma_wait3A_65 = tpu.memref_slice %arg13[%min3A_2, %dma_wait3A_64] : memref<10000x128xf32, #tpu.memory_space<vmem_shared>> -> memref<112x128xf32, #tpu.memory_space<vmem_shared>>
      %dma_wait3A_66 = arith.constant 0 : i32
      %dma_wait3A_67 = tpu.memref_slice %arg2[%min3A_2, %dma_wait3A_66] : memref<10000x128xf32, #tpu.memory_space<hbm>> -> memref<112x128xf32, #tpu.memory_space<hbm>>
      tpu.wait_dma2 semaphore(%run_scoped3A : memref<!tpu.dma_semaphore, #tpu.memory_space<semaphore_mem>>) src(%dma_wait3A_67 : memref<112x128xf32, #tpu.memory_space<hbm>>) dst(%dma_wait3A_65 : memref<112x128xf32, #tpu.memory_space<vmem_shared>>)
      tpu.yield
    }) : () -> ()
    %ge3A = arith.constant 8 : i32
    %ge3A_3 = arith.cmpi sge, %arg1, %ge3A : i32
    %convert_element_type3A = arith.extui %ge3A_3 : i1 to i32
    %cond3A = arith.constant 0 : i32
    %cond3A_4 = arith.cmpi ne, %convert_element_type3A, %cond3A : i32
    scf.if %cond3A_4 {
      %sub3A = arith.constant 8 : i32
      %sub3A_60 = arith.subi %arg1, %sub3A : i32
      %mul3A_61 = arith.constant 632 : i32
      %mul3A_62 = arith.muli %sub3A_60, %mul3A_61 : i32
      "tpu.region"() ({
        %run_scoped3A = tpu.sem_alloc : memref<!tpu.dma_semaphore, #tpu.memory_space<semaphore_mem>>
        %dma_start3A_63 = arith.constant 0 : i32
        %dma_start3A_64 = tpu.memref_slice %arg14[%mul3A_62, %dma_start3A_63] : memref<5056x128xf32, #tpu.memory_space<vmem_shared>> -> memref<632x128xf32, #tpu.memory_space<vmem_shared>>
        tpu.enqueue_dma source(%arg3 : memref<632x128xf32, #tpu.memory_space<hbm>>) target(%dma_start3A_64 : memref<632x128xf32, #tpu.memory_space<vmem_shared>>) target_semaphore(%run_scoped3A : memref<!tpu.dma_semaphore, #tpu.memory_space<semaphore_mem>>)
        %dma_wait3A_65 = arith.constant 0 : i32
        %dma_wait3A_66 = tpu.memref_slice %arg14[%mul3A_62, %dma_wait3A_65] : memref<5056x128xf32, #tpu.memory_space<vmem_shared>> -> memref<632x128xf32, #tpu.memory_space<vmem_shared>>
        tpu.wait_dma2 semaphore(%run_scoped3A : memref<!tpu.dma_semaphore, #tpu.memory_space<semaphore_mem>>) src(%arg3 : memref<632x128xf32, #tpu.memory_space<hbm>>) dst(%dma_wait3A_66 : memref<632x128xf32, #tpu.memory_space<vmem_shared>>)
        tpu.yield
      }) : () -> ()
    } else {
    }
    "tpu.region"() ({
      %run_scoped3A = tpu.sem_alloc : memref<!tpu.dma_semaphore, #tpu.memory_space<semaphore_mem>>
      %dma_start3A_60 = arith.constant 0 : i32
      %dma_start3A_61 = arith.constant 0 : i32
      %dma_start3A_62 = tpu.memref_slice %arg4[%arg1, %dma_start3A_60, %dma_start3A_61] : memref<16x656x32xi32, #tpu.memory_space<hbm>> -> memref<1x4x32xi32, #tpu.memory_space<hbm>>
      %dma_start3A_63 = tpu.memref_squeeze %dma_start3A_62 : memref<1x4x32xi32, #tpu.memory_space<hbm>> -> memref<4x32xi32, #tpu.memory_space<hbm>>
      %dma_start3A_64 = arith.constant 0 : i32
      %dma_start3A_65 = arith.constant 0 : i32
      %dma_start3A_66 = tpu.memref_slice %arg4[%arg1, %dma_start3A_64, %dma_start3A_65] : memref<16x656x32xi32, #tpu.memory_space<hbm>> -> memref<1x4x32xi32, #tpu.memory_space<hbm>>
      %dma_start3A_67 = tpu.memref_squeeze %dma_start3A_66 : memref<1x4x32xi32, #tpu.memory_space<hbm>> -> memref<4x32xi32, #tpu.memory_space<hbm>>
      tpu.enqueue_dma source(%dma_start3A_67 : memref<4x32xi32, #tpu.memory_space<hbm>>) target(%arg7 : memref<4x32xi32, #tpu.memory_space<vmem>>) target_semaphore(%run_scoped3A : memref<!tpu.dma_semaphore, #tpu.memory_space<semaphore_mem>>)
      %dma_wait3A_68 = arith.constant 0 : i32
      %dma_wait3A_69 = arith.constant 0 : i32
      %dma_wait3A_70 = tpu.memref_slice %arg4[%arg1, %dma_wait3A_68, %dma_wait3A_69] : memref<16x656x32xi32, #tpu.memory_space<hbm>> -> memref<1x4x32xi32, #tpu.memory_space<hbm>>
      %dma_wait3A_71 = tpu.memref_squeeze %dma_wait3A_70 : memref<1x4x32xi32, #tpu.memory_space<hbm>> -> memref<4x32xi32, #tpu.memory_space<hbm>>
      %dma_wait3A_72 = arith.constant 0 : i32
      %dma_wait3A_73 = arith.constant 0 : i32
      %dma_wait3A_74 = tpu.memref_slice %arg4[%arg1, %dma_wait3A_72, %dma_wait3A_73] : memref<16x656x32xi32, #tpu.memory_space<hbm>> -> memref<1x4x32xi32, #tpu.memory_space<hbm>>
      %dma_wait3A_75 = tpu.memref_squeeze %dma_wait3A_74 : memref<1x4x32xi32, #tpu.memory_space<hbm>> -> memref<4x32xi32, #tpu.memory_space<hbm>>
      tpu.wait_dma2 semaphore(%run_scoped3A : memref<!tpu.dma_semaphore, #tpu.memory_space<semaphore_mem>>) src(%dma_wait3A_75 : memref<4x32xi32, #tpu.memory_space<hbm>>) dst(%arg7 : memref<4x32xi32, #tpu.memory_space<vmem>>)
      tpu.yield
    }) : () -> ()
    "tpu.region"() ({
      %run_scoped3A = tpu.sem_alloc : memref<!tpu.dma_semaphore, #tpu.memory_space<semaphore_mem>>
      %dma_start3A_60 = arith.constant 0 : i32
      %dma_start3A_61 = arith.constant 0 : i32
      %dma_start3A_62 = tpu.memref_slice %arg5[%arg0, %arg1, %dma_start3A_60, %dma_start3A_61] : memref<2x16x656x32xi32, #tpu.memory_space<hbm>> -> memref<1x1x4x32xi32, #tpu.memory_space<hbm>>
      %dma_start3A_63 = tpu.memref_squeeze %dma_start3A_62 : memref<1x1x4x32xi32, #tpu.memory_space<hbm>> -> memref<4x32xi32, #tpu.memory_space<hbm>>
      %dma_start3A_64 = arith.constant 0 : i32
      %dma_start3A_65 = arith.constant 0 : i32
      %dma_start3A_66 = tpu.memref_slice %arg5[%arg0, %arg1, %dma_start3A_64, %dma_start3A_65] : memref<2x16x656x32xi32, #tpu.memory_space<hbm>> -> memref<1x1x4x32xi32, #tpu.memory_space<hbm>>
      %dma_start3A_67 = tpu.memref_squeeze %dma_start3A_66 : memref<1x1x4x32xi32, #tpu.memory_space<hbm>> -> memref<4x32xi32, #tpu.memory_space<hbm>>
      tpu.enqueue_dma source(%dma_start3A_67 : memref<4x32xi32, #tpu.memory_space<hbm>>) target(%arg9 : memref<4x32xi32, #tpu.memory_space<vmem>>) target_semaphore(%run_scoped3A : memref<!tpu.dma_semaphore, #tpu.memory_space<semaphore_mem>>)
      %dma_wait3A_68 = arith.constant 0 : i32
      %dma_wait3A_69 = arith.constant 0 : i32
      %dma_wait3A_70 = tpu.memref_slice %arg5[%arg0, %arg1, %dma_wait3A_68, %dma_wait3A_69] : memref<2x16x656x32xi32, #tpu.memory_space<hbm>> -> memref<1x1x4x32xi32, #tpu.memory_space<hbm>>
      %dma_wait3A_71 = tpu.memref_squeeze %dma_wait3A_70 : memref<1x1x4x32xi32, #tpu.memory_space<hbm>> -> memref<4x32xi32, #tpu.memory_space<hbm>>
      %dma_wait3A_72 = arith.constant 0 : i32
      %dma_wait3A_73 = arith.constant 0 : i32
      %dma_wait3A_74 = tpu.memref_slice %arg5[%arg0, %arg1, %dma_wait3A_72, %dma_wait3A_73] : memref<2x16x656x32xi32, #tpu.memory_space<hbm>> -> memref<1x1x4x32xi32, #tpu.memory_space<hbm>>
      %dma_wait3A_75 = tpu.memref_squeeze %dma_wait3A_74 : memref<1x1x4x32xi32, #tpu.memory_space<hbm>> -> memref<4x32xi32, #tpu.memory_space<hbm>>
      tpu.wait_dma2 semaphore(%run_scoped3A : memref<!tpu.dma_semaphore, #tpu.memory_space<semaphore_mem>>) src(%dma_wait3A_75 : memref<4x32xi32, #tpu.memory_space<hbm>>) dst(%arg9 : memref<4x32xi32, #tpu.memory_space<vmem>>)
      tpu.yield
    }) : () -> ()
    %dma_start3A = arith.constant 4 : i32
    %dma_start3A_5 = arith.constant 0 : i32
    %dma_start3A_6 = tpu.memref_slice %arg4[%arg1, %dma_start3A, %dma_start3A_5] : memref<16x656x32xi32, #tpu.memory_space<hbm>> -> memref<1x4x32xi32, #tpu.memory_space<hbm>>
    %dma_start3A_7 = tpu.memref_squeeze %dma_start3A_6 : memref<1x4x32xi32, #tpu.memory_space<hbm>> -> memref<4x32xi32, #tpu.memory_space<hbm>>
    %dma_start3A_8 = arith.constant 4 : i32
    %dma_start3A_9 = arith.constant 0 : i32
    %dma_start3A_10 = tpu.memref_slice %arg4[%arg1, %dma_start3A_8, %dma_start3A_9] : memref<16x656x32xi32, #tpu.memory_space<hbm>> -> memref<1x4x32xi32, #tpu.memory_space<hbm>>
    %dma_start3A_11 = tpu.memref_squeeze %dma_start3A_10 : memref<1x4x32xi32, #tpu.memory_space<hbm>> -> memref<4x32xi32, #tpu.memory_space<hbm>>
    tpu.enqueue_dma source(%dma_start3A_11 : memref<4x32xi32, #tpu.memory_space<hbm>>) target(%arg8 : memref<4x32xi32, #tpu.memory_space<vmem>>) target_semaphore(%arg17 : memref<!tpu.dma_semaphore, #tpu.memory_space<semaphore_mem>>)
    %dma_start3A_12 = arith.constant 4 : i32
    %dma_start3A_13 = arith.constant 0 : i32
    %dma_start3A_14 = tpu.memref_slice %arg5[%arg0, %arg1, %dma_start3A_12, %dma_start3A_13] : memref<2x16x656x32xi32, #tpu.memory_space<hbm>> -> memref<1x1x4x32xi32, #tpu.memory_space<hbm>>
    %dma_start3A_15 = tpu.memref_squeeze %dma_start3A_14 : memref<1x1x4x32xi32, #tpu.memory_space<hbm>> -> memref<4x32xi32, #tpu.memory_space<hbm>>
    %dma_start3A_16 = arith.constant 4 : i32
    %dma_start3A_17 = arith.constant 0 : i32
    %dma_start3A_18 = tpu.memref_slice %arg5[%arg0, %arg1, %dma_start3A_16, %dma_start3A_17] : memref<2x16x656x32xi32, #tpu.memory_space<hbm>> -> memref<1x1x4x32xi32, #tpu.memory_space<hbm>>
    %dma_start3A_19 = tpu.memref_squeeze %dma_start3A_18 : memref<1x1x4x32xi32, #tpu.memory_space<hbm>> -> memref<4x32xi32, #tpu.memory_space<hbm>>
    tpu.enqueue_dma source(%dma_start3A_19 : memref<4x32xi32, #tpu.memory_space<hbm>>) target(%arg10 : memref<4x32xi32, #tpu.memory_space<vmem>>) target_semaphore(%arg18 : memref<!tpu.dma_semaphore, #tpu.memory_space<semaphore_mem>>)
    %barrier3A = arith.constant 0 : index
    tpu.barrier barrier_id(%barrier3A)
    %dma_start3A_20 = arith.constant 0 : i32
    %dma_start3A_21 = arith.constant 0 : i32
    %dma_start3A_22 = tpu.memref_slice %arg7[%dma_start3A_20, %dma_start3A_21] : memref<4x32xi32, #tpu.memory_space<vmem>> -> memref<1x32xi32, #tpu.memory_space<vmem>>
    %dma_start3A_23 = tpu.memref_squeeze %dma_start3A_22 : memref<1x32xi32, #tpu.memory_space<vmem>> -> memref<32xi32, #tpu.memory_space<vmem>>
    %dma_start3A_24 = arith.constant 0 : i32
    %dma_start3A_25 = arith.constant 0 : i32
    %dma_start3A_26 = tpu.memref_slice %arg13[%dma_start3A_24, %dma_start3A_25] : memref<10000x128xf32, #tpu.memory_space<vmem_shared>> -> memref<10000x128xf32, #tpu.memory_space<vmem_shared>>
    tpu.enqueue_indirect_dma source(%dma_start3A_26 : memref<10000x128xf32, #tpu.memory_space<vmem_shared>>) target(%arg11 : memref<32x128xf32, #tpu.memory_space<vmem>>) offsets(%dma_start3A_23 : memref<32xi32, #tpu.memory_space<vmem>>) semaphore(%arg15 : memref<!tpu.dma_semaphore, #tpu.memory_space<semaphore_mem>>)
    %scan3A = arith.constant 0 : i32
    %scan3A_27 = arith.constant 0 : i32
    %scan3A_28 = arith.constant 80 : i32
    %scan3A_29 = arith.addi %scan3A_27, %scan3A_28 : i32
    %scan3A_30 = arith.constant 1 : i32
    %scan3A_31 = scf.for %scan3A_60 = %scan3A_27 to %scan3A_29 step %scan3A_30 iter_args(%scan3A_61 = %scan3A) -> (i32)  : i32 {
      %mul3A_62 = arith.constant 8 : i32
      %mul3A_63 = arith.muli %mul3A_62, %scan3A_60 : i32
      %dma_start3A_64 = arith.constant 1 : i32
      %dma_start3A_65 = arith.constant 0 : i32
      %dma_start3A_66 = tpu.memref_slice %arg7[%dma_start3A_64, %dma_start3A_65] : memref<4x32xi32, #tpu.memory_space<vmem>> -> memref<1x32xi32, #tpu.memory_space<vmem>>
      %dma_start3A_67 = tpu.memref_squeeze %dma_start3A_66 : memref<1x32xi32, #tpu.memory_space<vmem>> -> memref<32xi32, #tpu.memory_space<vmem>>
      %dma_start3A_68 = arith.constant 0 : i32
      %dma_start3A_69 = arith.constant 0 : i32
      %dma_start3A_70 = tpu.memref_slice %arg13[%dma_start3A_68, %dma_start3A_69] : memref<10000x128xf32, #tpu.memory_space<vmem_shared>> -> memref<10000x128xf32, #tpu.memory_space<vmem_shared>>
      tpu.enqueue_indirect_dma source(%dma_start3A_70 : memref<10000x128xf32, #tpu.memory_space<vmem_shared>>) target(%arg12 : memref<32x128xf32, #tpu.memory_space<vmem>>) offsets(%dma_start3A_67 : memref<32xi32, #tpu.memory_space<vmem>>) semaphore(%arg16 : memref<!tpu.dma_semaphore, #tpu.memory_space<semaphore_mem>>)
      %dma_wait3A_71 = arith.constant 0 : i32
      %dma_wait3A_72 = arith.constant 0 : i32
      %dma_wait3A_73 = tpu.memref_slice %arg7[%dma_wait3A_71, %dma_wait3A_72] : memref<4x32xi32, #tpu.memory_space<vmem>> -> memref<1x32xi32, #tpu.memory_space<vmem>>
      %dma_wait3A_74 = tpu.memref_squeeze %dma_wait3A_73 : memref<1x32xi32, #tpu.memory_space<vmem>> -> memref<32xi32, #tpu.memory_space<vmem>>
      %dma_wait3A_75 = arith.constant 0 : i32
      %dma_wait3A_76 = arith.constant 0 : i32
      %dma_wait3A_77 = tpu.memref_slice %arg13[%dma_wait3A_75, %dma_wait3A_76] : memref<10000x128xf32, #tpu.memory_space<vmem_shared>> -> memref<10000x128xf32, #tpu.memory_space<vmem_shared>>
      tpu.wait_indirect_dma semaphore(%arg15 : memref<!tpu.dma_semaphore, #tpu.memory_space<semaphore_mem>>) src(%dma_wait3A_77 : memref<10000x128xf32, #tpu.memory_space<vmem_shared>>) dst(%arg11 : memref<32x128xf32, #tpu.memory_space<vmem>>)
      %run_scoped3A = arith.constant 0 : i32
      "tpu.region"() ({
        %run_scoped3A_248 = tpu.sem_alloc : memref<!tpu.dma_semaphore, #tpu.memory_space<semaphore_mem>>
        %dma_start3A_249 = arith.constant 0 : i32
        %dma_start3A_250 = tpu.memref_slice %arg9[%run_scoped3A, %dma_start3A_249] : memref<4x32xi32, #tpu.memory_space<vmem>> -> memref<1x32xi32, #tpu.memory_space<vmem>>
        %dma_start3A_251 = tpu.memref_squeeze %dma_start3A_250 : memref<1x32xi32, #tpu.memory_space<vmem>> -> memref<32xi32, #tpu.memory_space<vmem>>
        %dma_start3A_252 = arith.constant 0 : i32
        %dma_start3A_253 = arith.constant 0 : i32
        %dma_start3A_254 = tpu.memref_slice %arg14[%dma_start3A_252, %dma_start3A_253] : memref<5056x128xf32, #tpu.memory_space<vmem_shared>> -> memref<5056x128xf32, #tpu.memory_space<vmem_shared>>
        tpu.enqueue_indirect_dma source(%arg11 : memref<32x128xf32, #tpu.memory_space<vmem>>) target(%dma_start3A_254 : memref<5056x128xf32, #tpu.memory_space<vmem_shared>>) offsets(%dma_start3A_251 : memref<32xi32, #tpu.memory_space<vmem>>) semaphore(%run_scoped3A_248 : memref<!tpu.dma_semaphore, #tpu.memory_space<semaphore_mem>>) {add = true}
        %dma_wait3A_255 = arith.constant 0 : i32
        %dma_wait3A_256 = tpu.memref_slice %arg9[%run_scoped3A, %dma_wait3A_255] : memref<4x32xi32, #tpu.memory_space<vmem>> -> memref<1x32xi32, #tpu.memory_space<vmem>>
        %dma_wait3A_257 = tpu.memref_squeeze %dma_wait3A_256 : memref<1x32xi32, #tpu.memory_space<vmem>> -> memref<32xi32, #tpu.memory_space<vmem>>
        %dma_wait3A_258 = arith.constant 0 : i32
        %dma_wait3A_259 = arith.constant 0 : i32
        %dma_wait3A_260 = tpu.memref_slice %arg14[%dma_wait3A_258, %dma_wait3A_259] : memref<5056x128xf32, #tpu.memory_space<vmem_shared>> -> memref<5056x128xf32, #tpu.memory_space<vmem_shared>>
        tpu.wait_indirect_dma semaphore(%run_scoped3A_248 : memref<!tpu.dma_semaphore, #tpu.memory_space<semaphore_mem>>) src(%arg11 : memref<32x128xf32, #tpu.memory_space<vmem>>) dst(%dma_wait3A_260 : memref<5056x128xf32, #tpu.memory_space<vmem_shared>>)
        tpu.yield
      }) : () -> ()
      %dma_start3A_78 = arith.constant 2 : i32
      %dma_start3A_79 = arith.constant 0 : i32
      %dma_start3A_80 = tpu.memref_slice %arg7[%dma_start3A_78, %dma_start3A_79] : memref<4x32xi32, #tpu.memory_space<vmem>> -> memref<1x32xi32, #tpu.memory_space<vmem>>
      %dma_start3A_81 = tpu.memref_squeeze %dma_start3A_80 : memref<1x32xi32, #tpu.memory_space<vmem>> -> memref<32xi32, #tpu.memory_space<vmem>>
      %dma_start3A_82 = arith.constant 0 : i32
      %dma_start3A_83 = arith.constant 0 : i32
      %dma_start3A_84 = tpu.memref_slice %arg13[%dma_start3A_82, %dma_start3A_83] : memref<10000x128xf32, #tpu.memory_space<vmem_shared>> -> memref<10000x128xf32, #tpu.memory_space<vmem_shared>>
      tpu.enqueue_indirect_dma source(%dma_start3A_84 : memref<10000x128xf32, #tpu.memory_space<vmem_shared>>) target(%arg11 : memref<32x128xf32, #tpu.memory_space<vmem>>) offsets(%dma_start3A_81 : memref<32xi32, #tpu.memory_space<vmem>>) semaphore(%arg15 : memref<!tpu.dma_semaphore, #tpu.memory_space<semaphore_mem>>)
      %dma_wait3A_85 = arith.constant 1 : i32
      %dma_wait3A_86 = arith.constant 0 : i32
      %dma_wait3A_87 = tpu.memref_slice %arg7[%dma_wait3A_85, %dma_wait3A_86] : memref<4x32xi32, #tpu.memory_space<vmem>> -> memref<1x32xi32, #tpu.memory_space<vmem>>
      %dma_wait3A_88 = tpu.memref_squeeze %dma_wait3A_87 : memref<1x32xi32, #tpu.memory_space<vmem>> -> memref<32xi32, #tpu.memory_space<vmem>>
      %dma_wait3A_89 = arith.constant 0 : i32
      %dma_wait3A_90 = arith.constant 0 : i32
      %dma_wait3A_91 = tpu.memref_slice %arg13[%dma_wait3A_89, %dma_wait3A_90] : memref<10000x128xf32, #tpu.memory_space<vmem_shared>> -> memref<10000x128xf32, #tpu.memory_space<vmem_shared>>
      tpu.wait_indirect_dma semaphore(%arg16 : memref<!tpu.dma_semaphore, #tpu.memory_space<semaphore_mem>>) src(%dma_wait3A_91 : memref<10000x128xf32, #tpu.memory_space<vmem_shared>>) dst(%arg12 : memref<32x128xf32, #tpu.memory_space<vmem>>)
      %run_scoped3A_92 = arith.constant 1 : i32
      "tpu.region"() ({
        %run_scoped3A_248 = tpu.sem_alloc : memref<!tpu.dma_semaphore, #tpu.memory_space<semaphore_mem>>
        %dma_start3A_249 = arith.constant 0 : i32
        %dma_start3A_250 = tpu.memref_slice %arg9[%run_scoped3A_92, %dma_start3A_249] : memref<4x32xi32, #tpu.memory_space<vmem>> -> memref<1x32xi32, #tpu.memory_space<vmem>>
        %dma_start3A_251 = tpu.memref_squeeze %dma_start3A_250 : memref<1x32xi32, #tpu.memory_space<vmem>> -> memref<32xi32, #tpu.memory_space<vmem>>
        %dma_start3A_252 = arith.constant 0 : i32
        %dma_start3A_253 = arith.constant 0 : i32
        %dma_start3A_254 = tpu.memref_slice %arg14[%dma_start3A_252, %dma_start3A_253] : memref<5056x128xf32, #tpu.memory_space<vmem_shared>> -> memref<5056x128xf32, #tpu.memory_space<vmem_shared>>
        tpu.enqueue_indirect_dma source(%arg12 : memref<32x128xf32, #tpu.memory_space<vmem>>) target(%dma_start3A_254 : memref<5056x128xf32, #tpu.memory_space<vmem_shared>>) offsets(%dma_start3A_251 : memref<32xi32, #tpu.memory_space<vmem>>) semaphore(%run_scoped3A_248 : memref<!tpu.dma_semaphore, #tpu.memory_space<semaphore_mem>>) {add = true}
        %dma_wait3A_255 = arith.constant 0 : i32
        %dma_wait3A_256 = tpu.memref_slice %arg9[%run_scoped3A_92, %dma_wait3A_255] : memref<4x32xi32, #tpu.memory_space<vmem>> -> memref<1x32xi32, #tpu.memory_space<vmem>>
        %dma_wait3A_257 = tpu.memref_squeeze %dma_wait3A_256 : memref<1x32xi32, #tpu.memory_space<vmem>> -> memref<32xi32, #tpu.memory_space<vmem>>
        %dma_wait3A_258 = arith.constant 0 : i32
        %dma_wait3A_259 = arith.constant 0 : i32
        %dma_wait3A_260 = tpu.memref_slice %arg14[%dma_wait3A_258, %dma_wait3A_259] : memref<5056x128xf32, #tpu.memory_space<vmem_shared>> -> memref<5056x128xf32, #tpu.memory_space<vmem_shared>>
        tpu.wait_indirect_dma semaphore(%run_scoped3A_248 : memref<!tpu.dma_semaphore, #tpu.memory_space<semaphore_mem>>) src(%arg12 : memref<32x128xf32, #tpu.memory_space<vmem>>) dst(%dma_wait3A_260 : memref<5056x128xf32, #tpu.memory_space<vmem_shared>>)
        tpu.yield
      }) : () -> ()
      %dma_start3A_93 = arith.constant 3 : i32
      %dma_start3A_94 = arith.constant 0 : i32
      %dma_start3A_95 = tpu.memref_slice %arg7[%dma_start3A_93, %dma_start3A_94] : memref<4x32xi32, #tpu.memory_space<vmem>> -> memref<1x32xi32, #tpu.memory_space<vmem>>
      %dma_start3A_96 = tpu.memref_squeeze %dma_start3A_95 : memref<1x32xi32, #tpu.memory_space<vmem>> -> memref<32xi32, #tpu.memory_space<vmem>>
      %dma_start3A_97 = arith.constant 0 : i32
      %dma_start3A_98 = arith.constant 0 : i32
      %dma_start3A_99 = tpu.memref_slice %arg13[%dma_start3A_97, %dma_start3A_98] : memref<10000x128xf32, #tpu.memory_space<vmem_shared>> -> memref<10000x128xf32, #tpu.memory_space<vmem_shared>>
      tpu.enqueue_indirect_dma source(%dma_start3A_99 : memref<10000x128xf32, #tpu.memory_space<vmem_shared>>) target(%arg12 : memref<32x128xf32, #tpu.memory_space<vmem>>) offsets(%dma_start3A_96 : memref<32xi32, #tpu.memory_space<vmem>>) semaphore(%arg16 : memref<!tpu.dma_semaphore, #tpu.memory_space<semaphore_mem>>)
      %dma_wait3A_100 = arith.constant 2 : i32
      %dma_wait3A_101 = arith.constant 0 : i32
      %dma_wait3A_102 = tpu.memref_slice %arg7[%dma_wait3A_100, %dma_wait3A_101] : memref<4x32xi32, #tpu.memory_space<vmem>> -> memref<1x32xi32, #tpu.memory_space<vmem>>
      %dma_wait3A_103 = tpu.memref_squeeze %dma_wait3A_102 : memref<1x32xi32, #tpu.memory_space<vmem>> -> memref<32xi32, #tpu.memory_space<vmem>>
      %dma_wait3A_104 = arith.constant 0 : i32
      %dma_wait3A_105 = arith.constant 0 : i32
      %dma_wait3A_106 = tpu.memref_slice %arg13[%dma_wait3A_104, %dma_wait3A_105] : memref<10000x128xf32, #tpu.memory_space<vmem_shared>> -> memref<10000x128xf32, #tpu.memory_space<vmem_shared>>
      tpu.wait_indirect_dma semaphore(%arg15 : memref<!tpu.dma_semaphore, #tpu.memory_space<semaphore_mem>>) src(%dma_wait3A_106 : memref<10000x128xf32, #tpu.memory_space<vmem_shared>>) dst(%arg11 : memref<32x128xf32, #tpu.memory_space<vmem>>)
      %run_scoped3A_107 = arith.constant 2 : i32
      "tpu.region"() ({
        %run_scoped3A_248 = tpu.sem_alloc : memref<!tpu.dma_semaphore, #tpu.memory_space<semaphore_mem>>
        %dma_start3A_249 = arith.constant 0 : i32
        %dma_start3A_250 = tpu.memref_slice %arg9[%run_scoped3A_107, %dma_start3A_249] : memref<4x32xi32, #tpu.memory_space<vmem>> -> memref<1x32xi32, #tpu.memory_space<vmem>>
        %dma_start3A_251 = tpu.memref_squeeze %dma_start3A_250 : memref<1x32xi32, #tpu.memory_space<vmem>> -> memref<32xi32, #tpu.memory_space<vmem>>
        %dma_start3A_252 = arith.constant 0 : i32
        %dma_start3A_253 = arith.constant 0 : i32
        %dma_start3A_254 = tpu.memref_slice %arg14[%dma_start3A_252, %dma_start3A_253] : memref<5056x128xf32, #tpu.memory_space<vmem_shared>> -> memref<5056x128xf32, #tpu.memory_space<vmem_shared>>
        tpu.enqueue_indirect_dma source(%arg11 : memref<32x128xf32, #tpu.memory_space<vmem>>) target(%dma_start3A_254 : memref<5056x128xf32, #tpu.memory_space<vmem_shared>>) offsets(%dma_start3A_251 : memref<32xi32, #tpu.memory_space<vmem>>) semaphore(%run_scoped3A_248 : memref<!tpu.dma_semaphore, #tpu.memory_space<semaphore_mem>>) {add = true}
        %dma_wait3A_255 = arith.constant 0 : i32
        %dma_wait3A_256 = tpu.memref_slice %arg9[%run_scoped3A_107, %dma_wait3A_255] : memref<4x32xi32, #tpu.memory_space<vmem>> -> memref<1x32xi32, #tpu.memory_space<vmem>>
        %dma_wait3A_257 = tpu.memref_squeeze %dma_wait3A_256 : memref<1x32xi32, #tpu.memory_space<vmem>> -> memref<32xi32, #tpu.memory_space<vmem>>
        %dma_wait3A_258 = arith.constant 0 : i32
        %dma_wait3A_259 = arith.constant 0 : i32
        %dma_wait3A_260 = tpu.memref_slice %arg14[%dma_wait3A_258, %dma_wait3A_259] : memref<5056x128xf32, #tpu.memory_space<vmem_shared>> -> memref<5056x128xf32, #tpu.memory_space<vmem_shared>>
        tpu.wait_indirect_dma semaphore(%run_scoped3A_248 : memref<!tpu.dma_semaphore, #tpu.memory_space<semaphore_mem>>) src(%arg11 : memref<32x128xf32, #tpu.memory_space<vmem>>) dst(%dma_wait3A_260 : memref<5056x128xf32, #tpu.memory_space<vmem_shared>>)
        tpu.yield
      }) : () -> ()
      %dma_wait3A_108 = arith.constant 4 : i32
      %dma_wait3A_109 = arith.constant 0 : i32
      %dma_wait3A_110 = tpu.memref_slice %arg4[%arg1, %dma_wait3A_108, %dma_wait3A_109] : memref<16x656x32xi32, #tpu.memory_space<hbm>> -> memref<1x4x32xi32, #tpu.memory_space<hbm>>
      %dma_wait3A_111 = tpu.memref_squeeze %dma_wait3A_110 : memref<1x4x32xi32, #tpu.memory_space<hbm>> -> memref<4x32xi32, #tpu.memory_space<hbm>>
      %dma_wait3A_112 = arith.constant 4 : i32
      %dma_wait3A_113 = arith.constant 0 : i32
      %dma_wait3A_114 = tpu.memref_slice %arg4[%arg1, %dma_wait3A_112, %dma_wait3A_113] : memref<16x656x32xi32, #tpu.memory_space<hbm>> -> memref<1x4x32xi32, #tpu.memory_space<hbm>>
      %dma_wait3A_115 = tpu.memref_squeeze %dma_wait3A_114 : memref<1x4x32xi32, #tpu.memory_space<hbm>> -> memref<4x32xi32, #tpu.memory_space<hbm>>
      tpu.wait_dma2 semaphore(%arg17 : memref<!tpu.dma_semaphore, #tpu.memory_space<semaphore_mem>>) src(%dma_wait3A_115 : memref<4x32xi32, #tpu.memory_space<hbm>>) dst(%arg8 : memref<4x32xi32, #tpu.memory_space<vmem>>)
      %dma_start3A_116 = arith.constant 0 : i32
      %dma_start3A_117 = arith.constant 0 : i32
      %dma_start3A_118 = tpu.memref_slice %arg8[%dma_start3A_116, %dma_start3A_117] : memref<4x32xi32, #tpu.memory_space<vmem>> -> memref<1x32xi32, #tpu.memory_space<vmem>>
      %dma_start3A_119 = tpu.memref_squeeze %dma_start3A_118 : memref<1x32xi32, #tpu.memory_space<vmem>> -> memref<32xi32, #tpu.memory_space<vmem>>
      %dma_start3A_120 = arith.constant 0 : i32
      %dma_start3A_121 = arith.constant 0 : i32
      %dma_start3A_122 = tpu.memref_slice %arg13[%dma_start3A_120, %dma_start3A_121] : memref<10000x128xf32, #tpu.memory_space<vmem_shared>> -> memref<10000x128xf32, #tpu.memory_space<vmem_shared>>
      tpu.enqueue_indirect_dma source(%dma_start3A_122 : memref<10000x128xf32, #tpu.memory_space<vmem_shared>>) target(%arg11 : memref<32x128xf32, #tpu.memory_space<vmem>>) offsets(%dma_start3A_119 : memref<32xi32, #tpu.memory_space<vmem>>) semaphore(%arg15 : memref<!tpu.dma_semaphore, #tpu.memory_space<semaphore_mem>>)
      %dma_wait3A_123 = arith.constant 3 : i32
      %dma_wait3A_124 = arith.constant 0 : i32
      %dma_wait3A_125 = tpu.memref_slice %arg7[%dma_wait3A_123, %dma_wait3A_124] : memref<4x32xi32, #tpu.memory_space<vmem>> -> memref<1x32xi32, #tpu.memory_space<vmem>>
      %dma_wait3A_126 = tpu.memref_squeeze %dma_wait3A_125 : memref<1x32xi32, #tpu.memory_space<vmem>> -> memref<32xi32, #tpu.memory_space<vmem>>
      %dma_wait3A_127 = arith.constant 0 : i32
      %dma_wait3A_128 = arith.constant 0 : i32
      %dma_wait3A_129 = tpu.memref_slice %arg13[%dma_wait3A_127, %dma_wait3A_128] : memref<10000x128xf32, #tpu.memory_space<vmem_shared>> -> memref<10000x128xf32, #tpu.memory_space<vmem_shared>>
      tpu.wait_indirect_dma semaphore(%arg16 : memref<!tpu.dma_semaphore, #tpu.memory_space<semaphore_mem>>) src(%dma_wait3A_129 : memref<10000x128xf32, #tpu.memory_space<vmem_shared>>) dst(%arg12 : memref<32x128xf32, #tpu.memory_space<vmem>>)
      %add3A_130 = arith.constant 8 : i32
      %add3A_131 = arith.addi %mul3A_63, %add3A_130 : i32
      %dma_start3A_132 = arith.constant 0 : i32
      %dma_start3A_133 = tpu.memref_slice %arg4[%arg1, %add3A_131, %dma_start3A_132] : memref<16x656x32xi32, #tpu.memory_space<hbm>> -> memref<1x4x32xi32, #tpu.memory_space<hbm>>
      %dma_start3A_134 = tpu.memref_squeeze %dma_start3A_133 : memref<1x4x32xi32, #tpu.memory_space<hbm>> -> memref<4x32xi32, #tpu.memory_space<hbm>>
      %dma_start3A_135 = arith.constant 0 : i32
      %dma_start3A_136 = tpu.memref_slice %arg4[%arg1, %add3A_131, %dma_start3A_135] : memref<16x656x32xi32, #tpu.memory_space<hbm>> -> memref<1x4x32xi32, #tpu.memory_space<hbm>>
      %dma_start3A_137 = tpu.memref_squeeze %dma_start3A_136 : memref<1x4x32xi32, #tpu.memory_space<hbm>> -> memref<4x32xi32, #tpu.memory_space<hbm>>
      tpu.enqueue_dma source(%dma_start3A_137 : memref<4x32xi32, #tpu.memory_space<hbm>>) target(%arg7 : memref<4x32xi32, #tpu.memory_space<vmem>>) target_semaphore(%arg17 : memref<!tpu.dma_semaphore, #tpu.memory_space<semaphore_mem>>)
      %dma_wait3A_138 = arith.constant 4 : i32
      %dma_wait3A_139 = arith.constant 0 : i32
      %dma_wait3A_140 = tpu.memref_slice %arg5[%arg0, %arg1, %dma_wait3A_138, %dma_wait3A_139] : memref<2x16x656x32xi32, #tpu.memory_space<hbm>> -> memref<1x1x4x32xi32, #tpu.memory_space<hbm>>
      %dma_wait3A_141 = tpu.memref_squeeze %dma_wait3A_140 : memref<1x1x4x32xi32, #tpu.memory_space<hbm>> -> memref<4x32xi32, #tpu.memory_space<hbm>>
      %dma_wait3A_142 = arith.constant 4 : i32
      %dma_wait3A_143 = arith.constant 0 : i32
      %dma_wait3A_144 = tpu.memref_slice %arg5[%arg0, %arg1, %dma_wait3A_142, %dma_wait3A_143] : memref<2x16x656x32xi32, #tpu.memory_space<hbm>> -> memref<1x1x4x32xi32, #tpu.memory_space<hbm>>
      %dma_wait3A_145 = tpu.memref_squeeze %dma_wait3A_144 : memref<1x1x4x32xi32, #tpu.memory_space<hbm>> -> memref<4x32xi32, #tpu.memory_space<hbm>>
      tpu.wait_dma2 semaphore(%arg18 : memref<!tpu.dma_semaphore, #tpu.memory_space<semaphore_mem>>) src(%dma_wait3A_145 : memref<4x32xi32, #tpu.memory_space<hbm>>) dst(%arg10 : memref<4x32xi32, #tpu.memory_space<vmem>>)
      %run_scoped3A_146 = arith.constant 3 : i32
      "tpu.region"() ({
        %run_scoped3A_248 = tpu.sem_alloc : memref<!tpu.dma_semaphore, #tpu.memory_space<semaphore_mem>>
        %dma_start3A_249 = arith.constant 0 : i32
        %dma_start3A_250 = tpu.memref_slice %arg9[%run_scoped3A_146, %dma_start3A_249] : memref<4x32xi32, #tpu.memory_space<vmem>> -> memref<1x32xi32, #tpu.memory_space<vmem>>
        %dma_start3A_251 = tpu.memref_squeeze %dma_start3A_250 : memref<1x32xi32, #tpu.memory_space<vmem>> -> memref<32xi32, #tpu.memory_space<vmem>>
        %dma_start3A_252 = arith.constant 0 : i32
        %dma_start3A_253 = arith.constant 0 : i32
        %dma_start3A_254 = tpu.memref_slice %arg14[%dma_start3A_252, %dma_start3A_253] : memref<5056x128xf32, #tpu.memory_space<vmem_shared>> -> memref<5056x128xf32, #tpu.memory_space<vmem_shared>>
        tpu.enqueue_indirect_dma source(%arg12 : memref<32x128xf32, #tpu.memory_space<vmem>>) target(%dma_start3A_254 : memref<5056x128xf32, #tpu.memory_space<vmem_shared>>) offsets(%dma_start3A_251 : memref<32xi32, #tpu.memory_space<vmem>>) semaphore(%run_scoped3A_248 : memref<!tpu.dma_semaphore, #tpu.memory_space<semaphore_mem>>) {add = true}
        %dma_wait3A_255 = arith.constant 0 : i32
        %dma_wait3A_256 = tpu.memref_slice %arg9[%run_scoped3A_146, %dma_wait3A_255] : memref<4x32xi32, #tpu.memory_space<vmem>> -> memref<1x32xi32, #tpu.memory_space<vmem>>
        %dma_wait3A_257 = tpu.memref_squeeze %dma_wait3A_256 : memref<1x32xi32, #tpu.memory_space<vmem>> -> memref<32xi32, #tpu.memory_space<vmem>>
        %dma_wait3A_258 = arith.constant 0 : i32
        %dma_wait3A_259 = arith.constant 0 : i32
        %dma_wait3A_260 = tpu.memref_slice %arg14[%dma_wait3A_258, %dma_wait3A_259] : memref<5056x128xf32, #tpu.memory_space<vmem_shared>> -> memref<5056x128xf32, #tpu.memory_space<vmem_shared>>
        tpu.wait_indirect_dma semaphore(%run_scoped3A_248 : memref<!tpu.dma_semaphore, #tpu.memory_space<semaphore_mem>>) src(%arg12 : memref<32x128xf32, #tpu.memory_space<vmem>>) dst(%dma_wait3A_260 : memref<5056x128xf32, #tpu.memory_space<vmem_shared>>)
        tpu.yield
      }) : () -> ()
      %add3A_147 = arith.constant 8 : i32
      %add3A_148 = arith.addi %mul3A_63, %add3A_147 : i32
      %dma_start3A_149 = arith.constant 0 : i32
      %dma_start3A_150 = tpu.memref_slice %arg5[%arg0, %arg1, %add3A_148, %dma_start3A_149] : memref<2x16x656x32xi32, #tpu.memory_space<hbm>> -> memref<1x1x4x32xi32, #tpu.memory_space<hbm>>
      %dma_start3A_151 = tpu.memref_squeeze %dma_start3A_150 : memref<1x1x4x32xi32, #tpu.memory_space<hbm>> -> memref<4x32xi32, #tpu.memory_space<hbm>>
      %dma_start3A_152 = arith.constant 0 : i32
      %dma_start3A_153 = tpu.memref_slice %arg5[%arg0, %arg1, %add3A_148, %dma_start3A_152] : memref<2x16x656x32xi32, #tpu.memory_space<hbm>> -> memref<1x1x4x32xi32, #tpu.memory_space<hbm>>
      %dma_start3A_154 = tpu.memref_squeeze %dma_start3A_153 : memref<1x1x4x32xi32, #tpu.memory_space<hbm>> -> memref<4x32xi32, #tpu.memory_space<hbm>>
      tpu.enqueue_dma source(%dma_start3A_154 : memref<4x32xi32, #tpu.memory_space<hbm>>) target(%arg9 : memref<4x32xi32, #tpu.memory_space<vmem>>) target_semaphore(%arg18 : memref<!tpu.dma_semaphore, #tpu.memory_space<semaphore_mem>>)
      %dma_start3A_155 = arith.constant 1 : i32
      %dma_start3A_156 = arith.constant 0 : i32
      %dma_start3A_157 = tpu.memref_slice %arg8[%dma_start3A_155, %dma_start3A_156] : memref<4x32xi32, #tpu.memory_space<vmem>> -> memref<1x32xi32, #tpu.memory_space<vmem>>
      %dma_start3A_158 = tpu.memref_squeeze %dma_start3A_157 : memref<1x32xi32, #tpu.memory_space<vmem>> -> memref<32xi32, #tpu.memory_space<vmem>>
      %dma_start3A_159 = arith.constant 0 : i32
      %dma_start3A_160 = arith.constant 0 : i32
      %dma_start3A_161 = tpu.memref_slice %arg13[%dma_start3A_159, %dma_start3A_160] : memref<10000x128xf32, #tpu.memory_space<vmem_shared>> -> memref<10000x128xf32, #tpu.memory_space<vmem_shared>>
      tpu.enqueue_indirect_dma source(%dma_start3A_161 : memref<10000x128xf32, #tpu.memory_space<vmem_shared>>) target(%arg12 : memref<32x128xf32, #tpu.memory_space<vmem>>) offsets(%dma_start3A_158 : memref<32xi32, #tpu.memory_space<vmem>>) semaphore(%arg16 : memref<!tpu.dma_semaphore, #tpu.memory_space<semaphore_mem>>)
      %dma_wait3A_162 = arith.constant 0 : i32
      %dma_wait3A_163 = arith.constant 0 : i32
      %dma_wait3A_164 = tpu.memref_slice %arg8[%dma_wait3A_162, %dma_wait3A_163] : memref<4x32xi32, #tpu.memory_space<vmem>> -> memref<1x32xi32, #tpu.memory_space<vmem>>
      %dma_wait3A_165 = tpu.memref_squeeze %dma_wait3A_164 : memref<1x32xi32, #tpu.memory_space<vmem>> -> memref<32xi32, #tpu.memory_space<vmem>>
      %dma_wait3A_166 = arith.constant 0 : i32
      %dma_wait3A_167 = arith.constant 0 : i32
      %dma_wait3A_168 = tpu.memref_slice %arg13[%dma_wait3A_166, %dma_wait3A_167] : memref<10000x128xf32, #tpu.memory_space<vmem_shared>> -> memref<10000x128xf32, #tpu.memory_space<vmem_shared>>
      tpu.wait_indirect_dma semaphore(%arg15 : memref<!tpu.dma_semaphore, #tpu.memory_space<semaphore_mem>>) src(%dma_wait3A_168 : memref<10000x128xf32, #tpu.memory_space<vmem_shared>>) dst(%arg11 : memref<32x128xf32, #tpu.memory_space<vmem>>)
      %run_scoped3A_169 = arith.constant 0 : i32
      "tpu.region"() ({
        %run_scoped3A_248 = tpu.sem_alloc : memref<!tpu.dma_semaphore, #tpu.memory_space<semaphore_mem>>
        %dma_start3A_249 = arith.constant 0 : i32
        %dma_start3A_250 = tpu.memref_slice %arg10[%run_scoped3A_169, %dma_start3A_249] : memref<4x32xi32, #tpu.memory_space<vmem>> -> memref<1x32xi32, #tpu.memory_space<vmem>>
        %dma_start3A_251 = tpu.memref_squeeze %dma_start3A_250 : memref<1x32xi32, #tpu.memory_space<vmem>> -> memref<32xi32, #tpu.memory_space<vmem>>
        %dma_start3A_252 = arith.constant 0 : i32
        %dma_start3A_253 = arith.constant 0 : i32
        %dma_start3A_254 = tpu.memref_slice %arg14[%dma_start3A_252, %dma_start3A_253] : memref<5056x128xf32, #tpu.memory_space<vmem_shared>> -> memref<5056x128xf32, #tpu.memory_space<vmem_shared>>
        tpu.enqueue_indirect_dma source(%arg11 : memref<32x128xf32, #tpu.memory_space<vmem>>) target(%dma_start3A_254 : memref<5056x128xf32, #tpu.memory_space<vmem_shared>>) offsets(%dma_start3A_251 : memref<32xi32, #tpu.memory_space<vmem>>) semaphore(%run_scoped3A_248 : memref<!tpu.dma_semaphore, #tpu.memory_space<semaphore_mem>>) {add = true}
        %dma_wait3A_255 = arith.constant 0 : i32
        %dma_wait3A_256 = tpu.memref_slice %arg10[%run_scoped3A_169, %dma_wait3A_255] : memref<4x32xi32, #tpu.memory_space<vmem>> -> memref<1x32xi32, #tpu.memory_space<vmem>>
        %dma_wait3A_257 = tpu.memref_squeeze %dma_wait3A_256 : memref<1x32xi32, #tpu.memory_space<vmem>> -> memref<32xi32, #tpu.memory_space<vmem>>
        %dma_wait3A_258 = arith.constant 0 : i32
        %dma_wait3A_259 = arith.constant 0 : i32
        %dma_wait3A_260 = tpu.memref_slice %arg14[%dma_wait3A_258, %dma_wait3A_259] : memref<5056x128xf32, #tpu.memory_space<vmem_shared>> -> memref<5056x128xf32, #tpu.memory_space<vmem_shared>>
        tpu.wait_indirect_dma semaphore(%run_scoped3A_248 : memref<!tpu.dma_semaphore, #tpu.memory_space<semaphore_mem>>) src(%arg11 : memref<32x128xf32, #tpu.memory_space<vmem>>) dst(%dma_wait3A_260 : memref<5056x128xf32, #tpu.memory_space<vmem_shared>>)
        tpu.yield
      }) : () -> ()
      %dma_start3A_170 = arith.constant 2 : i32
      %dma_start3A_171 = arith.constant 0 : i32
      %dma_start3A_172 = tpu.memref_slice %arg8[%dma_start3A_170, %dma_start3A_171] : memref<4x32xi32, #tpu.memory_space<vmem>> -> memref<1x32xi32, #tpu.memory_space<vmem>>
      %dma_start3A_173 = tpu.memref_squeeze %dma_start3A_172 : memref<1x32xi32, #tpu.memory_space<vmem>> -> memref<32xi32, #tpu.memory_space<vmem>>
      %dma_start3A_174 = arith.constant 0 : i32
      %dma_start3A_175 = arith.constant 0 : i32
      %dma_start3A_176 = tpu.memref_slice %arg13[%dma_start3A_174, %dma_start3A_175] : memref<10000x128xf32, #tpu.memory_space<vmem_shared>> -> memref<10000x128xf32, #tpu.memory_space<vmem_shared>>
      tpu.enqueue_indirect_dma source(%dma_start3A_176 : memref<10000x128xf32, #tpu.memory_space<vmem_shared>>) target(%arg11 : memref<32x128xf32, #tpu.memory_space<vmem>>) offsets(%dma_start3A_173 : memref<32xi32, #tpu.memory_space<vmem>>) semaphore(%arg15 : memref<!tpu.dma_semaphore, #tpu.memory_space<semaphore_mem>>)
      %dma_wait3A_177 = arith.constant 1 : i32
      %dma_wait3A_178 = arith.constant 0 : i32
      %dma_wait3A_179 = tpu.memref_slice %arg8[%dma_wait3A_177, %dma_wait3A_178] : memref<4x32xi32, #tpu.memory_space<vmem>> -> memref<1x32xi32, #tpu.memory_space<vmem>>
      %dma_wait3A_180 = tpu.memref_squeeze %dma_wait3A_179 : memref<1x32xi32, #tpu.memory_space<vmem>> -> memref<32xi32, #tpu.memory_space<vmem>>
      %dma_wait3A_181 = arith.constant 0 : i32
      %dma_wait3A_182 = arith.constant 0 : i32
      %dma_wait3A_183 = tpu.memref_slice %arg13[%dma_wait3A_181, %dma_wait3A_182] : memref<10000x128xf32, #tpu.memory_space<vmem_shared>> -> memref<10000x128xf32, #tpu.memory_space<vmem_shared>>
      tpu.wait_indirect_dma semaphore(%arg16 : memref<!tpu.dma_semaphore, #tpu.memory_space<semaphore_mem>>) src(%dma_wait3A_183 : memref<10000x128xf32, #tpu.memory_space<vmem_shared>>) dst(%arg12 : memref<32x128xf32, #tpu.memory_space<vmem>>)
      %run_scoped3A_184 = arith.constant 1 : i32
      "tpu.region"() ({
        %run_scoped3A_248 = tpu.sem_alloc : memref<!tpu.dma_semaphore, #tpu.memory_space<semaphore_mem>>
        %dma_start3A_249 = arith.constant 0 : i32
        %dma_start3A_250 = tpu.memref_slice %arg10[%run_scoped3A_184, %dma_start3A_249] : memref<4x32xi32, #tpu.memory_space<vmem>> -> memref<1x32xi32, #tpu.memory_space<vmem>>
        %dma_start3A_251 = tpu.memref_squeeze %dma_start3A_250 : memref<1x32xi32, #tpu.memory_space<vmem>> -> memref<32xi32, #tpu.memory_space<vmem>>
        %dma_start3A_252 = arith.constant 0 : i32
        %dma_start3A_253 = arith.constant 0 : i32
        %dma_start3A_254 = tpu.memref_slice %arg14[%dma_start3A_252, %dma_start3A_253] : memref<5056x128xf32, #tpu.memory_space<vmem_shared>> -> memref<5056x128xf32, #tpu.memory_space<vmem_shared>>
        tpu.enqueue_indirect_dma source(%arg12 : memref<32x128xf32, #tpu.memory_space<vmem>>) target(%dma_start3A_254 : memref<5056x128xf32, #tpu.memory_space<vmem_shared>>) offsets(%dma_start3A_251 : memref<32xi32, #tpu.memory_space<vmem>>) semaphore(%run_scoped3A_248 : memref<!tpu.dma_semaphore, #tpu.memory_space<semaphore_mem>>) {add = true}
        %dma_wait3A_255 = arith.constant 0 : i32
        %dma_wait3A_256 = tpu.memref_slice %arg10[%run_scoped3A_184, %dma_wait3A_255] : memref<4x32xi32, #tpu.memory_space<vmem>> -> memref<1x32xi32, #tpu.memory_space<vmem>>
        %dma_wait3A_257 = tpu.memref_squeeze %dma_wait3A_256 : memref<1x32xi32, #tpu.memory_space<vmem>> -> memref<32xi32, #tpu.memory_space<vmem>>
        %dma_wait3A_258 = arith.constant 0 : i32
        %dma_wait3A_259 = arith.constant 0 : i32
        %dma_wait3A_260 = tpu.memref_slice %arg14[%dma_wait3A_258, %dma_wait3A_259] : memref<5056x128xf32, #tpu.memory_space<vmem_shared>> -> memref<5056x128xf32, #tpu.memory_space<vmem_shared>>
        tpu.wait_indirect_dma semaphore(%run_scoped3A_248 : memref<!tpu.dma_semaphore, #tpu.memory_space<semaphore_mem>>) src(%arg12 : memref<32x128xf32, #tpu.memory_space<vmem>>) dst(%dma_wait3A_260 : memref<5056x128xf32, #tpu.memory_space<vmem_shared>>)
        tpu.yield
      }) : () -> ()
      %dma_start3A_185 = arith.constant 3 : i32
      %dma_start3A_186 = arith.constant 0 : i32
      %dma_start3A_187 = tpu.memref_slice %arg8[%dma_start3A_185, %dma_start3A_186] : memref<4x32xi32, #tpu.memory_space<vmem>> -> memref<1x32xi32, #tpu.memory_space<vmem>>
      %dma_start3A_188 = tpu.memref_squeeze %dma_start3A_187 : memref<1x32xi32, #tpu.memory_space<vmem>> -> memref<32xi32, #tpu.memory_space<vmem>>
      %dma_start3A_189 = arith.constant 0 : i32
      %dma_start3A_190 = arith.constant 0 : i32
      %dma_start3A_191 = tpu.memref_slice %arg13[%dma_start3A_189, %dma_start3A_190] : memref<10000x128xf32, #tpu.memory_space<vmem_shared>> -> memref<10000x128xf32, #tpu.memory_space<vmem_shared>>
      tpu.enqueue_indirect_dma source(%dma_start3A_191 : memref<10000x128xf32, #tpu.memory_space<vmem_shared>>) target(%arg12 : memref<32x128xf32, #tpu.memory_space<vmem>>) offsets(%dma_start3A_188 : memref<32xi32, #tpu.memory_space<vmem>>) semaphore(%arg16 : memref<!tpu.dma_semaphore, #tpu.memory_space<semaphore_mem>>)
      %dma_wait3A_192 = arith.constant 2 : i32
      %dma_wait3A_193 = arith.constant 0 : i32
      %dma_wait3A_194 = tpu.memref_slice %arg8[%dma_wait3A_192, %dma_wait3A_193] : memref<4x32xi32, #tpu.memory_space<vmem>> -> memref<1x32xi32, #tpu.memory_space<vmem>>
      %dma_wait3A_195 = tpu.memref_squeeze %dma_wait3A_194 : memref<1x32xi32, #tpu.memory_space<vmem>> -> memref<32xi32, #tpu.memory_space<vmem>>
      %dma_wait3A_196 = arith.constant 0 : i32
      %dma_wait3A_197 = arith.constant 0 : i32
      %dma_wait3A_198 = tpu.memref_slice %arg13[%dma_wait3A_196, %dma_wait3A_197] : memref<10000x128xf32, #tpu.memory_space<vmem_shared>> -> memref<10000x128xf32, #tpu.memory_space<vmem_shared>>
      tpu.wait_indirect_dma semaphore(%arg15 : memref<!tpu.dma_semaphore, #tpu.memory_space<semaphore_mem>>) src(%dma_wait3A_198 : memref<10000x128xf32, #tpu.memory_space<vmem_shared>>) dst(%arg11 : memref<32x128xf32, #tpu.memory_space<vmem>>)
      %run_scoped3A_199 = arith.constant 2 : i32
      "tpu.region"() ({
        %run_scoped3A_248 = tpu.sem_alloc : memref<!tpu.dma_semaphore, #tpu.memory_space<semaphore_mem>>
        %dma_start3A_249 = arith.constant 0 : i32
        %dma_start3A_250 = tpu.memref_slice %arg10[%run_scoped3A_199, %dma_start3A_249] : memref<4x32xi32, #tpu.memory_space<vmem>> -> memref<1x32xi32, #tpu.memory_space<vmem>>
        %dma_start3A_251 = tpu.memref_squeeze %dma_start3A_250 : memref<1x32xi32, #tpu.memory_space<vmem>> -> memref<32xi32, #tpu.memory_space<vmem>>
        %dma_start3A_252 = arith.constant 0 : i32
        %dma_start3A_253 = arith.constant 0 : i32
        %dma_start3A_254 = tpu.memref_slice %arg14[%dma_start3A_252, %dma_start3A_253] : memref<5056x128xf32, #tpu.memory_space<vmem_shared>> -> memref<5056x128xf32, #tpu.memory_space<vmem_shared>>
        tpu.enqueue_indirect_dma source(%arg11 : memref<32x128xf32, #tpu.memory_space<vmem>>) target(%dma_start3A_254 : memref<5056x128xf32, #tpu.memory_space<vmem_shared>>) offsets(%dma_start3A_251 : memref<32xi32, #tpu.memory_space<vmem>>) semaphore(%run_scoped3A_248 : memref<!tpu.dma_semaphore, #tpu.memory_space<semaphore_mem>>) {add = true}
        %dma_wait3A_255 = arith.constant 0 : i32
        %dma_wait3A_256 = tpu.memref_slice %arg10[%run_scoped3A_199, %dma_wait3A_255] : memref<4x32xi32, #tpu.memory_space<vmem>> -> memref<1x32xi32, #tpu.memory_space<vmem>>
        %dma_wait3A_257 = tpu.memref_squeeze %dma_wait3A_256 : memref<1x32xi32, #tpu.memory_space<vmem>> -> memref<32xi32, #tpu.memory_space<vmem>>
        %dma_wait3A_258 = arith.constant 0 : i32
        %dma_wait3A_259 = arith.constant 0 : i32
        %dma_wait3A_260 = tpu.memref_slice %arg14[%dma_wait3A_258, %dma_wait3A_259] : memref<5056x128xf32, #tpu.memory_space<vmem_shared>> -> memref<5056x128xf32, #tpu.memory_space<vmem_shared>>
        tpu.wait_indirect_dma semaphore(%run_scoped3A_248 : memref<!tpu.dma_semaphore, #tpu.memory_space<semaphore_mem>>) src(%arg11 : memref<32x128xf32, #tpu.memory_space<vmem>>) dst(%dma_wait3A_260 : memref<5056x128xf32, #tpu.memory_space<vmem_shared>>)
        tpu.yield
      }) : () -> ()
      %dma_wait3A_200 = arith.constant 0 : i32
      %dma_wait3A_201 = arith.constant 0 : i32
      %dma_wait3A_202 = tpu.memref_slice %arg4[%arg1, %dma_wait3A_200, %dma_wait3A_201] : memref<16x656x32xi32, #tpu.memory_space<hbm>> -> memref<1x4x32xi32, #tpu.memory_space<hbm>>
      %dma_wait3A_203 = tpu.memref_squeeze %dma_wait3A_202 : memref<1x4x32xi32, #tpu.memory_space<hbm>> -> memref<4x32xi32, #tpu.memory_space<hbm>>
      %dma_wait3A_204 = arith.constant 0 : i32
      %dma_wait3A_205 = arith.constant 0 : i32
      %dma_wait3A_206 = tpu.memref_slice %arg4[%arg1, %dma_wait3A_204, %dma_wait3A_205] : memref<16x656x32xi32, #tpu.memory_space<hbm>> -> memref<1x4x32xi32, #tpu.memory_space<hbm>>
      %dma_wait3A_207 = tpu.memref_squeeze %dma_wait3A_206 : memref<1x4x32xi32, #tpu.memory_space<hbm>> -> memref<4x32xi32, #tpu.memory_space<hbm>>
      tpu.wait_dma2 semaphore(%arg17 : memref<!tpu.dma_semaphore, #tpu.memory_space<semaphore_mem>>) src(%dma_wait3A_207 : memref<4x32xi32, #tpu.memory_space<hbm>>) dst(%arg7 : memref<4x32xi32, #tpu.memory_space<vmem>>)
      %dma_start3A_208 = arith.constant 0 : i32
      %dma_start3A_209 = arith.constant 0 : i32
      %dma_start3A_210 = tpu.memref_slice %arg7[%dma_start3A_208, %dma_start3A_209] : memref<4x32xi32, #tpu.memory_space<vmem>> -> memref<1x32xi32, #tpu.memory_space<vmem>>
      %dma_start3A_211 = tpu.memref_squeeze %dma_start3A_210 : memref<1x32xi32, #tpu.memory_space<vmem>> -> memref<32xi32, #tpu.memory_space<vmem>>
      %dma_start3A_212 = arith.constant 0 : i32
      %dma_start3A_213 = arith.constant 0 : i32
      %dma_start3A_214 = tpu.memref_slice %arg13[%dma_start3A_212, %dma_start3A_213] : memref<10000x128xf32, #tpu.memory_space<vmem_shared>> -> memref<10000x128xf32, #tpu.memory_space<vmem_shared>>
      tpu.enqueue_indirect_dma source(%dma_start3A_214 : memref<10000x128xf32, #tpu.memory_space<vmem_shared>>) target(%arg11 : memref<32x128xf32, #tpu.memory_space<vmem>>) offsets(%dma_start3A_211 : memref<32xi32, #tpu.memory_space<vmem>>) semaphore(%arg15 : memref<!tpu.dma_semaphore, #tpu.memory_space<semaphore_mem>>)
      %dma_wait3A_215 = arith.constant 3 : i32
      %dma_wait3A_216 = arith.constant 0 : i32
      %dma_wait3A_217 = tpu.memref_slice %arg8[%dma_wait3A_215, %dma_wait3A_216] : memref<4x32xi32, #tpu.memory_space<vmem>> -> memref<1x32xi32, #tpu.memory_space<vmem>>
      %dma_wait3A_218 = tpu.memref_squeeze %dma_wait3A_217 : memref<1x32xi32, #tpu.memory_space<vmem>> -> memref<32xi32, #tpu.memory_space<vmem>>
      %dma_wait3A_219 = arith.constant 0 : i32
      %dma_wait3A_220 = arith.constant 0 : i32
      %dma_wait3A_221 = tpu.memref_slice %arg13[%dma_wait3A_219, %dma_wait3A_220] : memref<10000x128xf32, #tpu.memory_space<vmem_shared>> -> memref<10000x128xf32, #tpu.memory_space<vmem_shared>>
      tpu.wait_indirect_dma semaphore(%arg16 : memref<!tpu.dma_semaphore, #tpu.memory_space<semaphore_mem>>) src(%dma_wait3A_221 : memref<10000x128xf32, #tpu.memory_space<vmem_shared>>) dst(%arg12 : memref<32x128xf32, #tpu.memory_space<vmem>>)
      %add3A_222 = arith.constant 12 : i32
      %add3A_223 = arith.addi %mul3A_63, %add3A_222 : i32
      %dma_start3A_224 = arith.constant 0 : i32
      %dma_start3A_225 = tpu.memref_slice %arg4[%arg1, %add3A_223, %dma_start3A_224] : memref<16x656x32xi32, #tpu.memory_space<hbm>> -> memref<1x4x32xi32, #tpu.memory_space<hbm>>
      %dma_start3A_226 = tpu.memref_squeeze %dma_start3A_225 : memref<1x4x32xi32, #tpu.memory_space<hbm>> -> memref<4x32xi32, #tpu.memory_space<hbm>>
      %dma_start3A_227 = arith.constant 0 : i32
      %dma_start3A_228 = tpu.memref_slice %arg4[%arg1, %add3A_223, %dma_start3A_227] : memref<16x656x32xi32, #tpu.memory_space<hbm>> -> memref<1x4x32xi32, #tpu.memory_space<hbm>>
      %dma_start3A_229 = tpu.memref_squeeze %dma_start3A_228 : memref<1x4x32xi32, #tpu.memory_space<hbm>> -> memref<4x32xi32, #tpu.memory_space<hbm>>
      tpu.enqueue_dma source(%dma_start3A_229 : memref<4x32xi32, #tpu.memory_space<hbm>>) target(%arg8 : memref<4x32xi32, #tpu.memory_space<vmem>>) target_semaphore(%arg17 : memref<!tpu.dma_semaphore, #tpu.memory_space<semaphore_mem>>)
      %dma_wait3A_230 = arith.constant 4 : i32
      %dma_wait3A_231 = arith.constant 0 : i32
      %dma_wait3A_232 = tpu.memref_slice %arg5[%arg0, %arg1, %dma_wait3A_230, %dma_wait3A_231] : memref<2x16x656x32xi32, #tpu.memory_space<hbm>> -> memref<1x1x4x32xi32, #tpu.memory_space<hbm>>
      %dma_wait3A_233 = tpu.memref_squeeze %dma_wait3A_232 : memref<1x1x4x32xi32, #tpu.memory_space<hbm>> -> memref<4x32xi32, #tpu.memory_space<hbm>>
      %dma_wait3A_234 = arith.constant 4 : i32
      %dma_wait3A_235 = arith.constant 0 : i32
      %dma_wait3A_236 = tpu.memref_slice %arg5[%arg0, %arg1, %dma_wait3A_234, %dma_wait3A_235] : memref<2x16x656x32xi32, #tpu.memory_space<hbm>> -> memref<1x1x4x32xi32, #tpu.memory_space<hbm>>
      %dma_wait3A_237 = tpu.memref_squeeze %dma_wait3A_236 : memref<1x1x4x32xi32, #tpu.memory_space<hbm>> -> memref<4x32xi32, #tpu.memory_space<hbm>>
      tpu.wait_dma2 semaphore(%arg18 : memref<!tpu.dma_semaphore, #tpu.memory_space<semaphore_mem>>) src(%dma_wait3A_237 : memref<4x32xi32, #tpu.memory_space<hbm>>) dst(%arg9 : memref<4x32xi32, #tpu.memory_space<vmem>>)
      %run_scoped3A_238 = arith.constant 3 : i32
      "tpu.region"() ({
        %run_scoped3A_248 = tpu.sem_alloc : memref<!tpu.dma_semaphore, #tpu.memory_space<semaphore_mem>>
        %dma_start3A_249 = arith.constant 0 : i32
        %dma_start3A_250 = tpu.memref_slice %arg10[%run_scoped3A_238, %dma_start3A_249] : memref<4x32xi32, #tpu.memory_space<vmem>> -> memref<1x32xi32, #tpu.memory_space<vmem>>
        %dma_start3A_251 = tpu.memref_squeeze %dma_start3A_250 : memref<1x32xi32, #tpu.memory_space<vmem>> -> memref<32xi32, #tpu.memory_space<vmem>>
        %dma_start3A_252 = arith.constant 0 : i32
        %dma_start3A_253 = arith.constant 0 : i32
        %dma_start3A_254 = tpu.memref_slice %arg14[%dma_start3A_252, %dma_start3A_253] : memref<5056x128xf32, #tpu.memory_space<vmem_shared>> -> memref<5056x128xf32, #tpu.memory_space<vmem_shared>>
        tpu.enqueue_indirect_dma source(%arg12 : memref<32x128xf32, #tpu.memory_space<vmem>>) target(%dma_start3A_254 : memref<5056x128xf32, #tpu.memory_space<vmem_shared>>) offsets(%dma_start3A_251 : memref<32xi32, #tpu.memory_space<vmem>>) semaphore(%run_scoped3A_248 : memref<!tpu.dma_semaphore, #tpu.memory_space<semaphore_mem>>) {add = true}
        %dma_wait3A_255 = arith.constant 0 : i32
        %dma_wait3A_256 = tpu.memref_slice %arg10[%run_scoped3A_238, %dma_wait3A_255] : memref<4x32xi32, #tpu.memory_space<vmem>> -> memref<1x32xi32, #tpu.memory_space<vmem>>
        %dma_wait3A_257 = tpu.memref_squeeze %dma_wait3A_256 : memref<1x32xi32, #tpu.memory_space<vmem>> -> memref<32xi32, #tpu.memory_space<vmem>>
        %dma_wait3A_258 = arith.constant 0 : i32
        %dma_wait3A_259 = arith.constant 0 : i32
        %dma_wait3A_260 = tpu.memref_slice %arg14[%dma_wait3A_258, %dma_wait3A_259] : memref<5056x128xf32, #tpu.memory_space<vmem_shared>> -> memref<5056x128xf32, #tpu.memory_space<vmem_shared>>
        tpu.wait_indirect_dma semaphore(%run_scoped3A_248 : memref<!tpu.dma_semaphore, #tpu.memory_space<semaphore_mem>>) src(%arg12 : memref<32x128xf32, #tpu.memory_space<vmem>>) dst(%dma_wait3A_260 : memref<5056x128xf32, #tpu.memory_space<vmem_shared>>)
        tpu.yield
      }) : () -> ()
      %add3A_239 = arith.constant 12 : i32
      %add3A_240 = arith.addi %mul3A_63, %add3A_239 : i32
      %dma_start3A_241 = arith.constant 0 : i32
      %dma_start3A_242 = tpu.memref_slice %arg5[%arg0, %arg1, %add3A_240, %dma_start3A_241] : memref<2x16x656x32xi32, #tpu.memory_space<hbm>> -> memref<1x1x4x32xi32, #tpu.memory_space<hbm>>
      %dma_start3A_243 = tpu.memref_squeeze %dma_start3A_242 : memref<1x1x4x32xi32, #tpu.memory_space<hbm>> -> memref<4x32xi32, #tpu.memory_space<hbm>>
      %dma_start3A_244 = arith.constant 0 : i32
      %dma_start3A_245 = tpu.memref_slice %arg5[%arg0, %arg1, %add3A_240, %dma_start3A_244] : memref<2x16x656x32xi32, #tpu.memory_space<hbm>> -> memref<1x1x4x32xi32, #tpu.memory_space<hbm>>
      %dma_start3A_246 = tpu.memref_squeeze %dma_start3A_245 : memref<1x1x4x32xi32, #tpu.memory_space<hbm>> -> memref<4x32xi32, #tpu.memory_space<hbm>>
      tpu.enqueue_dma source(%dma_start3A_246 : memref<4x32xi32, #tpu.memory_space<hbm>>) target(%arg10 : memref<4x32xi32, #tpu.memory_space<vmem>>) target_semaphore(%arg18 : memref<!tpu.dma_semaphore, #tpu.memory_space<semaphore_mem>>)
      %scan3A_247 = arith.constant 0 : i32
      scf.yield %scan3A_247 : i32
    }
    %scan3A_32 = arith.constant 80 : i32
    %dma_wait3A = arith.constant 0 : i32
    %dma_wait3A_33 = arith.constant 0 : i32
    %dma_wait3A_34 = tpu.memref_slice %arg4[%arg1, %dma_wait3A, %dma_wait3A_33] : memref<16x656x32xi32, #tpu.memory_space<hbm>> -> memref<1x4x32xi32, #tpu.memory_space<hbm>>
    %dma_wait3A_35 = tpu.memref_squeeze %dma_wait3A_34 : memref<1x4x32xi32, #tpu.memory_space<hbm>> -> memref<4x32xi32, #tpu.memory_space<hbm>>
    %dma_wait3A_36 = arith.constant 0 : i32
    %dma_wait3A_37 = arith.constant 0 : i32
    %dma_wait3A_38 = tpu.memref_slice %arg4[%arg1, %dma_wait3A_36, %dma_wait3A_37] : memref<16x656x32xi32, #tpu.memory_space<hbm>> -> memref<1x4x32xi32, #tpu.memory_space<hbm>>
    %dma_wait3A_39 = tpu.memref_squeeze %dma_wait3A_38 : memref<1x4x32xi32, #tpu.memory_space<hbm>> -> memref<4x32xi32, #tpu.memory_space<hbm>>
    tpu.wait_dma2 semaphore(%arg17 : memref<!tpu.dma_semaphore, #tpu.memory_space<semaphore_mem>>) src(%dma_wait3A_39 : memref<4x32xi32, #tpu.memory_space<hbm>>) dst(%arg8 : memref<4x32xi32, #tpu.memory_space<vmem>>)
    %dma_wait3A_40 = arith.constant 4 : i32
    %dma_wait3A_41 = arith.constant 0 : i32
    %dma_wait3A_42 = tpu.memref_slice %arg5[%arg0, %arg1, %dma_wait3A_40, %dma_wait3A_41] : memref<2x16x656x32xi32, #tpu.memory_space<hbm>> -> memref<1x1x4x32xi32, #tpu.memory_space<hbm>>
    %dma_wait3A_43 = tpu.memref_squeeze %dma_wait3A_42 : memref<1x1x4x32xi32, #tpu.memory_space<hbm>> -> memref<4x32xi32, #tpu.memory_space<hbm>>
    %dma_wait3A_44 = arith.constant 4 : i32
    %dma_wait3A_45 = arith.constant 0 : i32
    %dma_wait3A_46 = tpu.memref_slice %arg5[%arg0, %arg1, %dma_wait3A_44, %dma_wait3A_45] : memref<2x16x656x32xi32, #tpu.memory_space<hbm>> -> memref<1x1x4x32xi32, #tpu.memory_space<hbm>>
    %dma_wait3A_47 = tpu.memref_squeeze %dma_wait3A_46 : memref<1x1x4x32xi32, #tpu.memory_space<hbm>> -> memref<4x32xi32, #tpu.memory_space<hbm>>
    tpu.wait_dma2 semaphore(%arg18 : memref<!tpu.dma_semaphore, #tpu.memory_space<semaphore_mem>>) src(%dma_wait3A_47 : memref<4x32xi32, #tpu.memory_space<hbm>>) dst(%arg10 : memref<4x32xi32, #tpu.memory_space<vmem>>)
    %dma_wait3A_48 = arith.constant 0 : i32
    %dma_wait3A_49 = arith.constant 0 : i32
    %dma_wait3A_50 = tpu.memref_slice %arg7[%dma_wait3A_48, %dma_wait3A_49] : memref<4x32xi32, #tpu.memory_space<vmem>> -> memref<1x32xi32, #tpu.memory_space<vmem>>
    %dma_wait3A_51 = tpu.memref_squeeze %dma_wait3A_50 : memref<1x32xi32, #tpu.memory_space<vmem>> -> memref<32xi32, #tpu.memory_space<vmem>>
    %dma_wait3A_52 = arith.constant 0 : i32
    %dma_wait3A_53 = arith.constant 0 : i32
    %dma_wait3A_54 = tpu.memref_slice %arg13[%dma_wait3A_52, %dma_wait3A_53] : memref<10000x128xf32, #tpu.memory_space<vmem_shared>> -> memref<10000x128xf32, #tpu.memory_space<vmem_shared>>
    tpu.wait_indirect_dma semaphore(%arg15 : memref<!tpu.dma_semaphore, #tpu.memory_space<semaphore_mem>>) src(%dma_wait3A_54 : memref<10000x128xf32, #tpu.memory_space<vmem_shared>>) dst(%arg11 : memref<32x128xf32, #tpu.memory_space<vmem>>)
    %barrier3A_55 = arith.constant 0 : index
    tpu.barrier barrier_id(%barrier3A_55)
    %lt3A = arith.constant 8 : i32
    %lt3A_56 = arith.cmpi slt, %arg1, %lt3A : i32
    %convert_element_type3A_57 = arith.extui %lt3A_56 : i1 to i32
    %cond3A_58 = arith.constant 0 : i32
    %cond3A_59 = arith.cmpi ne, %convert_element_type3A_57, %cond3A_58 : i32
    scf.if %cond3A_59 {
      %mul3A_60 = arith.constant 632 : i32
      %mul3A_61 = arith.muli %arg1, %mul3A_60 : i32
      %mul3A_62 = arith.constant 632 : i32
      %mul3A_63 = arith.muli %arg1, %mul3A_62 : i32
      "tpu.region"() ({
        %run_scoped3A = tpu.sem_alloc : memref<!tpu.dma_semaphore, #tpu.memory_space<semaphore_mem>>
        %dma_start3A_64 = arith.constant 0 : i32
        %dma_start3A_65 = tpu.memref_slice %arg6[%arg0, %mul3A_63, %dma_start3A_64] : memref<2x5056x128xf32, #tpu.memory_space<hbm>> -> memref<1x632x128xf32, #tpu.memory_space<hbm>>
        %dma_start3A_66 = tpu.memref_squeeze %dma_start3A_65 : memref<1x632x128xf32, #tpu.memory_space<hbm>> -> memref<632x128xf32, #tpu.memory_space<hbm>>
        %dma_start3A_67 = arith.constant 0 : i32
        %dma_start3A_68 = tpu.memref_slice %arg14[%mul3A_61, %dma_start3A_67] : memref<5056x128xf32, #tpu.memory_space<vmem_shared>> -> memref<632x128xf32, #tpu.memory_space<vmem_shared>>
        tpu.enqueue_dma source(%dma_start3A_68 : memref<632x128xf32, #tpu.memory_space<vmem_shared>>) target(%dma_start3A_66 : memref<632x128xf32, #tpu.memory_space<hbm>>) target_semaphore(%run_scoped3A : memref<!tpu.dma_semaphore, #tpu.memory_space<semaphore_mem>>)
        %dma_wait3A_69 = arith.constant 0 : i32
        %dma_wait3A_70 = tpu.memref_slice %arg6[%arg0, %mul3A_63, %dma_wait3A_69] : memref<2x5056x128xf32, #tpu.memory_space<hbm>> -> memref<1x632x128xf32, #tpu.memory_space<hbm>>
        %dma_wait3A_71 = tpu.memref_squeeze %dma_wait3A_70 : memref<1x632x128xf32, #tpu.memory_space<hbm>> -> memref<632x128xf32, #tpu.memory_space<hbm>>
        %dma_wait3A_72 = arith.constant 0 : i32
        %dma_wait3A_73 = tpu.memref_slice %arg14[%mul3A_61, %dma_wait3A_72] : memref<5056x128xf32, #tpu.memory_space<vmem_shared>> -> memref<632x128xf32, #tpu.memory_space<vmem_shared>>
        tpu.wait_dma2 semaphore(%run_scoped3A : memref<!tpu.dma_semaphore, #tpu.memory_space<semaphore_mem>>) src(%dma_wait3A_73 : memref<632x128xf32, #tpu.memory_space<vmem_shared>>) dst(%dma_wait3A_71 : memref<632x128xf32, #tpu.memory_space<hbm>>)
        tpu.yield
      }) : () -> ()
    } else {
    }
    return
  }
}

#map = affine_map<(d0, d1) -> (0, 0)>
#map1 = affine_map<(d0, d1) -> (0, 0, 0)>
#map2 = affine_map<(d0, d1) -> (0, 0, 0, 0)>
module attributes {stable_mosaic.version = 14 : i64} {
  func.func @_sc_body(%arg0: i32, %arg1: i32, %arg2: memref<10000x128xf32, #tpu.memory_space<hbm>>, %arg3: memref<632x128xf32, #tpu.memory_space<hbm>>, %arg4: memref<16x656x32xi32, #tpu.memory_space<hbm>>, %arg5: memref<2x16x656x32xi32, #tpu.memory_space<hbm>>, %arg6: memref<2x5056x128xf32, #tpu.memory_space<hbm>>, %arg7: memref<4x32xi32, #tpu.memory_space<vmem>>, %arg8: memref<4x32xi32, #tpu.memory_space<vmem>>, %arg9: memref<4x32xi32, #tpu.memory_space<vmem>>, %arg10: memref<4x32xi32, #tpu.memory_space<vmem>>, %arg11: memref<32x128xf32, #tpu.memory_space<vmem>>, %arg12: memref<32x128xf32, #tpu.memory_space<vmem>>, %arg13: memref<10000x128xf32, #tpu.memory_space<vmem_shared>>, %arg14: memref<5056x128xf32, #tpu.memory_space<vmem_shared>>, %arg15: memref<!tpu.dma_semaphore, #tpu.memory_space<semaphore_mem>>, %arg16: memref<!tpu.dma_semaphore, #tpu.memory_space<semaphore_mem>>, %arg17: memref<!tpu.dma_semaphore, #tpu.memory_space<semaphore_mem>>, %arg18: memref<!tpu.dma_semaphore, #tpu.memory_space<semaphore_mem>>) attributes {dimension_semantics = [#tpu.dimension_semantics<core_parallel>, #tpu.dimension_semantics<subcore_parallel>], iteration_bounds = array<i64: 2, 16>, scalar_prefetch = 0 : i64, scratch_operands = 12 : i64, tpu.core_type = #tpu.core_type<sc_vector_subcore>, window_params = [{transform_indices = #map}, {transform_indices = #map}, {transform_indices = #map1}, {transform_indices = #map2}, {transform_indices = #map1}]} {
    %mul3A = arith.constant 632 : i32
    %mul3A_0 = arith.muli %arg1, %mul3A : i32
    "tpu.region"() ({
      %run_scoped3A = tpu.sem_alloc : memref<!tpu.dma_semaphore, #tpu.memory_space<semaphore_mem>>
      %dma_start3A_60 = arith.constant 0 : i32
      %dma_start3A_61 = tpu.memref_slice %arg13[%mul3A_0, %dma_start3A_60] : memref<10000x128xf32, #tpu.memory_space<vmem_shared>> -> memref<520x128xf32, #tpu.memory_space<vmem_shared>>
      %dma_start3A_62 = arith.constant 0 : i32
      %dma_start3A_63 = tpu.memref_slice %arg2[%mul3A_0, %dma_start3A_62] : memref<10000x128xf32, #tpu.memory_space<hbm>> -> memref<520x128xf32, #tpu.memory_space<hbm>>
      tpu.enqueue_dma source(%dma_start3A_63 : memref<520x128xf32, #tpu.memory_space<hbm>>) target(%dma_start3A_61 : memref<520x128xf32, #tpu.memory_space<vmem_shared>>) target_semaphore(%run_scoped3A : memref<!tpu.dma_semaphore, #tpu.memory_space<semaphore_mem>>)
      %dma_wait3A_64 = arith.constant 0 : i32
      %dma_wait3A_65 = tpu.memref_slice %arg13[%mul3A_0, %dma_wait3A_64] : memref<10000x128xf32, #tpu.memory_space<vmem_shared>> -> memref<520x128xf32, #tpu.memory_space<vmem_shared>>
      %dma_wait3A_66 = arith.constant 0 : i32
      %dma_wait3A_67 = tpu.memref_slice %arg2[%mul3A_0, %dma_wait3A_66] : memref<10000x128xf32, #tpu.memory_space<hbm>> -> memref<520x128xf32, #tpu.memory_space<hbm>>
      tpu.wait_dma2 semaphore(%run_scoped3A : memref<!tpu.dma_semaphore, #tpu.memory_space<semaphore_mem>>) src(%dma_wait3A_67 : memref<520x128xf32, #tpu.memory_space<hbm>>) dst(%dma_wait3A_65 : memref<520x128xf32, #tpu.memory_space<vmem_shared>>)
      tpu.yield
    }) : () -> ()
    %add3A = arith.constant 520 : i32
    %add3A_1 = arith.addi %mul3A_0, %add3A : i32
    %min3A = arith.constant 9888 : i32
    %min3A_2 = arith.minsi %add3A_1, %min3A : i32
    "tpu.region"() ({
      %run_scoped3A = tpu.sem_alloc : memref<!tpu.dma_semaphore, #tpu.memory_space<semaphore_mem>>
      %dma_start3A_60 = arith.constant 0 : i32
      %dma_start3A_61 = tpu.memref_slice %arg13[%min3A_2, %dma_start3A_60] : memref<10000x128xf32, #tpu.memory_space<vmem_shared>> -> memref<112x128xf32, #tpu.memory_space<vmem_shared>>
      %dma_start3A_62 = arith.constant 0 : i32
      %dma_start3A_63 = tpu.memref_slice %arg2[%min3A_2, %dma_start3A_62] : memref<10000x128xf32, #tpu.memory_space<hbm>> -> memref<112x128xf32, #tpu.memory_space<hbm>>
      tpu.enqueue_dma source(%dma_start3A_63 : memref<112x128xf32, #tpu.memory_space<hbm>>) target(%dma_start3A_61 : memref<112x128xf32, #tpu.memory_space<vmem_shared>>) target_semaphore(%run_scoped3A : memref<!tpu.dma_semaphore, #tpu.memory_space<semaphore_mem>>)
      %dma_wait3A_64 = arith.constant 0 : i32
      %dma_wait3A_65 = tpu.memref_slice %arg13[%min3A_2, %dma_wait3A_64] : memref<10000x128xf32, #tpu.memory_space<vmem_shared>> -> memref<112x128xf32, #tpu.memory_space<vmem_shared>>
      %dma_wait3A_66 = arith.constant 0 : i32
      %dma_wait3A_67 = tpu.memref_slice %arg2[%min3A_2, %dma_wait3A_66] : memref<10000x128xf32, #tpu.memory_space<hbm>> -> memref<112x128xf32, #tpu.memory_space<hbm>>
      tpu.wait_dma2 semaphore(%run_scoped3A : memref<!tpu.dma_semaphore, #tpu.memory_space<semaphore_mem>>) src(%dma_wait3A_67 : memref<112x128xf32, #tpu.memory_space<hbm>>) dst(%dma_wait3A_65 : memref<112x128xf32, #tpu.memory_space<vmem_shared>>)
      tpu.yield
    }) : () -> ()
    %ge3A = arith.constant 8 : i32
    %ge3A_3 = arith.cmpi sge, %arg1, %ge3A : i32
    %convert_element_type3A = arith.extui %ge3A_3 : i1 to i32
    %cond3A = arith.constant 0 : i32
    %cond3A_4 = arith.cmpi ne, %convert_element_type3A, %cond3A : i32
    scf.if %cond3A_4 {
      %sub3A = arith.constant 8 : i32
      %sub3A_60 = arith.subi %arg1, %sub3A : i32
      %mul3A_61 = arith.constant 632 : i32
      %mul3A_62 = arith.muli %sub3A_60, %mul3A_61 : i32
      "tpu.region"() ({
        %run_scoped3A = tpu.sem_alloc : memref<!tpu.dma_semaphore, #tpu.memory_space<semaphore_mem>>
        %dma_start3A_63 = arith.constant 0 : i32
        %dma_start3A_64 = tpu.memref_slice %arg14[%mul3A_62, %dma_start3A_63] : memref<5056x128xf32, #tpu.memory_space<vmem_shared>> -> memref<632x128xf32, #tpu.memory_space<vmem_shared>>
        tpu.enqueue_dma source(%arg3 : memref<632x128xf32, #tpu.memory_space<hbm>>) target(%dma_start3A_64 : memref<632x128xf32, #tpu.memory_space<vmem_shared>>) target_semaphore(%run_scoped3A : memref<!tpu.dma_semaphore, #tpu.memory_space<semaphore_mem>>)
        %dma_wait3A_65 = arith.constant 0 : i32
        %dma_wait3A_66 = tpu.memref_slice %arg14[%mul3A_62, %dma_wait3A_65] : memref<5056x128xf32, #tpu.memory_space<vmem_shared>> -> memref<632x128xf32, #tpu.memory_space<vmem_shared>>
        tpu.wait_dma2 semaphore(%run_scoped3A : memref<!tpu.dma_semaphore, #tpu.memory_space<semaphore_mem>>) src(%arg3 : memref<632x128xf32, #tpu.memory_space<hbm>>) dst(%dma_wait3A_66 : memref<632x128xf32, #tpu.memory_space<vmem_shared>>)
        tpu.yield
      }) : () -> ()
    } else {
    }
    "tpu.region"() ({
      %run_scoped3A = tpu.sem_alloc : memref<!tpu.dma_semaphore, #tpu.memory_space<semaphore_mem>>
      %dma_start3A_60 = arith.constant 0 : i32
      %dma_start3A_61 = arith.constant 0 : i32
      %dma_start3A_62 = tpu.memref_slice %arg4[%arg1, %dma_start3A_60, %dma_start3A_61] : memref<16x656x32xi32, #tpu.memory_space<hbm>> -> memref<1x4x32xi32, #tpu.memory_space<hbm>>
      %dma_start3A_63 = tpu.memref_squeeze %dma_start3A_62 : memref<1x4x32xi32, #tpu.memory_space<hbm>> -> memref<4x32xi32, #tpu.memory_space<hbm>>
      %dma_start3A_64 = arith.constant 0 : i32
      %dma_start3A_65 = arith.constant 0 : i32
      %dma_start3A_66 = tpu.memref_slice %arg4[%arg1, %dma_start3A_64, %dma_start3A_65] : memref<16x656x32xi32, #tpu.memory_space<hbm>> -> memref<1x4x32xi32, #tpu.memory_space<hbm>>
      %dma_start3A_67 = tpu.memref_squeeze %dma_start3A_66 : memref<1x4x32xi32, #tpu.memory_space<hbm>> -> memref<4x32xi32, #tpu.memory_space<hbm>>
      tpu.enqueue_dma source(%dma_start3A_67 : memref<4x32xi32, #tpu.memory_space<hbm>>) target(%arg7 : memref<4x32xi32, #tpu.memory_space<vmem>>) target_semaphore(%run_scoped3A : memref<!tpu.dma_semaphore, #tpu.memory_space<semaphore_mem>>)
      %dma_wait3A_68 = arith.constant 0 : i32
      %dma_wait3A_69 = arith.constant 0 : i32
      %dma_wait3A_70 = tpu.memref_slice %arg4[%arg1, %dma_wait3A_68, %dma_wait3A_69] : memref<16x656x32xi32, #tpu.memory_space<hbm>> -> memref<1x4x32xi32, #tpu.memory_space<hbm>>
      %dma_wait3A_71 = tpu.memref_squeeze %dma_wait3A_70 : memref<1x4x32xi32, #tpu.memory_space<hbm>> -> memref<4x32xi32, #tpu.memory_space<hbm>>
      %dma_wait3A_72 = arith.constant 0 : i32
      %dma_wait3A_73 = arith.constant 0 : i32
      %dma_wait3A_74 = tpu.memref_slice %arg4[%arg1, %dma_wait3A_72, %dma_wait3A_73] : memref<16x656x32xi32, #tpu.memory_space<hbm>> -> memref<1x4x32xi32, #tpu.memory_space<hbm>>
      %dma_wait3A_75 = tpu.memref_squeeze %dma_wait3A_74 : memref<1x4x32xi32, #tpu.memory_space<hbm>> -> memref<4x32xi32, #tpu.memory_space<hbm>>
      tpu.wait_dma2 semaphore(%run_scoped3A : memref<!tpu.dma_semaphore, #tpu.memory_space<semaphore_mem>>) src(%dma_wait3A_75 : memref<4x32xi32, #tpu.memory_space<hbm>>) dst(%arg7 : memref<4x32xi32, #tpu.memory_space<vmem>>)
      tpu.yield
    }) : () -> ()
    "tpu.region"() ({
      %run_scoped3A = tpu.sem_alloc : memref<!tpu.dma_semaphore, #tpu.memory_space<semaphore_mem>>
      %dma_start3A_60 = arith.constant 0 : i32
      %dma_start3A_61 = arith.constant 0 : i32
      %dma_start3A_62 = tpu.memref_slice %arg5[%arg0, %arg1, %dma_start3A_60, %dma_start3A_61] : memref<2x16x656x32xi32, #tpu.memory_space<hbm>> -> memref<1x1x4x32xi32, #tpu.memory_space<hbm>>
      %dma_start3A_63 = tpu.memref_squeeze %dma_start3A_62 : memref<1x1x4x32xi32, #tpu.memory_space<hbm>> -> memref<4x32xi32, #tpu.memory_space<hbm>>
      %dma_start3A_64 = arith.constant 0 : i32
      %dma_start3A_65 = arith.constant 0 : i32
      %dma_start3A_66 = tpu.memref_slice %arg5[%arg0, %arg1, %dma_start3A_64, %dma_start3A_65] : memref<2x16x656x32xi32, #tpu.memory_space<hbm>> -> memref<1x1x4x32xi32, #tpu.memory_space<hbm>>
      %dma_start3A_67 = tpu.memref_squeeze %dma_start3A_66 : memref<1x1x4x32xi32, #tpu.memory_space<hbm>> -> memref<4x32xi32, #tpu.memory_space<hbm>>
      tpu.enqueue_dma source(%dma_start3A_67 : memref<4x32xi32, #tpu.memory_space<hbm>>) target(%arg9 : memref<4x32xi32, #tpu.memory_space<vmem>>) target_semaphore(%run_scoped3A : memref<!tpu.dma_semaphore, #tpu.memory_space<semaphore_mem>>)
      %dma_wait3A_68 = arith.constant 0 : i32
      %dma_wait3A_69 = arith.constant 0 : i32
      %dma_wait3A_70 = tpu.memref_slice %arg5[%arg0, %arg1, %dma_wait3A_68, %dma_wait3A_69] : memref<2x16x656x32xi32, #tpu.memory_space<hbm>> -> memref<1x1x4x32xi32, #tpu.memory_space<hbm>>
      %dma_wait3A_71 = tpu.memref_squeeze %dma_wait3A_70 : memref<1x1x4x32xi32, #tpu.memory_space<hbm>> -> memref<4x32xi32, #tpu.memory_space<hbm>>
      %dma_wait3A_72 = arith.constant 0 : i32
      %dma_wait3A_73 = arith.constant 0 : i32
      %dma_wait3A_74 = tpu.memref_slice %arg5[%arg0, %arg1, %dma_wait3A_72, %dma_wait3A_73] : memref<2x16x656x32xi32, #tpu.memory_space<hbm>> -> memref<1x1x4x32xi32, #tpu.memory_space<hbm>>
      %dma_wait3A_75 = tpu.memref_squeeze %dma_wait3A_74 : memref<1x1x4x32xi32, #tpu.memory_space<hbm>> -> memref<4x32xi32, #tpu.memory_space<hbm>>
      tpu.wait_dma2 semaphore(%run_scoped3A : memref<!tpu.dma_semaphore, #tpu.memory_space<semaphore_mem>>) src(%dma_wait3A_75 : memref<4x32xi32, #tpu.memory_space<hbm>>) dst(%arg9 : memref<4x32xi32, #tpu.memory_space<vmem>>)
      tpu.yield
    }) : () -> ()
    %dma_start3A = arith.constant 4 : i32
    %dma_start3A_5 = arith.constant 0 : i32
    %dma_start3A_6 = tpu.memref_slice %arg4[%arg1, %dma_start3A, %dma_start3A_5] : memref<16x656x32xi32, #tpu.memory_space<hbm>> -> memref<1x4x32xi32, #tpu.memory_space<hbm>>
    %dma_start3A_7 = tpu.memref_squeeze %dma_start3A_6 : memref<1x4x32xi32, #tpu.memory_space<hbm>> -> memref<4x32xi32, #tpu.memory_space<hbm>>
    %dma_start3A_8 = arith.constant 4 : i32
    %dma_start3A_9 = arith.constant 0 : i32
    %dma_start3A_10 = tpu.memref_slice %arg4[%arg1, %dma_start3A_8, %dma_start3A_9] : memref<16x656x32xi32, #tpu.memory_space<hbm>> -> memref<1x4x32xi32, #tpu.memory_space<hbm>>
    %dma_start3A_11 = tpu.memref_squeeze %dma_start3A_10 : memref<1x4x32xi32, #tpu.memory_space<hbm>> -> memref<4x32xi32, #tpu.memory_space<hbm>>
    tpu.enqueue_dma source(%dma_start3A_11 : memref<4x32xi32, #tpu.memory_space<hbm>>) target(%arg8 : memref<4x32xi32, #tpu.memory_space<vmem>>) target_semaphore(%arg17 : memref<!tpu.dma_semaphore, #tpu.memory_space<semaphore_mem>>)
    %dma_start3A_12 = arith.constant 4 : i32
    %dma_start3A_13 = arith.constant 0 : i32
    %dma_start3A_14 = tpu.memref_slice %arg5[%arg0, %arg1, %dma_start3A_12, %dma_start3A_13] : memref<2x16x656x32xi32, #tpu.memory_space<hbm>> -> memref<1x1x4x32xi32, #tpu.memory_space<hbm>>
    %dma_start3A_15 = tpu.memref_squeeze %dma_start3A_14 : memref<1x1x4x32xi32, #tpu.memory_space<hbm>> -> memref<4x32xi32, #tpu.memory_space<hbm>>
    %dma_start3A_16 = arith.constant 4 : i32
    %dma_start3A_17 = arith.constant 0 : i32
    %dma_start3A_18 = tpu.memref_slice %arg5[%arg0, %arg1, %dma_start3A_16, %dma_start3A_17] : memref<2x16x656x32xi32, #tpu.memory_space<hbm>> -> memref<1x1x4x32xi32, #tpu.memory_space<hbm>>
    %dma_start3A_19 = tpu.memref_squeeze %dma_start3A_18 : memref<1x1x4x32xi32, #tpu.memory_space<hbm>> -> memref<4x32xi32, #tpu.memory_space<hbm>>
    tpu.enqueue_dma source(%dma_start3A_19 : memref<4x32xi32, #tpu.memory_space<hbm>>) target(%arg10 : memref<4x32xi32, #tpu.memory_space<vmem>>) target_semaphore(%arg18 : memref<!tpu.dma_semaphore, #tpu.memory_space<semaphore_mem>>)
    %barrier3A = arith.constant 0 : index
    tpu.barrier barrier_id(%barrier3A)
    %dma_start3A_20 = arith.constant 0 : i32
    %dma_start3A_21 = arith.constant 0 : i32
    %dma_start3A_22 = tpu.memref_slice %arg7[%dma_start3A_20, %dma_start3A_21] : memref<4x32xi32, #tpu.memory_space<vmem>> -> memref<1x32xi32, #tpu.memory_space<vmem>>
    %dma_start3A_23 = tpu.memref_squeeze %dma_start3A_22 : memref<1x32xi32, #tpu.memory_space<vmem>> -> memref<32xi32, #tpu.memory_space<vmem>>
    %dma_start3A_24 = arith.constant 0 : i32
    %dma_start3A_25 = arith.constant 0 : i32
    %dma_start3A_26 = tpu.memref_slice %arg13[%dma_start3A_24, %dma_start3A_25] : memref<10000x128xf32, #tpu.memory_space<vmem_shared>> -> memref<10000x128xf32, #tpu.memory_space<vmem_shared>>
    tpu.enqueue_indirect_dma source(%dma_start3A_26 : memref<10000x128xf32, #tpu.memory_space<vmem_shared>>) target(%arg11 : memref<32x128xf32, #tpu.memory_space<vmem>>) offsets(%dma_start3A_23 : memref<32xi32, #tpu.memory_space<vmem>>) semaphore(%arg15 : memref<!tpu.dma_semaphore, #tpu.memory_space<semaphore_mem>>)
    %scan3A = arith.constant 0 : i32
    %scan3A_27 = arith.constant 0 : i32
    %scan3A_28 = arith.constant 80 : i32
    %scan3A_29 = arith.addi %scan3A_27, %scan3A_28 : i32
    %scan3A_30 = arith.constant 1 : i32
    %scan3A_31 = scf.for %scan3A_60 = %scan3A_27 to %scan3A_29 step %scan3A_30 iter_args(%scan3A_61 = %scan3A) -> (i32)  : i32 {
      %mul3A_62 = arith.constant 8 : i32
      %mul3A_63 = arith.muli %mul3A_62, %scan3A_60 : i32
      %dma_start3A_64 = arith.constant 1 : i32
      %dma_start3A_65 = arith.constant 0 : i32
      %dma_start3A_66 = tpu.memref_slice %arg7[%dma_start3A_64, %dma_start3A_65] : memref<4x32xi32, #tpu.memory_space<vmem>> -> memref<1x32xi32, #tpu.memory_space<vmem>>
      %dma_start3A_67 = tpu.memref_squeeze %dma_start3A_66 : memref<1x32xi32, #tpu.memory_space<vmem>> -> memref<32xi32, #tpu.memory_space<vmem>>
      %dma_start3A_68 = arith.constant 0 : i32
      %dma_start3A_69 = arith.constant 0 : i32
      %dma_start3A_70 = tpu.memref_slice %arg13[%dma_start3A_68, %dma_start3A_69] : memref<10000x128xf32, #tpu.memory_space<vmem_shared>> -> memref<10000x128xf32, #tpu.memory_space<vmem_shared>>
      tpu.enqueue_indirect_dma source(%dma_start3A_70 : memref<10000x128xf32, #tpu.memory_space<vmem_shared>>) target(%arg12 : memref<32x128xf32, #tpu.memory_space<vmem>>) offsets(%dma_start3A_67 : memref<32xi32, #tpu.memory_space<vmem>>) semaphore(%arg16 : memref<!tpu.dma_semaphore, #tpu.memory_space<semaphore_mem>>)
      %dma_wait3A_71 = arith.constant 0 : i32
      %dma_wait3A_72 = arith.constant 0 : i32
      %dma_wait3A_73 = tpu.memref_slice %arg7[%dma_wait3A_71, %dma_wait3A_72] : memref<4x32xi32, #tpu.memory_space<vmem>> -> memref<1x32xi32, #tpu.memory_space<vmem>>
      %dma_wait3A_74 = tpu.memref_squeeze %dma_wait3A_73 : memref<1x32xi32, #tpu.memory_space<vmem>> -> memref<32xi32, #tpu.memory_space<vmem>>
      %dma_wait3A_75 = arith.constant 0 : i32
      %dma_wait3A_76 = arith.constant 0 : i32
      %dma_wait3A_77 = tpu.memref_slice %arg13[%dma_wait3A_75, %dma_wait3A_76] : memref<10000x128xf32, #tpu.memory_space<vmem_shared>> -> memref<10000x128xf32, #tpu.memory_space<vmem_shared>>
      tpu.wait_indirect_dma semaphore(%arg15 : memref<!tpu.dma_semaphore, #tpu.memory_space<semaphore_mem>>) src(%dma_wait3A_77 : memref<10000x128xf32, #tpu.memory_space<vmem_shared>>) dst(%arg11 : memref<32x128xf32, #tpu.memory_space<vmem>>)
      %run_scoped3A = arith.constant 0 : i32
      "tpu.region"() ({
        %run_scoped3A_248 = tpu.sem_alloc : memref<!tpu.dma_semaphore, #tpu.memory_space<semaphore_mem>>
        %dma_start3A_249 = arith.constant 0 : i32
        %dma_start3A_250 = tpu.memref_slice %arg9[%run_scoped3A, %dma_start3A_249] : memref<4x32xi32, #tpu.memory_space<vmem>> -> memref<1x32xi32, #tpu.memory_space<vmem>>
        %dma_start3A_251 = tpu.memref_squeeze %dma_start3A_250 : memref<1x32xi32, #tpu.memory_space<vmem>> -> memref<32xi32, #tpu.memory_space<vmem>>
        %dma_start3A_252 = arith.constant 0 : i32
        %dma_start3A_253 = arith.constant 0 : i32
        %dma_start3A_254 = tpu.memref_slice %arg14[%dma_start3A_252, %dma_start3A_253] : memref<5056x128xf32, #tpu.memory_space<vmem_shared>> -> memref<5056x128xf32, #tpu.memory_space<vmem_shared>>
        tpu.enqueue_indirect_dma source(%arg11 : memref<32x128xf32, #tpu.memory_space<vmem>>) target(%dma_start3A_254 : memref<5056x128xf32, #tpu.memory_space<vmem_shared>>) offsets(%dma_start3A_251 : memref<32xi32, #tpu.memory_space<vmem>>) semaphore(%run_scoped3A_248 : memref<!tpu.dma_semaphore, #tpu.memory_space<semaphore_mem>>) {add = true}
        %dma_wait3A_255 = arith.constant 0 : i32
        %dma_wait3A_256 = tpu.memref_slice %arg9[%run_scoped3A, %dma_wait3A_255] : memref<4x32xi32, #tpu.memory_space<vmem>> -> memref<1x32xi32, #tpu.memory_space<vmem>>
        %dma_wait3A_257 = tpu.memref_squeeze %dma_wait3A_256 : memref<1x32xi32, #tpu.memory_space<vmem>> -> memref<32xi32, #tpu.memory_space<vmem>>
        %dma_wait3A_258 = arith.constant 0 : i32
        %dma_wait3A_259 = arith.constant 0 : i32
        %dma_wait3A_260 = tpu.memref_slice %arg14[%dma_wait3A_258, %dma_wait3A_259] : memref<5056x128xf32, #tpu.memory_space<vmem_shared>> -> memref<5056x128xf32, #tpu.memory_space<vmem_shared>>
        tpu.wait_indirect_dma semaphore(%run_scoped3A_248 : memref<!tpu.dma_semaphore, #tpu.memory_space<semaphore_mem>>) src(%arg11 : memref<32x128xf32, #tpu.memory_space<vmem>>) dst(%dma_wait3A_260 : memref<5056x128xf32, #tpu.memory_space<vmem_shared>>)
        tpu.yield
      }) : () -> ()
      %dma_start3A_78 = arith.constant 2 : i32
      %dma_start3A_79 = arith.constant 0 : i32
      %dma_start3A_80 = tpu.memref_slice %arg7[%dma_start3A_78, %dma_start3A_79] : memref<4x32xi32, #tpu.memory_space<vmem>> -> memref<1x32xi32, #tpu.memory_space<vmem>>
      %dma_start3A_81 = tpu.memref_squeeze %dma_start3A_80 : memref<1x32xi32, #tpu.memory_space<vmem>> -> memref<32xi32, #tpu.memory_space<vmem>>
      %dma_start3A_82 = arith.constant 0 : i32
      %dma_start3A_83 = arith.constant 0 : i32
      %dma_start3A_84 = tpu.memref_slice %arg13[%dma_start3A_82, %dma_start3A_83] : memref<10000x128xf32, #tpu.memory_space<vmem_shared>> -> memref<10000x128xf32, #tpu.memory_space<vmem_shared>>
      tpu.enqueue_indirect_dma source(%dma_start3A_84 : memref<10000x128xf32, #tpu.memory_space<vmem_shared>>) target(%arg11 : memref<32x128xf32, #tpu.memory_space<vmem>>) offsets(%dma_start3A_81 : memref<32xi32, #tpu.memory_space<vmem>>) semaphore(%arg15 : memref<!tpu.dma_semaphore, #tpu.memory_space<semaphore_mem>>)
      %dma_wait3A_85 = arith.constant 1 : i32
      %dma_wait3A_86 = arith.constant 0 : i32
      %dma_wait3A_87 = tpu.memref_slice %arg7[%dma_wait3A_85, %dma_wait3A_86] : memref<4x32xi32, #tpu.memory_space<vmem>> -> memref<1x32xi32, #tpu.memory_space<vmem>>
      %dma_wait3A_88 = tpu.memref_squeeze %dma_wait3A_87 : memref<1x32xi32, #tpu.memory_space<vmem>> -> memref<32xi32, #tpu.memory_space<vmem>>
      %dma_wait3A_89 = arith.constant 0 : i32
      %dma_wait3A_90 = arith.constant 0 : i32
      %dma_wait3A_91 = tpu.memref_slice %arg13[%dma_wait3A_89, %dma_wait3A_90] : memref<10000x128xf32, #tpu.memory_space<vmem_shared>> -> memref<10000x128xf32, #tpu.memory_space<vmem_shared>>
      tpu.wait_indirect_dma semaphore(%arg16 : memref<!tpu.dma_semaphore, #tpu.memory_space<semaphore_mem>>) src(%dma_wait3A_91 : memref<10000x128xf32, #tpu.memory_space<vmem_shared>>) dst(%arg12 : memref<32x128xf32, #tpu.memory_space<vmem>>)
      %run_scoped3A_92 = arith.constant 1 : i32
      "tpu.region"() ({
        %run_scoped3A_248 = tpu.sem_alloc : memref<!tpu.dma_semaphore, #tpu.memory_space<semaphore_mem>>
        %dma_start3A_249 = arith.constant 0 : i32
        %dma_start3A_250 = tpu.memref_slice %arg9[%run_scoped3A_92, %dma_start3A_249] : memref<4x32xi32, #tpu.memory_space<vmem>> -> memref<1x32xi32, #tpu.memory_space<vmem>>
        %dma_start3A_251 = tpu.memref_squeeze %dma_start3A_250 : memref<1x32xi32, #tpu.memory_space<vmem>> -> memref<32xi32, #tpu.memory_space<vmem>>
        %dma_start3A_252 = arith.constant 0 : i32
        %dma_start3A_253 = arith.constant 0 : i32
        %dma_start3A_254 = tpu.memref_slice %arg14[%dma_start3A_252, %dma_start3A_253] : memref<5056x128xf32, #tpu.memory_space<vmem_shared>> -> memref<5056x128xf32, #tpu.memory_space<vmem_shared>>
        tpu.enqueue_indirect_dma source(%arg12 : memref<32x128xf32, #tpu.memory_space<vmem>>) target(%dma_start3A_254 : memref<5056x128xf32, #tpu.memory_space<vmem_shared>>) offsets(%dma_start3A_251 : memref<32xi32, #tpu.memory_space<vmem>>) semaphore(%run_scoped3A_248 : memref<!tpu.dma_semaphore, #tpu.memory_space<semaphore_mem>>) {add = true}
        %dma_wait3A_255 = arith.constant 0 : i32
        %dma_wait3A_256 = tpu.memref_slice %arg9[%run_scoped3A_92, %dma_wait3A_255] : memref<4x32xi32, #tpu.memory_space<vmem>> -> memref<1x32xi32, #tpu.memory_space<vmem>>
        %dma_wait3A_257 = tpu.memref_squeeze %dma_wait3A_256 : memref<1x32xi32, #tpu.memory_space<vmem>> -> memref<32xi32, #tpu.memory_space<vmem>>
        %dma_wait3A_258 = arith.constant 0 : i32
        %dma_wait3A_259 = arith.constant 0 : i32
        %dma_wait3A_260 = tpu.memref_slice %arg14[%dma_wait3A_258, %dma_wait3A_259] : memref<5056x128xf32, #tpu.memory_space<vmem_shared>> -> memref<5056x128xf32, #tpu.memory_space<vmem_shared>>
        tpu.wait_indirect_dma semaphore(%run_scoped3A_248 : memref<!tpu.dma_semaphore, #tpu.memory_space<semaphore_mem>>) src(%arg12 : memref<32x128xf32, #tpu.memory_space<vmem>>) dst(%dma_wait3A_260 : memref<5056x128xf32, #tpu.memory_space<vmem_shared>>)
        tpu.yield
      }) : () -> ()
      %dma_start3A_93 = arith.constant 3 : i32
      %dma_start3A_94 = arith.constant 0 : i32
      %dma_start3A_95 = tpu.memref_slice %arg7[%dma_start3A_93, %dma_start3A_94] : memref<4x32xi32, #tpu.memory_space<vmem>> -> memref<1x32xi32, #tpu.memory_space<vmem>>
      %dma_start3A_96 = tpu.memref_squeeze %dma_start3A_95 : memref<1x32xi32, #tpu.memory_space<vmem>> -> memref<32xi32, #tpu.memory_space<vmem>>
      %dma_start3A_97 = arith.constant 0 : i32
      %dma_start3A_98 = arith.constant 0 : i32
      %dma_start3A_99 = tpu.memref_slice %arg13[%dma_start3A_97, %dma_start3A_98] : memref<10000x128xf32, #tpu.memory_space<vmem_shared>> -> memref<10000x128xf32, #tpu.memory_space<vmem_shared>>
      tpu.enqueue_indirect_dma source(%dma_start3A_99 : memref<10000x128xf32, #tpu.memory_space<vmem_shared>>) target(%arg12 : memref<32x128xf32, #tpu.memory_space<vmem>>) offsets(%dma_start3A_96 : memref<32xi32, #tpu.memory_space<vmem>>) semaphore(%arg16 : memref<!tpu.dma_semaphore, #tpu.memory_space<semaphore_mem>>)
      %dma_wait3A_100 = arith.constant 2 : i32
      %dma_wait3A_101 = arith.constant 0 : i32
      %dma_wait3A_102 = tpu.memref_slice %arg7[%dma_wait3A_100, %dma_wait3A_101] : memref<4x32xi32, #tpu.memory_space<vmem>> -> memref<1x32xi32, #tpu.memory_space<vmem>>
      %dma_wait3A_103 = tpu.memref_squeeze %dma_wait3A_102 : memref<1x32xi32, #tpu.memory_space<vmem>> -> memref<32xi32, #tpu.memory_space<vmem>>
      %dma_wait3A_104 = arith.constant 0 : i32
      %dma_wait3A_105 = arith.constant 0 : i32
      %dma_wait3A_106 = tpu.memref_slice %arg13[%dma_wait3A_104, %dma_wait3A_105] : memref<10000x128xf32, #tpu.memory_space<vmem_shared>> -> memref<10000x128xf32, #tpu.memory_space<vmem_shared>>
      tpu.wait_indirect_dma semaphore(%arg15 : memref<!tpu.dma_semaphore, #tpu.memory_space<semaphore_mem>>) src(%dma_wait3A_106 : memref<10000x128xf32, #tpu.memory_space<vmem_shared>>) dst(%arg11 : memref<32x128xf32, #tpu.memory_space<vmem>>)
      %run_scoped3A_107 = arith.constant 2 : i32
      "tpu.region"() ({
        %run_scoped3A_248 = tpu.sem_alloc : memref<!tpu.dma_semaphore, #tpu.memory_space<semaphore_mem>>
        %dma_start3A_249 = arith.constant 0 : i32
        %dma_start3A_250 = tpu.memref_slice %arg9[%run_scoped3A_107, %dma_start3A_249] : memref<4x32xi32, #tpu.memory_space<vmem>> -> memref<1x32xi32, #tpu.memory_space<vmem>>
        %dma_start3A_251 = tpu.memref_squeeze %dma_start3A_250 : memref<1x32xi32, #tpu.memory_space<vmem>> -> memref<32xi32, #tpu.memory_space<vmem>>
        %dma_start3A_252 = arith.constant 0 : i32
        %dma_start3A_253 = arith.constant 0 : i32
        %dma_start3A_254 = tpu.memref_slice %arg14[%dma_start3A_252, %dma_start3A_253] : memref<5056x128xf32, #tpu.memory_space<vmem_shared>> -> memref<5056x128xf32, #tpu.memory_space<vmem_shared>>
        tpu.enqueue_indirect_dma source(%arg11 : memref<32x128xf32, #tpu.memory_space<vmem>>) target(%dma_start3A_254 : memref<5056x128xf32, #tpu.memory_space<vmem_shared>>) offsets(%dma_start3A_251 : memref<32xi32, #tpu.memory_space<vmem>>) semaphore(%run_scoped3A_248 : memref<!tpu.dma_semaphore, #tpu.memory_space<semaphore_mem>>) {add = true}
        %dma_wait3A_255 = arith.constant 0 : i32
        %dma_wait3A_256 = tpu.memref_slice %arg9[%run_scoped3A_107, %dma_wait3A_255] : memref<4x32xi32, #tpu.memory_space<vmem>> -> memref<1x32xi32, #tpu.memory_space<vmem>>
        %dma_wait3A_257 = tpu.memref_squeeze %dma_wait3A_256 : memref<1x32xi32, #tpu.memory_space<vmem>> -> memref<32xi32, #tpu.memory_space<vmem>>
        %dma_wait3A_258 = arith.constant 0 : i32
        %dma_wait3A_259 = arith.constant 0 : i32
        %dma_wait3A_260 = tpu.memref_slice %arg14[%dma_wait3A_258, %dma_wait3A_259] : memref<5056x128xf32, #tpu.memory_space<vmem_shared>> -> memref<5056x128xf32, #tpu.memory_space<vmem_shared>>
        tpu.wait_indirect_dma semaphore(%run_scoped3A_248 : memref<!tpu.dma_semaphore, #tpu.memory_space<semaphore_mem>>) src(%arg11 : memref<32x128xf32, #tpu.memory_space<vmem>>) dst(%dma_wait3A_260 : memref<5056x128xf32, #tpu.memory_space<vmem_shared>>)
        tpu.yield
      }) : () -> ()
      %dma_wait3A_108 = arith.constant 4 : i32
      %dma_wait3A_109 = arith.constant 0 : i32
      %dma_wait3A_110 = tpu.memref_slice %arg4[%arg1, %dma_wait3A_108, %dma_wait3A_109] : memref<16x656x32xi32, #tpu.memory_space<hbm>> -> memref<1x4x32xi32, #tpu.memory_space<hbm>>
      %dma_wait3A_111 = tpu.memref_squeeze %dma_wait3A_110 : memref<1x4x32xi32, #tpu.memory_space<hbm>> -> memref<4x32xi32, #tpu.memory_space<hbm>>
      %dma_wait3A_112 = arith.constant 4 : i32
      %dma_wait3A_113 = arith.constant 0 : i32
      %dma_wait3A_114 = tpu.memref_slice %arg4[%arg1, %dma_wait3A_112, %dma_wait3A_113] : memref<16x656x32xi32, #tpu.memory_space<hbm>> -> memref<1x4x32xi32, #tpu.memory_space<hbm>>
      %dma_wait3A_115 = tpu.memref_squeeze %dma_wait3A_114 : memref<1x4x32xi32, #tpu.memory_space<hbm>> -> memref<4x32xi32, #tpu.memory_space<hbm>>
      tpu.wait_dma2 semaphore(%arg17 : memref<!tpu.dma_semaphore, #tpu.memory_space<semaphore_mem>>) src(%dma_wait3A_115 : memref<4x32xi32, #tpu.memory_space<hbm>>) dst(%arg8 : memref<4x32xi32, #tpu.memory_space<vmem>>)
      %dma_start3A_116 = arith.constant 0 : i32
      %dma_start3A_117 = arith.constant 0 : i32
      %dma_start3A_118 = tpu.memref_slice %arg8[%dma_start3A_116, %dma_start3A_117] : memref<4x32xi32, #tpu.memory_space<vmem>> -> memref<1x32xi32, #tpu.memory_space<vmem>>
      %dma_start3A_119 = tpu.memref_squeeze %dma_start3A_118 : memref<1x32xi32, #tpu.memory_space<vmem>> -> memref<32xi32, #tpu.memory_space<vmem>>
      %dma_start3A_120 = arith.constant 0 : i32
      %dma_start3A_121 = arith.constant 0 : i32
      %dma_start3A_122 = tpu.memref_slice %arg13[%dma_start3A_120, %dma_start3A_121] : memref<10000x128xf32, #tpu.memory_space<vmem_shared>> -> memref<10000x128xf32, #tpu.memory_space<vmem_shared>>
      tpu.enqueue_indirect_dma source(%dma_start3A_122 : memref<10000x128xf32, #tpu.memory_space<vmem_shared>>) target(%arg11 : memref<32x128xf32, #tpu.memory_space<vmem>>) offsets(%dma_start3A_119 : memref<32xi32, #tpu.memory_space<vmem>>) semaphore(%arg15 : memref<!tpu.dma_semaphore, #tpu.memory_space<semaphore_mem>>)
      %dma_wait3A_123 = arith.constant 3 : i32
      %dma_wait3A_124 = arith.constant 0 : i32
      %dma_wait3A_125 = tpu.memref_slice %arg7[%dma_wait3A_123, %dma_wait3A_124] : memref<4x32xi32, #tpu.memory_space<vmem>> -> memref<1x32xi32, #tpu.memory_space<vmem>>
      %dma_wait3A_126 = tpu.memref_squeeze %dma_wait3A_125 : memref<1x32xi32, #tpu.memory_space<vmem>> -> memref<32xi32, #tpu.memory_space<vmem>>
      %dma_wait3A_127 = arith.constant 0 : i32
      %dma_wait3A_128 = arith.constant 0 : i32
      %dma_wait3A_129 = tpu.memref_slice %arg13[%dma_wait3A_127, %dma_wait3A_128] : memref<10000x128xf32, #tpu.memory_space<vmem_shared>> -> memref<10000x128xf32, #tpu.memory_space<vmem_shared>>
      tpu.wait_indirect_dma semaphore(%arg16 : memref<!tpu.dma_semaphore, #tpu.memory_space<semaphore_mem>>) src(%dma_wait3A_129 : memref<10000x128xf32, #tpu.memory_space<vmem_shared>>) dst(%arg12 : memref<32x128xf32, #tpu.memory_space<vmem>>)
      %add3A_130 = arith.constant 8 : i32
      %add3A_131 = arith.addi %mul3A_63, %add3A_130 : i32
      %dma_start3A_132 = arith.constant 0 : i32
      %dma_start3A_133 = tpu.memref_slice %arg4[%arg1, %add3A_131, %dma_start3A_132] : memref<16x656x32xi32, #tpu.memory_space<hbm>> -> memref<1x4x32xi32, #tpu.memory_space<hbm>>
      %dma_start3A_134 = tpu.memref_squeeze %dma_start3A_133 : memref<1x4x32xi32, #tpu.memory_space<hbm>> -> memref<4x32xi32, #tpu.memory_space<hbm>>
      %dma_start3A_135 = arith.constant 0 : i32
      %dma_start3A_136 = tpu.memref_slice %arg4[%arg1, %add3A_131, %dma_start3A_135] : memref<16x656x32xi32, #tpu.memory_space<hbm>> -> memref<1x4x32xi32, #tpu.memory_space<hbm>>
      %dma_start3A_137 = tpu.memref_squeeze %dma_start3A_136 : memref<1x4x32xi32, #tpu.memory_space<hbm>> -> memref<4x32xi32, #tpu.memory_space<hbm>>
      tpu.enqueue_dma source(%dma_start3A_137 : memref<4x32xi32, #tpu.memory_space<hbm>>) target(%arg7 : memref<4x32xi32, #tpu.memory_space<vmem>>) target_semaphore(%arg17 : memref<!tpu.dma_semaphore, #tpu.memory_space<semaphore_mem>>)
      %dma_wait3A_138 = arith.constant 4 : i32
      %dma_wait3A_139 = arith.constant 0 : i32
      %dma_wait3A_140 = tpu.memref_slice %arg5[%arg0, %arg1, %dma_wait3A_138, %dma_wait3A_139] : memref<2x16x656x32xi32, #tpu.memory_space<hbm>> -> memref<1x1x4x32xi32, #tpu.memory_space<hbm>>
      %dma_wait3A_141 = tpu.memref_squeeze %dma_wait3A_140 : memref<1x1x4x32xi32, #tpu.memory_space<hbm>> -> memref<4x32xi32, #tpu.memory_space<hbm>>
      %dma_wait3A_142 = arith.constant 4 : i32
      %dma_wait3A_143 = arith.constant 0 : i32
      %dma_wait3A_144 = tpu.memref_slice %arg5[%arg0, %arg1, %dma_wait3A_142, %dma_wait3A_143] : memref<2x16x656x32xi32, #tpu.memory_space<hbm>> -> memref<1x1x4x32xi32, #tpu.memory_space<hbm>>
      %dma_wait3A_145 = tpu.memref_squeeze %dma_wait3A_144 : memref<1x1x4x32xi32, #tpu.memory_space<hbm>> -> memref<4x32xi32, #tpu.memory_space<hbm>>
      tpu.wait_dma2 semaphore(%arg18 : memref<!tpu.dma_semaphore, #tpu.memory_space<semaphore_mem>>) src(%dma_wait3A_145 : memref<4x32xi32, #tpu.memory_space<hbm>>) dst(%arg10 : memref<4x32xi32, #tpu.memory_space<vmem>>)
      %run_scoped3A_146 = arith.constant 3 : i32
      "tpu.region"() ({
        %run_scoped3A_248 = tpu.sem_alloc : memref<!tpu.dma_semaphore, #tpu.memory_space<semaphore_mem>>
        %dma_start3A_249 = arith.constant 0 : i32
        %dma_start3A_250 = tpu.memref_slice %arg9[%run_scoped3A_146, %dma_start3A_249] : memref<4x32xi32, #tpu.memory_space<vmem>> -> memref<1x32xi32, #tpu.memory_space<vmem>>
        %dma_start3A_251 = tpu.memref_squeeze %dma_start3A_250 : memref<1x32xi32, #tpu.memory_space<vmem>> -> memref<32xi32, #tpu.memory_space<vmem>>
        %dma_start3A_252 = arith.constant 0 : i32
        %dma_start3A_253 = arith.constant 0 : i32
        %dma_start3A_254 = tpu.memref_slice %arg14[%dma_start3A_252, %dma_start3A_253] : memref<5056x128xf32, #tpu.memory_space<vmem_shared>> -> memref<5056x128xf32, #tpu.memory_space<vmem_shared>>
        tpu.enqueue_indirect_dma source(%arg12 : memref<32x128xf32, #tpu.memory_space<vmem>>) target(%dma_start3A_254 : memref<5056x128xf32, #tpu.memory_space<vmem_shared>>) offsets(%dma_start3A_251 : memref<32xi32, #tpu.memory_space<vmem>>) semaphore(%run_scoped3A_248 : memref<!tpu.dma_semaphore, #tpu.memory_space<semaphore_mem>>) {add = true}
        %dma_wait3A_255 = arith.constant 0 : i32
        %dma_wait3A_256 = tpu.memref_slice %arg9[%run_scoped3A_146, %dma_wait3A_255] : memref<4x32xi32, #tpu.memory_space<vmem>> -> memref<1x32xi32, #tpu.memory_space<vmem>>
        %dma_wait3A_257 = tpu.memref_squeeze %dma_wait3A_256 : memref<1x32xi32, #tpu.memory_space<vmem>> -> memref<32xi32, #tpu.memory_space<vmem>>
        %dma_wait3A_258 = arith.constant 0 : i32
        %dma_wait3A_259 = arith.constant 0 : i32
        %dma_wait3A_260 = tpu.memref_slice %arg14[%dma_wait3A_258, %dma_wait3A_259] : memref<5056x128xf32, #tpu.memory_space<vmem_shared>> -> memref<5056x128xf32, #tpu.memory_space<vmem_shared>>
        tpu.wait_indirect_dma semaphore(%run_scoped3A_248 : memref<!tpu.dma_semaphore, #tpu.memory_space<semaphore_mem>>) src(%arg12 : memref<32x128xf32, #tpu.memory_space<vmem>>) dst(%dma_wait3A_260 : memref<5056x128xf32, #tpu.memory_space<vmem_shared>>)
        tpu.yield
      }) : () -> ()
      %add3A_147 = arith.constant 8 : i32
      %add3A_148 = arith.addi %mul3A_63, %add3A_147 : i32
      %dma_start3A_149 = arith.constant 0 : i32
      %dma_start3A_150 = tpu.memref_slice %arg5[%arg0, %arg1, %add3A_148, %dma_start3A_149] : memref<2x16x656x32xi32, #tpu.memory_space<hbm>> -> memref<1x1x4x32xi32, #tpu.memory_space<hbm>>
      %dma_start3A_151 = tpu.memref_squeeze %dma_start3A_150 : memref<1x1x4x32xi32, #tpu.memory_space<hbm>> -> memref<4x32xi32, #tpu.memory_space<hbm>>
      %dma_start3A_152 = arith.constant 0 : i32
      %dma_start3A_153 = tpu.memref_slice %arg5[%arg0, %arg1, %add3A_148, %dma_start3A_152] : memref<2x16x656x32xi32, #tpu.memory_space<hbm>> -> memref<1x1x4x32xi32, #tpu.memory_space<hbm>>
      %dma_start3A_154 = tpu.memref_squeeze %dma_start3A_153 : memref<1x1x4x32xi32, #tpu.memory_space<hbm>> -> memref<4x32xi32, #tpu.memory_space<hbm>>
      tpu.enqueue_dma source(%dma_start3A_154 : memref<4x32xi32, #tpu.memory_space<hbm>>) target(%arg9 : memref<4x32xi32, #tpu.memory_space<vmem>>) target_semaphore(%arg18 : memref<!tpu.dma_semaphore, #tpu.memory_space<semaphore_mem>>)
      %dma_start3A_155 = arith.constant 1 : i32
      %dma_start3A_156 = arith.constant 0 : i32
      %dma_start3A_157 = tpu.memref_slice %arg8[%dma_start3A_155, %dma_start3A_156] : memref<4x32xi32, #tpu.memory_space<vmem>> -> memref<1x32xi32, #tpu.memory_space<vmem>>
      %dma_start3A_158 = tpu.memref_squeeze %dma_start3A_157 : memref<1x32xi32, #tpu.memory_space<vmem>> -> memref<32xi32, #tpu.memory_space<vmem>>
      %dma_start3A_159 = arith.constant 0 : i32
      %dma_start3A_160 = arith.constant 0 : i32
      %dma_start3A_161 = tpu.memref_slice %arg13[%dma_start3A_159, %dma_start3A_160] : memref<10000x128xf32, #tpu.memory_space<vmem_shared>> -> memref<10000x128xf32, #tpu.memory_space<vmem_shared>>
      tpu.enqueue_indirect_dma source(%dma_start3A_161 : memref<10000x128xf32, #tpu.memory_space<vmem_shared>>) target(%arg12 : memref<32x128xf32, #tpu.memory_space<vmem>>) offsets(%dma_start3A_158 : memref<32xi32, #tpu.memory_space<vmem>>) semaphore(%arg16 : memref<!tpu.dma_semaphore, #tpu.memory_space<semaphore_mem>>)
      %dma_wait3A_162 = arith.constant 0 : i32
      %dma_wait3A_163 = arith.constant 0 : i32
      %dma_wait3A_164 = tpu.memref_slice %arg8[%dma_wait3A_162, %dma_wait3A_163] : memref<4x32xi32, #tpu.memory_space<vmem>> -> memref<1x32xi32, #tpu.memory_space<vmem>>
      %dma_wait3A_165 = tpu.memref_squeeze %dma_wait3A_164 : memref<1x32xi32, #tpu.memory_space<vmem>> -> memref<32xi32, #tpu.memory_space<vmem>>
      %dma_wait3A_166 = arith.constant 0 : i32
      %dma_wait3A_167 = arith.constant 0 : i32
      %dma_wait3A_168 = tpu.memref_slice %arg13[%dma_wait3A_166, %dma_wait3A_167] : memref<10000x128xf32, #tpu.memory_space<vmem_shared>> -> memref<10000x128xf32, #tpu.memory_space<vmem_shared>>
      tpu.wait_indirect_dma semaphore(%arg15 : memref<!tpu.dma_semaphore, #tpu.memory_space<semaphore_mem>>) src(%dma_wait3A_168 : memref<10000x128xf32, #tpu.memory_space<vmem_shared>>) dst(%arg11 : memref<32x128xf32, #tpu.memory_space<vmem>>)
      %run_scoped3A_169 = arith.constant 0 : i32
      "tpu.region"() ({
        %run_scoped3A_248 = tpu.sem_alloc : memref<!tpu.dma_semaphore, #tpu.memory_space<semaphore_mem>>
        %dma_start3A_249 = arith.constant 0 : i32
        %dma_start3A_250 = tpu.memref_slice %arg10[%run_scoped3A_169, %dma_start3A_249] : memref<4x32xi32, #tpu.memory_space<vmem>> -> memref<1x32xi32, #tpu.memory_space<vmem>>
        %dma_start3A_251 = tpu.memref_squeeze %dma_start3A_250 : memref<1x32xi32, #tpu.memory_space<vmem>> -> memref<32xi32, #tpu.memory_space<vmem>>
        %dma_start3A_252 = arith.constant 0 : i32
        %dma_start3A_253 = arith.constant 0 : i32
        %dma_start3A_254 = tpu.memref_slice %arg14[%dma_start3A_252, %dma_start3A_253] : memref<5056x128xf32, #tpu.memory_space<vmem_shared>> -> memref<5056x128xf32, #tpu.memory_space<vmem_shared>>
        tpu.enqueue_indirect_dma source(%arg11 : memref<32x128xf32, #tpu.memory_space<vmem>>) target(%dma_start3A_254 : memref<5056x128xf32, #tpu.memory_space<vmem_shared>>) offsets(%dma_start3A_251 : memref<32xi32, #tpu.memory_space<vmem>>) semaphore(%run_scoped3A_248 : memref<!tpu.dma_semaphore, #tpu.memory_space<semaphore_mem>>) {add = true}
        %dma_wait3A_255 = arith.constant 0 : i32
        %dma_wait3A_256 = tpu.memref_slice %arg10[%run_scoped3A_169, %dma_wait3A_255] : memref<4x32xi32, #tpu.memory_space<vmem>> -> memref<1x32xi32, #tpu.memory_space<vmem>>
        %dma_wait3A_257 = tpu.memref_squeeze %dma_wait3A_256 : memref<1x32xi32, #tpu.memory_space<vmem>> -> memref<32xi32, #tpu.memory_space<vmem>>
        %dma_wait3A_258 = arith.constant 0 : i32
        %dma_wait3A_259 = arith.constant 0 : i32
        %dma_wait3A_260 = tpu.memref_slice %arg14[%dma_wait3A_258, %dma_wait3A_259] : memref<5056x128xf32, #tpu.memory_space<vmem_shared>> -> memref<5056x128xf32, #tpu.memory_space<vmem_shared>>
        tpu.wait_indirect_dma semaphore(%run_scoped3A_248 : memref<!tpu.dma_semaphore, #tpu.memory_space<semaphore_mem>>) src(%arg11 : memref<32x128xf32, #tpu.memory_space<vmem>>) dst(%dma_wait3A_260 : memref<5056x128xf32, #tpu.memory_space<vmem_shared>>)
        tpu.yield
      }) : () -> ()
      %dma_start3A_170 = arith.constant 2 : i32
      %dma_start3A_171 = arith.constant 0 : i32
      %dma_start3A_172 = tpu.memref_slice %arg8[%dma_start3A_170, %dma_start3A_171] : memref<4x32xi32, #tpu.memory_space<vmem>> -> memref<1x32xi32, #tpu.memory_space<vmem>>
      %dma_start3A_173 = tpu.memref_squeeze %dma_start3A_172 : memref<1x32xi32, #tpu.memory_space<vmem>> -> memref<32xi32, #tpu.memory_space<vmem>>
      %dma_start3A_174 = arith.constant 0 : i32
      %dma_start3A_175 = arith.constant 0 : i32
      %dma_start3A_176 = tpu.memref_slice %arg13[%dma_start3A_174, %dma_start3A_175] : memref<10000x128xf32, #tpu.memory_space<vmem_shared>> -> memref<10000x128xf32, #tpu.memory_space<vmem_shared>>
      tpu.enqueue_indirect_dma source(%dma_start3A_176 : memref<10000x128xf32, #tpu.memory_space<vmem_shared>>) target(%arg11 : memref<32x128xf32, #tpu.memory_space<vmem>>) offsets(%dma_start3A_173 : memref<32xi32, #tpu.memory_space<vmem>>) semaphore(%arg15 : memref<!tpu.dma_semaphore, #tpu.memory_space<semaphore_mem>>)
      %dma_wait3A_177 = arith.constant 1 : i32
      %dma_wait3A_178 = arith.constant 0 : i32
      %dma_wait3A_179 = tpu.memref_slice %arg8[%dma_wait3A_177, %dma_wait3A_178] : memref<4x32xi32, #tpu.memory_space<vmem>> -> memref<1x32xi32, #tpu.memory_space<vmem>>
      %dma_wait3A_180 = tpu.memref_squeeze %dma_wait3A_179 : memref<1x32xi32, #tpu.memory_space<vmem>> -> memref<32xi32, #tpu.memory_space<vmem>>
      %dma_wait3A_181 = arith.constant 0 : i32
      %dma_wait3A_182 = arith.constant 0 : i32
      %dma_wait3A_183 = tpu.memref_slice %arg13[%dma_wait3A_181, %dma_wait3A_182] : memref<10000x128xf32, #tpu.memory_space<vmem_shared>> -> memref<10000x128xf32, #tpu.memory_space<vmem_shared>>
      tpu.wait_indirect_dma semaphore(%arg16 : memref<!tpu.dma_semaphore, #tpu.memory_space<semaphore_mem>>) src(%dma_wait3A_183 : memref<10000x128xf32, #tpu.memory_space<vmem_shared>>) dst(%arg12 : memref<32x128xf32, #tpu.memory_space<vmem>>)
      %run_scoped3A_184 = arith.constant 1 : i32
      "tpu.region"() ({
        %run_scoped3A_248 = tpu.sem_alloc : memref<!tpu.dma_semaphore, #tpu.memory_space<semaphore_mem>>
        %dma_start3A_249 = arith.constant 0 : i32
        %dma_start3A_250 = tpu.memref_slice %arg10[%run_scoped3A_184, %dma_start3A_249] : memref<4x32xi32, #tpu.memory_space<vmem>> -> memref<1x32xi32, #tpu.memory_space<vmem>>
        %dma_start3A_251 = tpu.memref_squeeze %dma_start3A_250 : memref<1x32xi32, #tpu.memory_space<vmem>> -> memref<32xi32, #tpu.memory_space<vmem>>
        %dma_start3A_252 = arith.constant 0 : i32
        %dma_start3A_253 = arith.constant 0 : i32
        %dma_start3A_254 = tpu.memref_slice %arg14[%dma_start3A_252, %dma_start3A_253] : memref<5056x128xf32, #tpu.memory_space<vmem_shared>> -> memref<5056x128xf32, #tpu.memory_space<vmem_shared>>
        tpu.enqueue_indirect_dma source(%arg12 : memref<32x128xf32, #tpu.memory_space<vmem>>) target(%dma_start3A_254 : memref<5056x128xf32, #tpu.memory_space<vmem_shared>>) offsets(%dma_start3A_251 : memref<32xi32, #tpu.memory_space<vmem>>) semaphore(%run_scoped3A_248 : memref<!tpu.dma_semaphore, #tpu.memory_space<semaphore_mem>>) {add = true}
        %dma_wait3A_255 = arith.constant 0 : i32
        %dma_wait3A_256 = tpu.memref_slice %arg10[%run_scoped3A_184, %dma_wait3A_255] : memref<4x32xi32, #tpu.memory_space<vmem>> -> memref<1x32xi32, #tpu.memory_space<vmem>>
        %dma_wait3A_257 = tpu.memref_squeeze %dma_wait3A_256 : memref<1x32xi32, #tpu.memory_space<vmem>> -> memref<32xi32, #tpu.memory_space<vmem>>
        %dma_wait3A_258 = arith.constant 0 : i32
        %dma_wait3A_259 = arith.constant 0 : i32
        %dma_wait3A_260 = tpu.memref_slice %arg14[%dma_wait3A_258, %dma_wait3A_259] : memref<5056x128xf32, #tpu.memory_space<vmem_shared>> -> memref<5056x128xf32, #tpu.memory_space<vmem_shared>>
        tpu.wait_indirect_dma semaphore(%run_scoped3A_248 : memref<!tpu.dma_semaphore, #tpu.memory_space<semaphore_mem>>) src(%arg12 : memref<32x128xf32, #tpu.memory_space<vmem>>) dst(%dma_wait3A_260 : memref<5056x128xf32, #tpu.memory_space<vmem_shared>>)
        tpu.yield
      }) : () -> ()
      %dma_start3A_185 = arith.constant 3 : i32
      %dma_start3A_186 = arith.constant 0 : i32
      %dma_start3A_187 = tpu.memref_slice %arg8[%dma_start3A_185, %dma_start3A_186] : memref<4x32xi32, #tpu.memory_space<vmem>> -> memref<1x32xi32, #tpu.memory_space<vmem>>
      %dma_start3A_188 = tpu.memref_squeeze %dma_start3A_187 : memref<1x32xi32, #tpu.memory_space<vmem>> -> memref<32xi32, #tpu.memory_space<vmem>>
      %dma_start3A_189 = arith.constant 0 : i32
      %dma_start3A_190 = arith.constant 0 : i32
      %dma_start3A_191 = tpu.memref_slice %arg13[%dma_start3A_189, %dma_start3A_190] : memref<10000x128xf32, #tpu.memory_space<vmem_shared>> -> memref<10000x128xf32, #tpu.memory_space<vmem_shared>>
      tpu.enqueue_indirect_dma source(%dma_start3A_191 : memref<10000x128xf32, #tpu.memory_space<vmem_shared>>) target(%arg12 : memref<32x128xf32, #tpu.memory_space<vmem>>) offsets(%dma_start3A_188 : memref<32xi32, #tpu.memory_space<vmem>>) semaphore(%arg16 : memref<!tpu.dma_semaphore, #tpu.memory_space<semaphore_mem>>)
      %dma_wait3A_192 = arith.constant 2 : i32
      %dma_wait3A_193 = arith.constant 0 : i32
      %dma_wait3A_194 = tpu.memref_slice %arg8[%dma_wait3A_192, %dma_wait3A_193] : memref<4x32xi32, #tpu.memory_space<vmem>> -> memref<1x32xi32, #tpu.memory_space<vmem>>
      %dma_wait3A_195 = tpu.memref_squeeze %dma_wait3A_194 : memref<1x32xi32, #tpu.memory_space<vmem>> -> memref<32xi32, #tpu.memory_space<vmem>>
      %dma_wait3A_196 = arith.constant 0 : i32
      %dma_wait3A_197 = arith.constant 0 : i32
      %dma_wait3A_198 = tpu.memref_slice %arg13[%dma_wait3A_196, %dma_wait3A_197] : memref<10000x128xf32, #tpu.memory_space<vmem_shared>> -> memref<10000x128xf32, #tpu.memory_space<vmem_shared>>
      tpu.wait_indirect_dma semaphore(%arg15 : memref<!tpu.dma_semaphore, #tpu.memory_space<semaphore_mem>>) src(%dma_wait3A_198 : memref<10000x128xf32, #tpu.memory_space<vmem_shared>>) dst(%arg11 : memref<32x128xf32, #tpu.memory_space<vmem>>)
      %run_scoped3A_199 = arith.constant 2 : i32
      "tpu.region"() ({
        %run_scoped3A_248 = tpu.sem_alloc : memref<!tpu.dma_semaphore, #tpu.memory_space<semaphore_mem>>
        %dma_start3A_249 = arith.constant 0 : i32
        %dma_start3A_250 = tpu.memref_slice %arg10[%run_scoped3A_199, %dma_start3A_249] : memref<4x32xi32, #tpu.memory_space<vmem>> -> memref<1x32xi32, #tpu.memory_space<vmem>>
        %dma_start3A_251 = tpu.memref_squeeze %dma_start3A_250 : memref<1x32xi32, #tpu.memory_space<vmem>> -> memref<32xi32, #tpu.memory_space<vmem>>
        %dma_start3A_252 = arith.constant 0 : i32
        %dma_start3A_253 = arith.constant 0 : i32
        %dma_start3A_254 = tpu.memref_slice %arg14[%dma_start3A_252, %dma_start3A_253] : memref<5056x128xf32, #tpu.memory_space<vmem_shared>> -> memref<5056x128xf32, #tpu.memory_space<vmem_shared>>
        tpu.enqueue_indirect_dma source(%arg11 : memref<32x128xf32, #tpu.memory_space<vmem>>) target(%dma_start3A_254 : memref<5056x128xf32, #tpu.memory_space<vmem_shared>>) offsets(%dma_start3A_251 : memref<32xi32, #tpu.memory_space<vmem>>) semaphore(%run_scoped3A_248 : memref<!tpu.dma_semaphore, #tpu.memory_space<semaphore_mem>>) {add = true}
        %dma_wait3A_255 = arith.constant 0 : i32
        %dma_wait3A_256 = tpu.memref_slice %arg10[%run_scoped3A_199, %dma_wait3A_255] : memref<4x32xi32, #tpu.memory_space<vmem>> -> memref<1x32xi32, #tpu.memory_space<vmem>>
        %dma_wait3A_257 = tpu.memref_squeeze %dma_wait3A_256 : memref<1x32xi32, #tpu.memory_space<vmem>> -> memref<32xi32, #tpu.memory_space<vmem>>
        %dma_wait3A_258 = arith.constant 0 : i32
        %dma_wait3A_259 = arith.constant 0 : i32
        %dma_wait3A_260 = tpu.memref_slice %arg14[%dma_wait3A_258, %dma_wait3A_259] : memref<5056x128xf32, #tpu.memory_space<vmem_shared>> -> memref<5056x128xf32, #tpu.memory_space<vmem_shared>>
        tpu.wait_indirect_dma semaphore(%run_scoped3A_248 : memref<!tpu.dma_semaphore, #tpu.memory_space<semaphore_mem>>) src(%arg11 : memref<32x128xf32, #tpu.memory_space<vmem>>) dst(%dma_wait3A_260 : memref<5056x128xf32, #tpu.memory_space<vmem_shared>>)
        tpu.yield
      }) : () -> ()
      %dma_wait3A_200 = arith.constant 0 : i32
      %dma_wait3A_201 = arith.constant 0 : i32
      %dma_wait3A_202 = tpu.memref_slice %arg4[%arg1, %dma_wait3A_200, %dma_wait3A_201] : memref<16x656x32xi32, #tpu.memory_space<hbm>> -> memref<1x4x32xi32, #tpu.memory_space<hbm>>
      %dma_wait3A_203 = tpu.memref_squeeze %dma_wait3A_202 : memref<1x4x32xi32, #tpu.memory_space<hbm>> -> memref<4x32xi32, #tpu.memory_space<hbm>>
      %dma_wait3A_204 = arith.constant 0 : i32
      %dma_wait3A_205 = arith.constant 0 : i32
      %dma_wait3A_206 = tpu.memref_slice %arg4[%arg1, %dma_wait3A_204, %dma_wait3A_205] : memref<16x656x32xi32, #tpu.memory_space<hbm>> -> memref<1x4x32xi32, #tpu.memory_space<hbm>>
      %dma_wait3A_207 = tpu.memref_squeeze %dma_wait3A_206 : memref<1x4x32xi32, #tpu.memory_space<hbm>> -> memref<4x32xi32, #tpu.memory_space<hbm>>
      tpu.wait_dma2 semaphore(%arg17 : memref<!tpu.dma_semaphore, #tpu.memory_space<semaphore_mem>>) src(%dma_wait3A_207 : memref<4x32xi32, #tpu.memory_space<hbm>>) dst(%arg7 : memref<4x32xi32, #tpu.memory_space<vmem>>)
      %dma_start3A_208 = arith.constant 0 : i32
      %dma_start3A_209 = arith.constant 0 : i32
      %dma_start3A_210 = tpu.memref_slice %arg7[%dma_start3A_208, %dma_start3A_209] : memref<4x32xi32, #tpu.memory_space<vmem>> -> memref<1x32xi32, #tpu.memory_space<vmem>>
      %dma_start3A_211 = tpu.memref_squeeze %dma_start3A_210 : memref<1x32xi32, #tpu.memory_space<vmem>> -> memref<32xi32, #tpu.memory_space<vmem>>
      %dma_start3A_212 = arith.constant 0 : i32
      %dma_start3A_213 = arith.constant 0 : i32
      %dma_start3A_214 = tpu.memref_slice %arg13[%dma_start3A_212, %dma_start3A_213] : memref<10000x128xf32, #tpu.memory_space<vmem_shared>> -> memref<10000x128xf32, #tpu.memory_space<vmem_shared>>
      tpu.enqueue_indirect_dma source(%dma_start3A_214 : memref<10000x128xf32, #tpu.memory_space<vmem_shared>>) target(%arg11 : memref<32x128xf32, #tpu.memory_space<vmem>>) offsets(%dma_start3A_211 : memref<32xi32, #tpu.memory_space<vmem>>) semaphore(%arg15 : memref<!tpu.dma_semaphore, #tpu.memory_space<semaphore_mem>>)
      %dma_wait3A_215 = arith.constant 3 : i32
      %dma_wait3A_216 = arith.constant 0 : i32
      %dma_wait3A_217 = tpu.memref_slice %arg8[%dma_wait3A_215, %dma_wait3A_216] : memref<4x32xi32, #tpu.memory_space<vmem>> -> memref<1x32xi32, #tpu.memory_space<vmem>>
      %dma_wait3A_218 = tpu.memref_squeeze %dma_wait3A_217 : memref<1x32xi32, #tpu.memory_space<vmem>> -> memref<32xi32, #tpu.memory_space<vmem>>
      %dma_wait3A_219 = arith.constant 0 : i32
      %dma_wait3A_220 = arith.constant 0 : i32
      %dma_wait3A_221 = tpu.memref_slice %arg13[%dma_wait3A_219, %dma_wait3A_220] : memref<10000x128xf32, #tpu.memory_space<vmem_shared>> -> memref<10000x128xf32, #tpu.memory_space<vmem_shared>>
      tpu.wait_indirect_dma semaphore(%arg16 : memref<!tpu.dma_semaphore, #tpu.memory_space<semaphore_mem>>) src(%dma_wait3A_221 : memref<10000x128xf32, #tpu.memory_space<vmem_shared>>) dst(%arg12 : memref<32x128xf32, #tpu.memory_space<vmem>>)
      %add3A_222 = arith.constant 12 : i32
      %add3A_223 = arith.addi %mul3A_63, %add3A_222 : i32
      %dma_start3A_224 = arith.constant 0 : i32
      %dma_start3A_225 = tpu.memref_slice %arg4[%arg1, %add3A_223, %dma_start3A_224] : memref<16x656x32xi32, #tpu.memory_space<hbm>> -> memref<1x4x32xi32, #tpu.memory_space<hbm>>
      %dma_start3A_226 = tpu.memref_squeeze %dma_start3A_225 : memref<1x4x32xi32, #tpu.memory_space<hbm>> -> memref<4x32xi32, #tpu.memory_space<hbm>>
      %dma_start3A_227 = arith.constant 0 : i32
      %dma_start3A_228 = tpu.memref_slice %arg4[%arg1, %add3A_223, %dma_start3A_227] : memref<16x656x32xi32, #tpu.memory_space<hbm>> -> memref<1x4x32xi32, #tpu.memory_space<hbm>>
      %dma_start3A_229 = tpu.memref_squeeze %dma_start3A_228 : memref<1x4x32xi32, #tpu.memory_space<hbm>> -> memref<4x32xi32, #tpu.memory_space<hbm>>
      tpu.enqueue_dma source(%dma_start3A_229 : memref<4x32xi32, #tpu.memory_space<hbm>>) target(%arg8 : memref<4x32xi32, #tpu.memory_space<vmem>>) target_semaphore(%arg17 : memref<!tpu.dma_semaphore, #tpu.memory_space<semaphore_mem>>)
      %dma_wait3A_230 = arith.constant 4 : i32
      %dma_wait3A_231 = arith.constant 0 : i32
      %dma_wait3A_232 = tpu.memref_slice %arg5[%arg0, %arg1, %dma_wait3A_230, %dma_wait3A_231] : memref<2x16x656x32xi32, #tpu.memory_space<hbm>> -> memref<1x1x4x32xi32, #tpu.memory_space<hbm>>
      %dma_wait3A_233 = tpu.memref_squeeze %dma_wait3A_232 : memref<1x1x4x32xi32, #tpu.memory_space<hbm>> -> memref<4x32xi32, #tpu.memory_space<hbm>>
      %dma_wait3A_234 = arith.constant 4 : i32
      %dma_wait3A_235 = arith.constant 0 : i32
      %dma_wait3A_236 = tpu.memref_slice %arg5[%arg0, %arg1, %dma_wait3A_234, %dma_wait3A_235] : memref<2x16x656x32xi32, #tpu.memory_space<hbm>> -> memref<1x1x4x32xi32, #tpu.memory_space<hbm>>
      %dma_wait3A_237 = tpu.memref_squeeze %dma_wait3A_236 : memref<1x1x4x32xi32, #tpu.memory_space<hbm>> -> memref<4x32xi32, #tpu.memory_space<hbm>>
      tpu.wait_dma2 semaphore(%arg18 : memref<!tpu.dma_semaphore, #tpu.memory_space<semaphore_mem>>) src(%dma_wait3A_237 : memref<4x32xi32, #tpu.memory_space<hbm>>) dst(%arg9 : memref<4x32xi32, #tpu.memory_space<vmem>>)
      %run_scoped3A_238 = arith.constant 3 : i32
      "tpu.region"() ({
        %run_scoped3A_248 = tpu.sem_alloc : memref<!tpu.dma_semaphore, #tpu.memory_space<semaphore_mem>>
        %dma_start3A_249 = arith.constant 0 : i32
        %dma_start3A_250 = tpu.memref_slice %arg10[%run_scoped3A_238, %dma_start3A_249] : memref<4x32xi32, #tpu.memory_space<vmem>> -> memref<1x32xi32, #tpu.memory_space<vmem>>
        %dma_start3A_251 = tpu.memref_squeeze %dma_start3A_250 : memref<1x32xi32, #tpu.memory_space<vmem>> -> memref<32xi32, #tpu.memory_space<vmem>>
        %dma_start3A_252 = arith.constant 0 : i32
        %dma_start3A_253 = arith.constant 0 : i32
        %dma_start3A_254 = tpu.memref_slice %arg14[%dma_start3A_252, %dma_start3A_253] : memref<5056x128xf32, #tpu.memory_space<vmem_shared>> -> memref<5056x128xf32, #tpu.memory_space<vmem_shared>>
        tpu.enqueue_indirect_dma source(%arg12 : memref<32x128xf32, #tpu.memory_space<vmem>>) target(%dma_start3A_254 : memref<5056x128xf32, #tpu.memory_space<vmem_shared>>) offsets(%dma_start3A_251 : memref<32xi32, #tpu.memory_space<vmem>>) semaphore(%run_scoped3A_248 : memref<!tpu.dma_semaphore, #tpu.memory_space<semaphore_mem>>) {add = true}
        %dma_wait3A_255 = arith.constant 0 : i32
        %dma_wait3A_256 = tpu.memref_slice %arg10[%run_scoped3A_238, %dma_wait3A_255] : memref<4x32xi32, #tpu.memory_space<vmem>> -> memref<1x32xi32, #tpu.memory_space<vmem>>
        %dma_wait3A_257 = tpu.memref_squeeze %dma_wait3A_256 : memref<1x32xi32, #tpu.memory_space<vmem>> -> memref<32xi32, #tpu.memory_space<vmem>>
        %dma_wait3A_258 = arith.constant 0 : i32
        %dma_wait3A_259 = arith.constant 0 : i32
        %dma_wait3A_260 = tpu.memref_slice %arg14[%dma_wait3A_258, %dma_wait3A_259] : memref<5056x128xf32, #tpu.memory_space<vmem_shared>> -> memref<5056x128xf32, #tpu.memory_space<vmem_shared>>
        tpu.wait_indirect_dma semaphore(%run_scoped3A_248 : memref<!tpu.dma_semaphore, #tpu.memory_space<semaphore_mem>>) src(%arg12 : memref<32x128xf32, #tpu.memory_space<vmem>>) dst(%dma_wait3A_260 : memref<5056x128xf32, #tpu.memory_space<vmem_shared>>)
        tpu.yield
      }) : () -> ()
      %add3A_239 = arith.constant 12 : i32
      %add3A_240 = arith.addi %mul3A_63, %add3A_239 : i32
      %dma_start3A_241 = arith.constant 0 : i32
      %dma_start3A_242 = tpu.memref_slice %arg5[%arg0, %arg1, %add3A_240, %dma_start3A_241] : memref<2x16x656x32xi32, #tpu.memory_space<hbm>> -> memref<1x1x4x32xi32, #tpu.memory_space<hbm>>
      %dma_start3A_243 = tpu.memref_squeeze %dma_start3A_242 : memref<1x1x4x32xi32, #tpu.memory_space<hbm>> -> memref<4x32xi32, #tpu.memory_space<hbm>>
      %dma_start3A_244 = arith.constant 0 : i32
      %dma_start3A_245 = tpu.memref_slice %arg5[%arg0, %arg1, %add3A_240, %dma_start3A_244] : memref<2x16x656x32xi32, #tpu.memory_space<hbm>> -> memref<1x1x4x32xi32, #tpu.memory_space<hbm>>
      %dma_start3A_246 = tpu.memref_squeeze %dma_start3A_245 : memref<1x1x4x32xi32, #tpu.memory_space<hbm>> -> memref<4x32xi32, #tpu.memory_space<hbm>>
      tpu.enqueue_dma source(%dma_start3A_246 : memref<4x32xi32, #tpu.memory_space<hbm>>) target(%arg10 : memref<4x32xi32, #tpu.memory_space<vmem>>) target_semaphore(%arg18 : memref<!tpu.dma_semaphore, #tpu.memory_space<semaphore_mem>>)
      %scan3A_247 = arith.constant 0 : i32
      scf.yield %scan3A_247 : i32
    }
    %scan3A_32 = arith.constant 80 : i32
    %dma_wait3A = arith.constant 0 : i32
    %dma_wait3A_33 = arith.constant 0 : i32
    %dma_wait3A_34 = tpu.memref_slice %arg4[%arg1, %dma_wait3A, %dma_wait3A_33] : memref<16x656x32xi32, #tpu.memory_space<hbm>> -> memref<1x4x32xi32, #tpu.memory_space<hbm>>
    %dma_wait3A_35 = tpu.memref_squeeze %dma_wait3A_34 : memref<1x4x32xi32, #tpu.memory_space<hbm>> -> memref<4x32xi32, #tpu.memory_space<hbm>>
    %dma_wait3A_36 = arith.constant 0 : i32
    %dma_wait3A_37 = arith.constant 0 : i32
    %dma_wait3A_38 = tpu.memref_slice %arg4[%arg1, %dma_wait3A_36, %dma_wait3A_37] : memref<16x656x32xi32, #tpu.memory_space<hbm>> -> memref<1x4x32xi32, #tpu.memory_space<hbm>>
    %dma_wait3A_39 = tpu.memref_squeeze %dma_wait3A_38 : memref<1x4x32xi32, #tpu.memory_space<hbm>> -> memref<4x32xi32, #tpu.memory_space<hbm>>
    tpu.wait_dma2 semaphore(%arg17 : memref<!tpu.dma_semaphore, #tpu.memory_space<semaphore_mem>>) src(%dma_wait3A_39 : memref<4x32xi32, #tpu.memory_space<hbm>>) dst(%arg8 : memref<4x32xi32, #tpu.memory_space<vmem>>)
    %dma_wait3A_40 = arith.constant 4 : i32
    %dma_wait3A_41 = arith.constant 0 : i32
    %dma_wait3A_42 = tpu.memref_slice %arg5[%arg0, %arg1, %dma_wait3A_40, %dma_wait3A_41] : memref<2x16x656x32xi32, #tpu.memory_space<hbm>> -> memref<1x1x4x32xi32, #tpu.memory_space<hbm>>
    %dma_wait3A_43 = tpu.memref_squeeze %dma_wait3A_42 : memref<1x1x4x32xi32, #tpu.memory_space<hbm>> -> memref<4x32xi32, #tpu.memory_space<hbm>>
    %dma_wait3A_44 = arith.constant 4 : i32
    %dma_wait3A_45 = arith.constant 0 : i32
    %dma_wait3A_46 = tpu.memref_slice %arg5[%arg0, %arg1, %dma_wait3A_44, %dma_wait3A_45] : memref<2x16x656x32xi32, #tpu.memory_space<hbm>> -> memref<1x1x4x32xi32, #tpu.memory_space<hbm>>
    %dma_wait3A_47 = tpu.memref_squeeze %dma_wait3A_46 : memref<1x1x4x32xi32, #tpu.memory_space<hbm>> -> memref<4x32xi32, #tpu.memory_space<hbm>>
    tpu.wait_dma2 semaphore(%arg18 : memref<!tpu.dma_semaphore, #tpu.memory_space<semaphore_mem>>) src(%dma_wait3A_47 : memref<4x32xi32, #tpu.memory_space<hbm>>) dst(%arg10 : memref<4x32xi32, #tpu.memory_space<vmem>>)
    %dma_wait3A_48 = arith.constant 0 : i32
    %dma_wait3A_49 = arith.constant 0 : i32
    %dma_wait3A_50 = tpu.memref_slice %arg7[%dma_wait3A_48, %dma_wait3A_49] : memref<4x32xi32, #tpu.memory_space<vmem>> -> memref<1x32xi32, #tpu.memory_space<vmem>>
    %dma_wait3A_51 = tpu.memref_squeeze %dma_wait3A_50 : memref<1x32xi32, #tpu.memory_space<vmem>> -> memref<32xi32, #tpu.memory_space<vmem>>
    %dma_wait3A_52 = arith.constant 0 : i32
    %dma_wait3A_53 = arith.constant 0 : i32
    %dma_wait3A_54 = tpu.memref_slice %arg13[%dma_wait3A_52, %dma_wait3A_53] : memref<10000x128xf32, #tpu.memory_space<vmem_shared>> -> memref<10000x128xf32, #tpu.memory_space<vmem_shared>>
    tpu.wait_indirect_dma semaphore(%arg15 : memref<!tpu.dma_semaphore, #tpu.memory_space<semaphore_mem>>) src(%dma_wait3A_54 : memref<10000x128xf32, #tpu.memory_space<vmem_shared>>) dst(%arg11 : memref<32x128xf32, #tpu.memory_space<vmem>>)
    %barrier3A_55 = arith.constant 0 : index
    tpu.barrier barrier_id(%barrier3A_55)
    %lt3A = arith.constant 8 : i32
    %lt3A_56 = arith.cmpi slt, %arg1, %lt3A : i32
    %convert_element_type3A_57 = arith.extui %lt3A_56 : i1 to i32
    %cond3A_58 = arith.constant 0 : i32
    %cond3A_59 = arith.cmpi ne, %convert_element_type3A_57, %cond3A_58 : i32
    scf.if %cond3A_59 {
      %mul3A_60 = arith.constant 632 : i32
      %mul3A_61 = arith.muli %arg1, %mul3A_60 : i32
      %mul3A_62 = arith.constant 632 : i32
      %mul3A_63 = arith.muli %arg1, %mul3A_62 : i32
      "tpu.region"() ({
        %run_scoped3A = tpu.sem_alloc : memref<!tpu.dma_semaphore, #tpu.memory_space<semaphore_mem>>
        %dma_start3A_64 = arith.constant 0 : i32
        %dma_start3A_65 = tpu.memref_slice %arg6[%arg0, %mul3A_63, %dma_start3A_64] : memref<2x5056x128xf32, #tpu.memory_space<hbm>> -> memref<1x632x128xf32, #tpu.memory_space<hbm>>
        %dma_start3A_66 = tpu.memref_squeeze %dma_start3A_65 : memref<1x632x128xf32, #tpu.memory_space<hbm>> -> memref<632x128xf32, #tpu.memory_space<hbm>>
        %dma_start3A_67 = arith.constant 0 : i32
        %dma_start3A_68 = tpu.memref_slice %arg14[%mul3A_61, %dma_start3A_67] : memref<5056x128xf32, #tpu.memory_space<vmem_shared>> -> memref<632x128xf32, #tpu.memory_space<vmem_shared>>
        tpu.enqueue_dma source(%dma_start3A_68 : memref<632x128xf32, #tpu.memory_space<vmem_shared>>) target(%dma_start3A_66 : memref<632x128xf32, #tpu.memory_space<hbm>>) target_semaphore(%run_scoped3A : memref<!tpu.dma_semaphore, #tpu.memory_space<semaphore_mem>>)
        %dma_wait3A_69 = arith.constant 0 : i32
        %dma_wait3A_70 = tpu.memref_slice %arg6[%arg0, %mul3A_63, %dma_wait3A_69] : memref<2x5056x128xf32, #tpu.memory_space<hbm>> -> memref<1x632x128xf32, #tpu.memory_space<hbm>>
        %dma_wait3A_71 = tpu.memref_squeeze %dma_wait3A_70 : memref<1x632x128xf32, #tpu.memory_space<hbm>> -> memref<632x128xf32, #tpu.memory_space<hbm>>
        %dma_wait3A_72 = arith.constant 0 : i32
        %dma_wait3A_73 = tpu.memref_slice %arg14[%mul3A_61, %dma_wait3A_72] : memref<5056x128xf32, #tpu.memory_space<vmem_shared>> -> memref<632x128xf32, #tpu.memory_space<vmem_shared>>
        tpu.wait_dma2 semaphore(%run_scoped3A : memref<!tpu.dma_semaphore, #tpu.memory_space<semaphore_mem>>) src(%dma_wait3A_73 : memref<632x128xf32, #tpu.memory_space<vmem_shared>>) dst(%dma_wait3A_71 : memref<632x128xf32, #tpu.memory_space<hbm>>)
        tpu.yield
      }) : () -> ()
    } else {
    }
    return
  }
}

#map = affine_map<(d0, d1) -> (0, 0)>
#map1 = affine_map<(d0, d1) -> (0, 0, 0)>
#map2 = affine_map<(d0, d1) -> (0, 0, 0, 0)>
module attributes {stable_mosaic.version = 14 : i64} {
  func.func @_sc_body(%arg0: i32, %arg1: i32, %arg2: memref<10000x128xf32, #tpu.memory_space<hbm>>, %arg3: memref<632x128xf32, #tpu.memory_space<hbm>>, %arg4: memref<16x656x32xi32, #tpu.memory_space<hbm>>, %arg5: memref<2x16x656x32xi32, #tpu.memory_space<hbm>>, %arg6: memref<2x5056x128xf32, #tpu.memory_space<hbm>>, %arg7: memref<4x32xi32, #tpu.memory_space<vmem>>, %arg8: memref<4x32xi32, #tpu.memory_space<vmem>>, %arg9: memref<4x32xi32, #tpu.memory_space<vmem>>, %arg10: memref<4x32xi32, #tpu.memory_space<vmem>>, %arg11: memref<32x128xf32, #tpu.memory_space<vmem>>, %arg12: memref<32x128xf32, #tpu.memory_space<vmem>>, %arg13: memref<10000x128xf32, #tpu.memory_space<vmem_shared>>, %arg14: memref<5056x128xf32, #tpu.memory_space<vmem_shared>>, %arg15: memref<!tpu.dma_semaphore, #tpu.memory_space<semaphore_mem>>, %arg16: memref<!tpu.dma_semaphore, #tpu.memory_space<semaphore_mem>>, %arg17: memref<!tpu.dma_semaphore, #tpu.memory_space<semaphore_mem>>, %arg18: memref<!tpu.dma_semaphore, #tpu.memory_space<semaphore_mem>>) attributes {dimension_semantics = [#tpu.dimension_semantics<core_parallel>, #tpu.dimension_semantics<subcore_parallel>], iteration_bounds = array<i64: 2, 16>, scalar_prefetch = 0 : i64, scratch_operands = 12 : i64, tpu.core_type = #tpu.core_type<sc_vector_subcore>, window_params = [{transform_indices = #map}, {transform_indices = #map}, {transform_indices = #map1}, {transform_indices = #map2}, {transform_indices = #map1}]} {
    %mul3A = arith.constant 632 : i32
    %mul3A_0 = arith.muli %arg1, %mul3A : i32
    "tpu.region"() ({
      %run_scoped3A = tpu.sem_alloc : memref<!tpu.dma_semaphore, #tpu.memory_space<semaphore_mem>>
      %dma_start3A_60 = arith.constant 0 : i32
      %dma_start3A_61 = tpu.memref_slice %arg13[%mul3A_0, %dma_start3A_60] : memref<10000x128xf32, #tpu.memory_space<vmem_shared>> -> memref<520x128xf32, #tpu.memory_space<vmem_shared>>
      %dma_start3A_62 = arith.constant 0 : i32
      %dma_start3A_63 = tpu.memref_slice %arg2[%mul3A_0, %dma_start3A_62] : memref<10000x128xf32, #tpu.memory_space<hbm>> -> memref<520x128xf32, #tpu.memory_space<hbm>>
      tpu.enqueue_dma source(%dma_start3A_63 : memref<520x128xf32, #tpu.memory_space<hbm>>) target(%dma_start3A_61 : memref<520x128xf32, #tpu.memory_space<vmem_shared>>) target_semaphore(%run_scoped3A : memref<!tpu.dma_semaphore, #tpu.memory_space<semaphore_mem>>)
      %dma_wait3A_64 = arith.constant 0 : i32
      %dma_wait3A_65 = tpu.memref_slice %arg13[%mul3A_0, %dma_wait3A_64] : memref<10000x128xf32, #tpu.memory_space<vmem_shared>> -> memref<520x128xf32, #tpu.memory_space<vmem_shared>>
      %dma_wait3A_66 = arith.constant 0 : i32
      %dma_wait3A_67 = tpu.memref_slice %arg2[%mul3A_0, %dma_wait3A_66] : memref<10000x128xf32, #tpu.memory_space<hbm>> -> memref<520x128xf32, #tpu.memory_space<hbm>>
      tpu.wait_dma2 semaphore(%run_scoped3A : memref<!tpu.dma_semaphore, #tpu.memory_space<semaphore_mem>>) src(%dma_wait3A_67 : memref<520x128xf32, #tpu.memory_space<hbm>>) dst(%dma_wait3A_65 : memref<520x128xf32, #tpu.memory_space<vmem_shared>>)
      tpu.yield
    }) : () -> ()
    %add3A = arith.constant 520 : i32
    %add3A_1 = arith.addi %mul3A_0, %add3A : i32
    %min3A = arith.constant 9888 : i32
    %min3A_2 = arith.minsi %add3A_1, %min3A : i32
    "tpu.region"() ({
      %run_scoped3A = tpu.sem_alloc : memref<!tpu.dma_semaphore, #tpu.memory_space<semaphore_mem>>
      %dma_start3A_60 = arith.constant 0 : i32
      %dma_start3A_61 = tpu.memref_slice %arg13[%min3A_2, %dma_start3A_60] : memref<10000x128xf32, #tpu.memory_space<vmem_shared>> -> memref<112x128xf32, #tpu.memory_space<vmem_shared>>
      %dma_start3A_62 = arith.constant 0 : i32
      %dma_start3A_63 = tpu.memref_slice %arg2[%min3A_2, %dma_start3A_62] : memref<10000x128xf32, #tpu.memory_space<hbm>> -> memref<112x128xf32, #tpu.memory_space<hbm>>
      tpu.enqueue_dma source(%dma_start3A_63 : memref<112x128xf32, #tpu.memory_space<hbm>>) target(%dma_start3A_61 : memref<112x128xf32, #tpu.memory_space<vmem_shared>>) target_semaphore(%run_scoped3A : memref<!tpu.dma_semaphore, #tpu.memory_space<semaphore_mem>>)
      %dma_wait3A_64 = arith.constant 0 : i32
      %dma_wait3A_65 = tpu.memref_slice %arg13[%min3A_2, %dma_wait3A_64] : memref<10000x128xf32, #tpu.memory_space<vmem_shared>> -> memref<112x128xf32, #tpu.memory_space<vmem_shared>>
      %dma_wait3A_66 = arith.constant 0 : i32
      %dma_wait3A_67 = tpu.memref_slice %arg2[%min3A_2, %dma_wait3A_66] : memref<10000x128xf32, #tpu.memory_space<hbm>> -> memref<112x128xf32, #tpu.memory_space<hbm>>
      tpu.wait_dma2 semaphore(%run_scoped3A : memref<!tpu.dma_semaphore, #tpu.memory_space<semaphore_mem>>) src(%dma_wait3A_67 : memref<112x128xf32, #tpu.memory_space<hbm>>) dst(%dma_wait3A_65 : memref<112x128xf32, #tpu.memory_space<vmem_shared>>)
      tpu.yield
    }) : () -> ()
    %ge3A = arith.constant 8 : i32
    %ge3A_3 = arith.cmpi sge, %arg1, %ge3A : i32
    %convert_element_type3A = arith.extui %ge3A_3 : i1 to i32
    %cond3A = arith.constant 0 : i32
    %cond3A_4 = arith.cmpi ne, %convert_element_type3A, %cond3A : i32
    scf.if %cond3A_4 {
      %sub3A = arith.constant 8 : i32
      %sub3A_60 = arith.subi %arg1, %sub3A : i32
      %mul3A_61 = arith.constant 632 : i32
      %mul3A_62 = arith.muli %sub3A_60, %mul3A_61 : i32
      "tpu.region"() ({
        %run_scoped3A = tpu.sem_alloc : memref<!tpu.dma_semaphore, #tpu.memory_space<semaphore_mem>>
        %dma_start3A_63 = arith.constant 0 : i32
        %dma_start3A_64 = tpu.memref_slice %arg14[%mul3A_62, %dma_start3A_63] : memref<5056x128xf32, #tpu.memory_space<vmem_shared>> -> memref<632x128xf32, #tpu.memory_space<vmem_shared>>
        tpu.enqueue_dma source(%arg3 : memref<632x128xf32, #tpu.memory_space<hbm>>) target(%dma_start3A_64 : memref<632x128xf32, #tpu.memory_space<vmem_shared>>) target_semaphore(%run_scoped3A : memref<!tpu.dma_semaphore, #tpu.memory_space<semaphore_mem>>)
        %dma_wait3A_65 = arith.constant 0 : i32
        %dma_wait3A_66 = tpu.memref_slice %arg14[%mul3A_62, %dma_wait3A_65] : memref<5056x128xf32, #tpu.memory_space<vmem_shared>> -> memref<632x128xf32, #tpu.memory_space<vmem_shared>>
        tpu.wait_dma2 semaphore(%run_scoped3A : memref<!tpu.dma_semaphore, #tpu.memory_space<semaphore_mem>>) src(%arg3 : memref<632x128xf32, #tpu.memory_space<hbm>>) dst(%dma_wait3A_66 : memref<632x128xf32, #tpu.memory_space<vmem_shared>>)
        tpu.yield
      }) : () -> ()
    } else {
    }
    "tpu.region"() ({
      %run_scoped3A = tpu.sem_alloc : memref<!tpu.dma_semaphore, #tpu.memory_space<semaphore_mem>>
      %dma_start3A_60 = arith.constant 0 : i32
      %dma_start3A_61 = arith.constant 0 : i32
      %dma_start3A_62 = tpu.memref_slice %arg4[%arg1, %dma_start3A_60, %dma_start3A_61] : memref<16x656x32xi32, #tpu.memory_space<hbm>> -> memref<1x4x32xi32, #tpu.memory_space<hbm>>
      %dma_start3A_63 = tpu.memref_squeeze %dma_start3A_62 : memref<1x4x32xi32, #tpu.memory_space<hbm>> -> memref<4x32xi32, #tpu.memory_space<hbm>>
      %dma_start3A_64 = arith.constant 0 : i32
      %dma_start3A_65 = arith.constant 0 : i32
      %dma_start3A_66 = tpu.memref_slice %arg4[%arg1, %dma_start3A_64, %dma_start3A_65] : memref<16x656x32xi32, #tpu.memory_space<hbm>> -> memref<1x4x32xi32, #tpu.memory_space<hbm>>
      %dma_start3A_67 = tpu.memref_squeeze %dma_start3A_66 : memref<1x4x32xi32, #tpu.memory_space<hbm>> -> memref<4x32xi32, #tpu.memory_space<hbm>>
      tpu.enqueue_dma source(%dma_start3A_67 : memref<4x32xi32, #tpu.memory_space<hbm>>) target(%arg7 : memref<4x32xi32, #tpu.memory_space<vmem>>) target_semaphore(%run_scoped3A : memref<!tpu.dma_semaphore, #tpu.memory_space<semaphore_mem>>)
      %dma_wait3A_68 = arith.constant 0 : i32
      %dma_wait3A_69 = arith.constant 0 : i32
      %dma_wait3A_70 = tpu.memref_slice %arg4[%arg1, %dma_wait3A_68, %dma_wait3A_69] : memref<16x656x32xi32, #tpu.memory_space<hbm>> -> memref<1x4x32xi32, #tpu.memory_space<hbm>>
      %dma_wait3A_71 = tpu.memref_squeeze %dma_wait3A_70 : memref<1x4x32xi32, #tpu.memory_space<hbm>> -> memref<4x32xi32, #tpu.memory_space<hbm>>
      %dma_wait3A_72 = arith.constant 0 : i32
      %dma_wait3A_73 = arith.constant 0 : i32
      %dma_wait3A_74 = tpu.memref_slice %arg4[%arg1, %dma_wait3A_72, %dma_wait3A_73] : memref<16x656x32xi32, #tpu.memory_space<hbm>> -> memref<1x4x32xi32, #tpu.memory_space<hbm>>
      %dma_wait3A_75 = tpu.memref_squeeze %dma_wait3A_74 : memref<1x4x32xi32, #tpu.memory_space<hbm>> -> memref<4x32xi32, #tpu.memory_space<hbm>>
      tpu.wait_dma2 semaphore(%run_scoped3A : memref<!tpu.dma_semaphore, #tpu.memory_space<semaphore_mem>>) src(%dma_wait3A_75 : memref<4x32xi32, #tpu.memory_space<hbm>>) dst(%arg7 : memref<4x32xi32, #tpu.memory_space<vmem>>)
      tpu.yield
    }) : () -> ()
    "tpu.region"() ({
      %run_scoped3A = tpu.sem_alloc : memref<!tpu.dma_semaphore, #tpu.memory_space<semaphore_mem>>
      %dma_start3A_60 = arith.constant 0 : i32
      %dma_start3A_61 = arith.constant 0 : i32
      %dma_start3A_62 = tpu.memref_slice %arg5[%arg0, %arg1, %dma_start3A_60, %dma_start3A_61] : memref<2x16x656x32xi32, #tpu.memory_space<hbm>> -> memref<1x1x4x32xi32, #tpu.memory_space<hbm>>
      %dma_start3A_63 = tpu.memref_squeeze %dma_start3A_62 : memref<1x1x4x32xi32, #tpu.memory_space<hbm>> -> memref<4x32xi32, #tpu.memory_space<hbm>>
      %dma_start3A_64 = arith.constant 0 : i32
      %dma_start3A_65 = arith.constant 0 : i32
      %dma_start3A_66 = tpu.memref_slice %arg5[%arg0, %arg1, %dma_start3A_64, %dma_start3A_65] : memref<2x16x656x32xi32, #tpu.memory_space<hbm>> -> memref<1x1x4x32xi32, #tpu.memory_space<hbm>>
      %dma_start3A_67 = tpu.memref_squeeze %dma_start3A_66 : memref<1x1x4x32xi32, #tpu.memory_space<hbm>> -> memref<4x32xi32, #tpu.memory_space<hbm>>
      tpu.enqueue_dma source(%dma_start3A_67 : memref<4x32xi32, #tpu.memory_space<hbm>>) target(%arg9 : memref<4x32xi32, #tpu.memory_space<vmem>>) target_semaphore(%run_scoped3A : memref<!tpu.dma_semaphore, #tpu.memory_space<semaphore_mem>>)
      %dma_wait3A_68 = arith.constant 0 : i32
      %dma_wait3A_69 = arith.constant 0 : i32
      %dma_wait3A_70 = tpu.memref_slice %arg5[%arg0, %arg1, %dma_wait3A_68, %dma_wait3A_69] : memref<2x16x656x32xi32, #tpu.memory_space<hbm>> -> memref<1x1x4x32xi32, #tpu.memory_space<hbm>>
      %dma_wait3A_71 = tpu.memref_squeeze %dma_wait3A_70 : memref<1x1x4x32xi32, #tpu.memory_space<hbm>> -> memref<4x32xi32, #tpu.memory_space<hbm>>
      %dma_wait3A_72 = arith.constant 0 : i32
      %dma_wait3A_73 = arith.constant 0 : i32
      %dma_wait3A_74 = tpu.memref_slice %arg5[%arg0, %arg1, %dma_wait3A_72, %dma_wait3A_73] : memref<2x16x656x32xi32, #tpu.memory_space<hbm>> -> memref<1x1x4x32xi32, #tpu.memory_space<hbm>>
      %dma_wait3A_75 = tpu.memref_squeeze %dma_wait3A_74 : memref<1x1x4x32xi32, #tpu.memory_space<hbm>> -> memref<4x32xi32, #tpu.memory_space<hbm>>
      tpu.wait_dma2 semaphore(%run_scoped3A : memref<!tpu.dma_semaphore, #tpu.memory_space<semaphore_mem>>) src(%dma_wait3A_75 : memref<4x32xi32, #tpu.memory_space<hbm>>) dst(%arg9 : memref<4x32xi32, #tpu.memory_space<vmem>>)
      tpu.yield
    }) : () -> ()
    %dma_start3A = arith.constant 4 : i32
    %dma_start3A_5 = arith.constant 0 : i32
    %dma_start3A_6 = tpu.memref_slice %arg4[%arg1, %dma_start3A, %dma_start3A_5] : memref<16x656x32xi32, #tpu.memory_space<hbm>> -> memref<1x4x32xi32, #tpu.memory_space<hbm>>
    %dma_start3A_7 = tpu.memref_squeeze %dma_start3A_6 : memref<1x4x32xi32, #tpu.memory_space<hbm>> -> memref<4x32xi32, #tpu.memory_space<hbm>>
    %dma_start3A_8 = arith.constant 4 : i32
    %dma_start3A_9 = arith.constant 0 : i32
    %dma_start3A_10 = tpu.memref_slice %arg4[%arg1, %dma_start3A_8, %dma_start3A_9] : memref<16x656x32xi32, #tpu.memory_space<hbm>> -> memref<1x4x32xi32, #tpu.memory_space<hbm>>
    %dma_start3A_11 = tpu.memref_squeeze %dma_start3A_10 : memref<1x4x32xi32, #tpu.memory_space<hbm>> -> memref<4x32xi32, #tpu.memory_space<hbm>>
    tpu.enqueue_dma source(%dma_start3A_11 : memref<4x32xi32, #tpu.memory_space<hbm>>) target(%arg8 : memref<4x32xi32, #tpu.memory_space<vmem>>) target_semaphore(%arg17 : memref<!tpu.dma_semaphore, #tpu.memory_space<semaphore_mem>>)
    %dma_start3A_12 = arith.constant 4 : i32
    %dma_start3A_13 = arith.constant 0 : i32
    %dma_start3A_14 = tpu.memref_slice %arg5[%arg0, %arg1, %dma_start3A_12, %dma_start3A_13] : memref<2x16x656x32xi32, #tpu.memory_space<hbm>> -> memref<1x1x4x32xi32, #tpu.memory_space<hbm>>
    %dma_start3A_15 = tpu.memref_squeeze %dma_start3A_14 : memref<1x1x4x32xi32, #tpu.memory_space<hbm>> -> memref<4x32xi32, #tpu.memory_space<hbm>>
    %dma_start3A_16 = arith.constant 4 : i32
    %dma_start3A_17 = arith.constant 0 : i32
    %dma_start3A_18 = tpu.memref_slice %arg5[%arg0, %arg1, %dma_start3A_16, %dma_start3A_17] : memref<2x16x656x32xi32, #tpu.memory_space<hbm>> -> memref<1x1x4x32xi32, #tpu.memory_space<hbm>>
    %dma_start3A_19 = tpu.memref_squeeze %dma_start3A_18 : memref<1x1x4x32xi32, #tpu.memory_space<hbm>> -> memref<4x32xi32, #tpu.memory_space<hbm>>
    tpu.enqueue_dma source(%dma_start3A_19 : memref<4x32xi32, #tpu.memory_space<hbm>>) target(%arg10 : memref<4x32xi32, #tpu.memory_space<vmem>>) target_semaphore(%arg18 : memref<!tpu.dma_semaphore, #tpu.memory_space<semaphore_mem>>)
    %barrier3A = arith.constant 0 : index
    tpu.barrier barrier_id(%barrier3A)
    %dma_start3A_20 = arith.constant 0 : i32
    %dma_start3A_21 = arith.constant 0 : i32
    %dma_start3A_22 = tpu.memref_slice %arg7[%dma_start3A_20, %dma_start3A_21] : memref<4x32xi32, #tpu.memory_space<vmem>> -> memref<1x32xi32, #tpu.memory_space<vmem>>
    %dma_start3A_23 = tpu.memref_squeeze %dma_start3A_22 : memref<1x32xi32, #tpu.memory_space<vmem>> -> memref<32xi32, #tpu.memory_space<vmem>>
    %dma_start3A_24 = arith.constant 0 : i32
    %dma_start3A_25 = arith.constant 0 : i32
    %dma_start3A_26 = tpu.memref_slice %arg13[%dma_start3A_24, %dma_start3A_25] : memref<10000x128xf32, #tpu.memory_space<vmem_shared>> -> memref<10000x128xf32, #tpu.memory_space<vmem_shared>>
    tpu.enqueue_indirect_dma source(%dma_start3A_26 : memref<10000x128xf32, #tpu.memory_space<vmem_shared>>) target(%arg11 : memref<32x128xf32, #tpu.memory_space<vmem>>) offsets(%dma_start3A_23 : memref<32xi32, #tpu.memory_space<vmem>>) semaphore(%arg15 : memref<!tpu.dma_semaphore, #tpu.memory_space<semaphore_mem>>)
    %scan3A = arith.constant 0 : i32
    %scan3A_27 = arith.constant 0 : i32
    %scan3A_28 = arith.constant 80 : i32
    %scan3A_29 = arith.addi %scan3A_27, %scan3A_28 : i32
    %scan3A_30 = arith.constant 1 : i32
    %scan3A_31 = scf.for %scan3A_60 = %scan3A_27 to %scan3A_29 step %scan3A_30 iter_args(%scan3A_61 = %scan3A) -> (i32)  : i32 {
      %mul3A_62 = arith.constant 8 : i32
      %mul3A_63 = arith.muli %mul3A_62, %scan3A_60 : i32
      %dma_start3A_64 = arith.constant 1 : i32
      %dma_start3A_65 = arith.constant 0 : i32
      %dma_start3A_66 = tpu.memref_slice %arg7[%dma_start3A_64, %dma_start3A_65] : memref<4x32xi32, #tpu.memory_space<vmem>> -> memref<1x32xi32, #tpu.memory_space<vmem>>
      %dma_start3A_67 = tpu.memref_squeeze %dma_start3A_66 : memref<1x32xi32, #tpu.memory_space<vmem>> -> memref<32xi32, #tpu.memory_space<vmem>>
      %dma_start3A_68 = arith.constant 0 : i32
      %dma_start3A_69 = arith.constant 0 : i32
      %dma_start3A_70 = tpu.memref_slice %arg13[%dma_start3A_68, %dma_start3A_69] : memref<10000x128xf32, #tpu.memory_space<vmem_shared>> -> memref<10000x128xf32, #tpu.memory_space<vmem_shared>>
      tpu.enqueue_indirect_dma source(%dma_start3A_70 : memref<10000x128xf32, #tpu.memory_space<vmem_shared>>) target(%arg12 : memref<32x128xf32, #tpu.memory_space<vmem>>) offsets(%dma_start3A_67 : memref<32xi32, #tpu.memory_space<vmem>>) semaphore(%arg16 : memref<!tpu.dma_semaphore, #tpu.memory_space<semaphore_mem>>)
      %dma_wait3A_71 = arith.constant 0 : i32
      %dma_wait3A_72 = arith.constant 0 : i32
      %dma_wait3A_73 = tpu.memref_slice %arg7[%dma_wait3A_71, %dma_wait3A_72] : memref<4x32xi32, #tpu.memory_space<vmem>> -> memref<1x32xi32, #tpu.memory_space<vmem>>
      %dma_wait3A_74 = tpu.memref_squeeze %dma_wait3A_73 : memref<1x32xi32, #tpu.memory_space<vmem>> -> memref<32xi32, #tpu.memory_space<vmem>>
      %dma_wait3A_75 = arith.constant 0 : i32
      %dma_wait3A_76 = arith.constant 0 : i32
      %dma_wait3A_77 = tpu.memref_slice %arg13[%dma_wait3A_75, %dma_wait3A_76] : memref<10000x128xf32, #tpu.memory_space<vmem_shared>> -> memref<10000x128xf32, #tpu.memory_space<vmem_shared>>
      tpu.wait_indirect_dma semaphore(%arg15 : memref<!tpu.dma_semaphore, #tpu.memory_space<semaphore_mem>>) src(%dma_wait3A_77 : memref<10000x128xf32, #tpu.memory_space<vmem_shared>>) dst(%arg11 : memref<32x128xf32, #tpu.memory_space<vmem>>)
      %run_scoped3A = arith.constant 0 : i32
      "tpu.region"() ({
        %run_scoped3A_248 = tpu.sem_alloc : memref<!tpu.dma_semaphore, #tpu.memory_space<semaphore_mem>>
        %dma_start3A_249 = arith.constant 0 : i32
        %dma_start3A_250 = tpu.memref_slice %arg9[%run_scoped3A, %dma_start3A_249] : memref<4x32xi32, #tpu.memory_space<vmem>> -> memref<1x32xi32, #tpu.memory_space<vmem>>
        %dma_start3A_251 = tpu.memref_squeeze %dma_start3A_250 : memref<1x32xi32, #tpu.memory_space<vmem>> -> memref<32xi32, #tpu.memory_space<vmem>>
        %dma_start3A_252 = arith.constant 0 : i32
        %dma_start3A_253 = arith.constant 0 : i32
        %dma_start3A_254 = tpu.memref_slice %arg14[%dma_start3A_252, %dma_start3A_253] : memref<5056x128xf32, #tpu.memory_space<vmem_shared>> -> memref<5056x128xf32, #tpu.memory_space<vmem_shared>>
        tpu.enqueue_indirect_dma source(%arg11 : memref<32x128xf32, #tpu.memory_space<vmem>>) target(%dma_start3A_254 : memref<5056x128xf32, #tpu.memory_space<vmem_shared>>) offsets(%dma_start3A_251 : memref<32xi32, #tpu.memory_space<vmem>>) semaphore(%run_scoped3A_248 : memref<!tpu.dma_semaphore, #tpu.memory_space<semaphore_mem>>) {add = true}
        %dma_wait3A_255 = arith.constant 0 : i32
        %dma_wait3A_256 = tpu.memref_slice %arg9[%run_scoped3A, %dma_wait3A_255] : memref<4x32xi32, #tpu.memory_space<vmem>> -> memref<1x32xi32, #tpu.memory_space<vmem>>
        %dma_wait3A_257 = tpu.memref_squeeze %dma_wait3A_256 : memref<1x32xi32, #tpu.memory_space<vmem>> -> memref<32xi32, #tpu.memory_space<vmem>>
        %dma_wait3A_258 = arith.constant 0 : i32
        %dma_wait3A_259 = arith.constant 0 : i32
        %dma_wait3A_260 = tpu.memref_slice %arg14[%dma_wait3A_258, %dma_wait3A_259] : memref<5056x128xf32, #tpu.memory_space<vmem_shared>> -> memref<5056x128xf32, #tpu.memory_space<vmem_shared>>
        tpu.wait_indirect_dma semaphore(%run_scoped3A_248 : memref<!tpu.dma_semaphore, #tpu.memory_space<semaphore_mem>>) src(%arg11 : memref<32x128xf32, #tpu.memory_space<vmem>>) dst(%dma_wait3A_260 : memref<5056x128xf32, #tpu.memory_space<vmem_shared>>)
        tpu.yield
      }) : () -> ()
      %dma_start3A_78 = arith.constant 2 : i32
      %dma_start3A_79 = arith.constant 0 : i32
      %dma_start3A_80 = tpu.memref_slice %arg7[%dma_start3A_78, %dma_start3A_79] : memref<4x32xi32, #tpu.memory_space<vmem>> -> memref<1x32xi32, #tpu.memory_space<vmem>>
      %dma_start3A_81 = tpu.memref_squeeze %dma_start3A_80 : memref<1x32xi32, #tpu.memory_space<vmem>> -> memref<32xi32, #tpu.memory_space<vmem>>
      %dma_start3A_82 = arith.constant 0 : i32
      %dma_start3A_83 = arith.constant 0 : i32
      %dma_start3A_84 = tpu.memref_slice %arg13[%dma_start3A_82, %dma_start3A_83] : memref<10000x128xf32, #tpu.memory_space<vmem_shared>> -> memref<10000x128xf32, #tpu.memory_space<vmem_shared>>
      tpu.enqueue_indirect_dma source(%dma_start3A_84 : memref<10000x128xf32, #tpu.memory_space<vmem_shared>>) target(%arg11 : memref<32x128xf32, #tpu.memory_space<vmem>>) offsets(%dma_start3A_81 : memref<32xi32, #tpu.memory_space<vmem>>) semaphore(%arg15 : memref<!tpu.dma_semaphore, #tpu.memory_space<semaphore_mem>>)
      %dma_wait3A_85 = arith.constant 1 : i32
      %dma_wait3A_86 = arith.constant 0 : i32
      %dma_wait3A_87 = tpu.memref_slice %arg7[%dma_wait3A_85, %dma_wait3A_86] : memref<4x32xi32, #tpu.memory_space<vmem>> -> memref<1x32xi32, #tpu.memory_space<vmem>>
      %dma_wait3A_88 = tpu.memref_squeeze %dma_wait3A_87 : memref<1x32xi32, #tpu.memory_space<vmem>> -> memref<32xi32, #tpu.memory_space<vmem>>
      %dma_wait3A_89 = arith.constant 0 : i32
      %dma_wait3A_90 = arith.constant 0 : i32
      %dma_wait3A_91 = tpu.memref_slice %arg13[%dma_wait3A_89, %dma_wait3A_90] : memref<10000x128xf32, #tpu.memory_space<vmem_shared>> -> memref<10000x128xf32, #tpu.memory_space<vmem_shared>>
      tpu.wait_indirect_dma semaphore(%arg16 : memref<!tpu.dma_semaphore, #tpu.memory_space<semaphore_mem>>) src(%dma_wait3A_91 : memref<10000x128xf32, #tpu.memory_space<vmem_shared>>) dst(%arg12 : memref<32x128xf32, #tpu.memory_space<vmem>>)
      %run_scoped3A_92 = arith.constant 1 : i32
      "tpu.region"() ({
        %run_scoped3A_248 = tpu.sem_alloc : memref<!tpu.dma_semaphore, #tpu.memory_space<semaphore_mem>>
        %dma_start3A_249 = arith.constant 0 : i32
        %dma_start3A_250 = tpu.memref_slice %arg9[%run_scoped3A_92, %dma_start3A_249] : memref<4x32xi32, #tpu.memory_space<vmem>> -> memref<1x32xi32, #tpu.memory_space<vmem>>
        %dma_start3A_251 = tpu.memref_squeeze %dma_start3A_250 : memref<1x32xi32, #tpu.memory_space<vmem>> -> memref<32xi32, #tpu.memory_space<vmem>>
        %dma_start3A_252 = arith.constant 0 : i32
        %dma_start3A_253 = arith.constant 0 : i32
        %dma_start3A_254 = tpu.memref_slice %arg14[%dma_start3A_252, %dma_start3A_253] : memref<5056x128xf32, #tpu.memory_space<vmem_shared>> -> memref<5056x128xf32, #tpu.memory_space<vmem_shared>>
        tpu.enqueue_indirect_dma source(%arg12 : memref<32x128xf32, #tpu.memory_space<vmem>>) target(%dma_start3A_254 : memref<5056x128xf32, #tpu.memory_space<vmem_shared>>) offsets(%dma_start3A_251 : memref<32xi32, #tpu.memory_space<vmem>>) semaphore(%run_scoped3A_248 : memref<!tpu.dma_semaphore, #tpu.memory_space<semaphore_mem>>) {add = true}
        %dma_wait3A_255 = arith.constant 0 : i32
        %dma_wait3A_256 = tpu.memref_slice %arg9[%run_scoped3A_92, %dma_wait3A_255] : memref<4x32xi32, #tpu.memory_space<vmem>> -> memref<1x32xi32, #tpu.memory_space<vmem>>
        %dma_wait3A_257 = tpu.memref_squeeze %dma_wait3A_256 : memref<1x32xi32, #tpu.memory_space<vmem>> -> memref<32xi32, #tpu.memory_space<vmem>>
        %dma_wait3A_258 = arith.constant 0 : i32
        %dma_wait3A_259 = arith.constant 0 : i32
        %dma_wait3A_260 = tpu.memref_slice %arg14[%dma_wait3A_258, %dma_wait3A_259] : memref<5056x128xf32, #tpu.memory_space<vmem_shared>> -> memref<5056x128xf32, #tpu.memory_space<vmem_shared>>
        tpu.wait_indirect_dma semaphore(%run_scoped3A_248 : memref<!tpu.dma_semaphore, #tpu.memory_space<semaphore_mem>>) src(%arg12 : memref<32x128xf32, #tpu.memory_space<vmem>>) dst(%dma_wait3A_260 : memref<5056x128xf32, #tpu.memory_space<vmem_shared>>)
        tpu.yield
      }) : () -> ()
      %dma_start3A_93 = arith.constant 3 : i32
      %dma_start3A_94 = arith.constant 0 : i32
      %dma_start3A_95 = tpu.memref_slice %arg7[%dma_start3A_93, %dma_start3A_94] : memref<4x32xi32, #tpu.memory_space<vmem>> -> memref<1x32xi32, #tpu.memory_space<vmem>>
      %dma_start3A_96 = tpu.memref_squeeze %dma_start3A_95 : memref<1x32xi32, #tpu.memory_space<vmem>> -> memref<32xi32, #tpu.memory_space<vmem>>
      %dma_start3A_97 = arith.constant 0 : i32
      %dma_start3A_98 = arith.constant 0 : i32
      %dma_start3A_99 = tpu.memref_slice %arg13[%dma_start3A_97, %dma_start3A_98] : memref<10000x128xf32, #tpu.memory_space<vmem_shared>> -> memref<10000x128xf32, #tpu.memory_space<vmem_shared>>
      tpu.enqueue_indirect_dma source(%dma_start3A_99 : memref<10000x128xf32, #tpu.memory_space<vmem_shared>>) target(%arg12 : memref<32x128xf32, #tpu.memory_space<vmem>>) offsets(%dma_start3A_96 : memref<32xi32, #tpu.memory_space<vmem>>) semaphore(%arg16 : memref<!tpu.dma_semaphore, #tpu.memory_space<semaphore_mem>>)
      %dma_wait3A_100 = arith.constant 2 : i32
      %dma_wait3A_101 = arith.constant 0 : i32
      %dma_wait3A_102 = tpu.memref_slice %arg7[%dma_wait3A_100, %dma_wait3A_101] : memref<4x32xi32, #tpu.memory_space<vmem>> -> memref<1x32xi32, #tpu.memory_space<vmem>>
      %dma_wait3A_103 = tpu.memref_squeeze %dma_wait3A_102 : memref<1x32xi32, #tpu.memory_space<vmem>> -> memref<32xi32, #tpu.memory_space<vmem>>
      %dma_wait3A_104 = arith.constant 0 : i32
      %dma_wait3A_105 = arith.constant 0 : i32
      %dma_wait3A_106 = tpu.memref_slice %arg13[%dma_wait3A_104, %dma_wait3A_105] : memref<10000x128xf32, #tpu.memory_space<vmem_shared>> -> memref<10000x128xf32, #tpu.memory_space<vmem_shared>>
      tpu.wait_indirect_dma semaphore(%arg15 : memref<!tpu.dma_semaphore, #tpu.memory_space<semaphore_mem>>) src(%dma_wait3A_106 : memref<10000x128xf32, #tpu.memory_space<vmem_shared>>) dst(%arg11 : memref<32x128xf32, #tpu.memory_space<vmem>>)
      %run_scoped3A_107 = arith.constant 2 : i32
      "tpu.region"() ({
        %run_scoped3A_248 = tpu.sem_alloc : memref<!tpu.dma_semaphore, #tpu.memory_space<semaphore_mem>>
        %dma_start3A_249 = arith.constant 0 : i32
        %dma_start3A_250 = tpu.memref_slice %arg9[%run_scoped3A_107, %dma_start3A_249] : memref<4x32xi32, #tpu.memory_space<vmem>> -> memref<1x32xi32, #tpu.memory_space<vmem>>
        %dma_start3A_251 = tpu.memref_squeeze %dma_start3A_250 : memref<1x32xi32, #tpu.memory_space<vmem>> -> memref<32xi32, #tpu.memory_space<vmem>>
        %dma_start3A_252 = arith.constant 0 : i32
        %dma_start3A_253 = arith.constant 0 : i32
        %dma_start3A_254 = tpu.memref_slice %arg14[%dma_start3A_252, %dma_start3A_253] : memref<5056x128xf32, #tpu.memory_space<vmem_shared>> -> memref<5056x128xf32, #tpu.memory_space<vmem_shared>>
        tpu.enqueue_indirect_dma source(%arg11 : memref<32x128xf32, #tpu.memory_space<vmem>>) target(%dma_start3A_254 : memref<5056x128xf32, #tpu.memory_space<vmem_shared>>) offsets(%dma_start3A_251 : memref<32xi32, #tpu.memory_space<vmem>>) semaphore(%run_scoped3A_248 : memref<!tpu.dma_semaphore, #tpu.memory_space<semaphore_mem>>) {add = true}
        %dma_wait3A_255 = arith.constant 0 : i32
        %dma_wait3A_256 = tpu.memref_slice %arg9[%run_scoped3A_107, %dma_wait3A_255] : memref<4x32xi32, #tpu.memory_space<vmem>> -> memref<1x32xi32, #tpu.memory_space<vmem>>
        %dma_wait3A_257 = tpu.memref_squeeze %dma_wait3A_256 : memref<1x32xi32, #tpu.memory_space<vmem>> -> memref<32xi32, #tpu.memory_space<vmem>>
        %dma_wait3A_258 = arith.constant 0 : i32
        %dma_wait3A_259 = arith.constant 0 : i32
        %dma_wait3A_260 = tpu.memref_slice %arg14[%dma_wait3A_258, %dma_wait3A_259] : memref<5056x128xf32, #tpu.memory_space<vmem_shared>> -> memref<5056x128xf32, #tpu.memory_space<vmem_shared>>
        tpu.wait_indirect_dma semaphore(%run_scoped3A_248 : memref<!tpu.dma_semaphore, #tpu.memory_space<semaphore_mem>>) src(%arg11 : memref<32x128xf32, #tpu.memory_space<vmem>>) dst(%dma_wait3A_260 : memref<5056x128xf32, #tpu.memory_space<vmem_shared>>)
        tpu.yield
      }) : () -> ()
      %dma_wait3A_108 = arith.constant 4 : i32
      %dma_wait3A_109 = arith.constant 0 : i32
      %dma_wait3A_110 = tpu.memref_slice %arg4[%arg1, %dma_wait3A_108, %dma_wait3A_109] : memref<16x656x32xi32, #tpu.memory_space<hbm>> -> memref<1x4x32xi32, #tpu.memory_space<hbm>>
      %dma_wait3A_111 = tpu.memref_squeeze %dma_wait3A_110 : memref<1x4x32xi32, #tpu.memory_space<hbm>> -> memref<4x32xi32, #tpu.memory_space<hbm>>
      %dma_wait3A_112 = arith.constant 4 : i32
      %dma_wait3A_113 = arith.constant 0 : i32
      %dma_wait3A_114 = tpu.memref_slice %arg4[%arg1, %dma_wait3A_112, %dma_wait3A_113] : memref<16x656x32xi32, #tpu.memory_space<hbm>> -> memref<1x4x32xi32, #tpu.memory_space<hbm>>
      %dma_wait3A_115 = tpu.memref_squeeze %dma_wait3A_114 : memref<1x4x32xi32, #tpu.memory_space<hbm>> -> memref<4x32xi32, #tpu.memory_space<hbm>>
      tpu.wait_dma2 semaphore(%arg17 : memref<!tpu.dma_semaphore, #tpu.memory_space<semaphore_mem>>) src(%dma_wait3A_115 : memref<4x32xi32, #tpu.memory_space<hbm>>) dst(%arg8 : memref<4x32xi32, #tpu.memory_space<vmem>>)
      %dma_start3A_116 = arith.constant 0 : i32
      %dma_start3A_117 = arith.constant 0 : i32
      %dma_start3A_118 = tpu.memref_slice %arg8[%dma_start3A_116, %dma_start3A_117] : memref<4x32xi32, #tpu.memory_space<vmem>> -> memref<1x32xi32, #tpu.memory_space<vmem>>
      %dma_start3A_119 = tpu.memref_squeeze %dma_start3A_118 : memref<1x32xi32, #tpu.memory_space<vmem>> -> memref<32xi32, #tpu.memory_space<vmem>>
      %dma_start3A_120 = arith.constant 0 : i32
      %dma_start3A_121 = arith.constant 0 : i32
      %dma_start3A_122 = tpu.memref_slice %arg13[%dma_start3A_120, %dma_start3A_121] : memref<10000x128xf32, #tpu.memory_space<vmem_shared>> -> memref<10000x128xf32, #tpu.memory_space<vmem_shared>>
      tpu.enqueue_indirect_dma source(%dma_start3A_122 : memref<10000x128xf32, #tpu.memory_space<vmem_shared>>) target(%arg11 : memref<32x128xf32, #tpu.memory_space<vmem>>) offsets(%dma_start3A_119 : memref<32xi32, #tpu.memory_space<vmem>>) semaphore(%arg15 : memref<!tpu.dma_semaphore, #tpu.memory_space<semaphore_mem>>)
      %dma_wait3A_123 = arith.constant 3 : i32
      %dma_wait3A_124 = arith.constant 0 : i32
      %dma_wait3A_125 = tpu.memref_slice %arg7[%dma_wait3A_123, %dma_wait3A_124] : memref<4x32xi32, #tpu.memory_space<vmem>> -> memref<1x32xi32, #tpu.memory_space<vmem>>
      %dma_wait3A_126 = tpu.memref_squeeze %dma_wait3A_125 : memref<1x32xi32, #tpu.memory_space<vmem>> -> memref<32xi32, #tpu.memory_space<vmem>>
      %dma_wait3A_127 = arith.constant 0 : i32
      %dma_wait3A_128 = arith.constant 0 : i32
      %dma_wait3A_129 = tpu.memref_slice %arg13[%dma_wait3A_127, %dma_wait3A_128] : memref<10000x128xf32, #tpu.memory_space<vmem_shared>> -> memref<10000x128xf32, #tpu.memory_space<vmem_shared>>
      tpu.wait_indirect_dma semaphore(%arg16 : memref<!tpu.dma_semaphore, #tpu.memory_space<semaphore_mem>>) src(%dma_wait3A_129 : memref<10000x128xf32, #tpu.memory_space<vmem_shared>>) dst(%arg12 : memref<32x128xf32, #tpu.memory_space<vmem>>)
      %add3A_130 = arith.constant 8 : i32
      %add3A_131 = arith.addi %mul3A_63, %add3A_130 : i32
      %dma_start3A_132 = arith.constant 0 : i32
      %dma_start3A_133 = tpu.memref_slice %arg4[%arg1, %add3A_131, %dma_start3A_132] : memref<16x656x32xi32, #tpu.memory_space<hbm>> -> memref<1x4x32xi32, #tpu.memory_space<hbm>>
      %dma_start3A_134 = tpu.memref_squeeze %dma_start3A_133 : memref<1x4x32xi32, #tpu.memory_space<hbm>> -> memref<4x32xi32, #tpu.memory_space<hbm>>
      %dma_start3A_135 = arith.constant 0 : i32
      %dma_start3A_136 = tpu.memref_slice %arg4[%arg1, %add3A_131, %dma_start3A_135] : memref<16x656x32xi32, #tpu.memory_space<hbm>> -> memref<1x4x32xi32, #tpu.memory_space<hbm>>
      %dma_start3A_137 = tpu.memref_squeeze %dma_start3A_136 : memref<1x4x32xi32, #tpu.memory_space<hbm>> -> memref<4x32xi32, #tpu.memory_space<hbm>>
      tpu.enqueue_dma source(%dma_start3A_137 : memref<4x32xi32, #tpu.memory_space<hbm>>) target(%arg7 : memref<4x32xi32, #tpu.memory_space<vmem>>) target_semaphore(%arg17 : memref<!tpu.dma_semaphore, #tpu.memory_space<semaphore_mem>>)
      %dma_wait3A_138 = arith.constant 4 : i32
      %dma_wait3A_139 = arith.constant 0 : i32
      %dma_wait3A_140 = tpu.memref_slice %arg5[%arg0, %arg1, %dma_wait3A_138, %dma_wait3A_139] : memref<2x16x656x32xi32, #tpu.memory_space<hbm>> -> memref<1x1x4x32xi32, #tpu.memory_space<hbm>>
      %dma_wait3A_141 = tpu.memref_squeeze %dma_wait3A_140 : memref<1x1x4x32xi32, #tpu.memory_space<hbm>> -> memref<4x32xi32, #tpu.memory_space<hbm>>
      %dma_wait3A_142 = arith.constant 4 : i32
      %dma_wait3A_143 = arith.constant 0 : i32
      %dma_wait3A_144 = tpu.memref_slice %arg5[%arg0, %arg1, %dma_wait3A_142, %dma_wait3A_143] : memref<2x16x656x32xi32, #tpu.memory_space<hbm>> -> memref<1x1x4x32xi32, #tpu.memory_space<hbm>>
      %dma_wait3A_145 = tpu.memref_squeeze %dma_wait3A_144 : memref<1x1x4x32xi32, #tpu.memory_space<hbm>> -> memref<4x32xi32, #tpu.memory_space<hbm>>
      tpu.wait_dma2 semaphore(%arg18 : memref<!tpu.dma_semaphore, #tpu.memory_space<semaphore_mem>>) src(%dma_wait3A_145 : memref<4x32xi32, #tpu.memory_space<hbm>>) dst(%arg10 : memref<4x32xi32, #tpu.memory_space<vmem>>)
      %run_scoped3A_146 = arith.constant 3 : i32
      "tpu.region"() ({
        %run_scoped3A_248 = tpu.sem_alloc : memref<!tpu.dma_semaphore, #tpu.memory_space<semaphore_mem>>
        %dma_start3A_249 = arith.constant 0 : i32
        %dma_start3A_250 = tpu.memref_slice %arg9[%run_scoped3A_146, %dma_start3A_249] : memref<4x32xi32, #tpu.memory_space<vmem>> -> memref<1x32xi32, #tpu.memory_space<vmem>>
        %dma_start3A_251 = tpu.memref_squeeze %dma_start3A_250 : memref<1x32xi32, #tpu.memory_space<vmem>> -> memref<32xi32, #tpu.memory_space<vmem>>
        %dma_start3A_252 = arith.constant 0 : i32
        %dma_start3A_253 = arith.constant 0 : i32
        %dma_start3A_254 = tpu.memref_slice %arg14[%dma_start3A_252, %dma_start3A_253] : memref<5056x128xf32, #tpu.memory_space<vmem_shared>> -> memref<5056x128xf32, #tpu.memory_space<vmem_shared>>
        tpu.enqueue_indirect_dma source(%arg12 : memref<32x128xf32, #tpu.memory_space<vmem>>) target(%dma_start3A_254 : memref<5056x128xf32, #tpu.memory_space<vmem_shared>>) offsets(%dma_start3A_251 : memref<32xi32, #tpu.memory_space<vmem>>) semaphore(%run_scoped3A_248 : memref<!tpu.dma_semaphore, #tpu.memory_space<semaphore_mem>>) {add = true}
        %dma_wait3A_255 = arith.constant 0 : i32
        %dma_wait3A_256 = tpu.memref_slice %arg9[%run_scoped3A_146, %dma_wait3A_255] : memref<4x32xi32, #tpu.memory_space<vmem>> -> memref<1x32xi32, #tpu.memory_space<vmem>>
        %dma_wait3A_257 = tpu.memref_squeeze %dma_wait3A_256 : memref<1x32xi32, #tpu.memory_space<vmem>> -> memref<32xi32, #tpu.memory_space<vmem>>
        %dma_wait3A_258 = arith.constant 0 : i32
        %dma_wait3A_259 = arith.constant 0 : i32
        %dma_wait3A_260 = tpu.memref_slice %arg14[%dma_wait3A_258, %dma_wait3A_259] : memref<5056x128xf32, #tpu.memory_space<vmem_shared>> -> memref<5056x128xf32, #tpu.memory_space<vmem_shared>>
        tpu.wait_indirect_dma semaphore(%run_scoped3A_248 : memref<!tpu.dma_semaphore, #tpu.memory_space<semaphore_mem>>) src(%arg12 : memref<32x128xf32, #tpu.memory_space<vmem>>) dst(%dma_wait3A_260 : memref<5056x128xf32, #tpu.memory_space<vmem_shared>>)
        tpu.yield
      }) : () -> ()
      %add3A_147 = arith.constant 8 : i32
      %add3A_148 = arith.addi %mul3A_63, %add3A_147 : i32
      %dma_start3A_149 = arith.constant 0 : i32
      %dma_start3A_150 = tpu.memref_slice %arg5[%arg0, %arg1, %add3A_148, %dma_start3A_149] : memref<2x16x656x32xi32, #tpu.memory_space<hbm>> -> memref<1x1x4x32xi32, #tpu.memory_space<hbm>>
      %dma_start3A_151 = tpu.memref_squeeze %dma_start3A_150 : memref<1x1x4x32xi32, #tpu.memory_space<hbm>> -> memref<4x32xi32, #tpu.memory_space<hbm>>
      %dma_start3A_152 = arith.constant 0 : i32
      %dma_start3A_153 = tpu.memref_slice %arg5[%arg0, %arg1, %add3A_148, %dma_start3A_152] : memref<2x16x656x32xi32, #tpu.memory_space<hbm>> -> memref<1x1x4x32xi32, #tpu.memory_space<hbm>>
      %dma_start3A_154 = tpu.memref_squeeze %dma_start3A_153 : memref<1x1x4x32xi32, #tpu.memory_space<hbm>> -> memref<4x32xi32, #tpu.memory_space<hbm>>
      tpu.enqueue_dma source(%dma_start3A_154 : memref<4x32xi32, #tpu.memory_space<hbm>>) target(%arg9 : memref<4x32xi32, #tpu.memory_space<vmem>>) target_semaphore(%arg18 : memref<!tpu.dma_semaphore, #tpu.memory_space<semaphore_mem>>)
      %dma_start3A_155 = arith.constant 1 : i32
      %dma_start3A_156 = arith.constant 0 : i32
      %dma_start3A_157 = tpu.memref_slice %arg8[%dma_start3A_155, %dma_start3A_156] : memref<4x32xi32, #tpu.memory_space<vmem>> -> memref<1x32xi32, #tpu.memory_space<vmem>>
      %dma_start3A_158 = tpu.memref_squeeze %dma_start3A_157 : memref<1x32xi32, #tpu.memory_space<vmem>> -> memref<32xi32, #tpu.memory_space<vmem>>
      %dma_start3A_159 = arith.constant 0 : i32
      %dma_start3A_160 = arith.constant 0 : i32
      %dma_start3A_161 = tpu.memref_slice %arg13[%dma_start3A_159, %dma_start3A_160] : memref<10000x128xf32, #tpu.memory_space<vmem_shared>> -> memref<10000x128xf32, #tpu.memory_space<vmem_shared>>
      tpu.enqueue_indirect_dma source(%dma_start3A_161 : memref<10000x128xf32, #tpu.memory_space<vmem_shared>>) target(%arg12 : memref<32x128xf32, #tpu.memory_space<vmem>>) offsets(%dma_start3A_158 : memref<32xi32, #tpu.memory_space<vmem>>) semaphore(%arg16 : memref<!tpu.dma_semaphore, #tpu.memory_space<semaphore_mem>>)
      %dma_wait3A_162 = arith.constant 0 : i32
      %dma_wait3A_163 = arith.constant 0 : i32
      %dma_wait3A_164 = tpu.memref_slice %arg8[%dma_wait3A_162, %dma_wait3A_163] : memref<4x32xi32, #tpu.memory_space<vmem>> -> memref<1x32xi32, #tpu.memory_space<vmem>>
      %dma_wait3A_165 = tpu.memref_squeeze %dma_wait3A_164 : memref<1x32xi32, #tpu.memory_space<vmem>> -> memref<32xi32, #tpu.memory_space<vmem>>
      %dma_wait3A_166 = arith.constant 0 : i32
      %dma_wait3A_167 = arith.constant 0 : i32
      %dma_wait3A_168 = tpu.memref_slice %arg13[%dma_wait3A_166, %dma_wait3A_167] : memref<10000x128xf32, #tpu.memory_space<vmem_shared>> -> memref<10000x128xf32, #tpu.memory_space<vmem_shared>>
      tpu.wait_indirect_dma semaphore(%arg15 : memref<!tpu.dma_semaphore, #tpu.memory_space<semaphore_mem>>) src(%dma_wait3A_168 : memref<10000x128xf32, #tpu.memory_space<vmem_shared>>) dst(%arg11 : memref<32x128xf32, #tpu.memory_space<vmem>>)
      %run_scoped3A_169 = arith.constant 0 : i32
      "tpu.region"() ({
        %run_scoped3A_248 = tpu.sem_alloc : memref<!tpu.dma_semaphore, #tpu.memory_space<semaphore_mem>>
        %dma_start3A_249 = arith.constant 0 : i32
        %dma_start3A_250 = tpu.memref_slice %arg10[%run_scoped3A_169, %dma_start3A_249] : memref<4x32xi32, #tpu.memory_space<vmem>> -> memref<1x32xi32, #tpu.memory_space<vmem>>
        %dma_start3A_251 = tpu.memref_squeeze %dma_start3A_250 : memref<1x32xi32, #tpu.memory_space<vmem>> -> memref<32xi32, #tpu.memory_space<vmem>>
        %dma_start3A_252 = arith.constant 0 : i32
        %dma_start3A_253 = arith.constant 0 : i32
        %dma_start3A_254 = tpu.memref_slice %arg14[%dma_start3A_252, %dma_start3A_253] : memref<5056x128xf32, #tpu.memory_space<vmem_shared>> -> memref<5056x128xf32, #tpu.memory_space<vmem_shared>>
        tpu.enqueue_indirect_dma source(%arg11 : memref<32x128xf32, #tpu.memory_space<vmem>>) target(%dma_start3A_254 : memref<5056x128xf32, #tpu.memory_space<vmem_shared>>) offsets(%dma_start3A_251 : memref<32xi32, #tpu.memory_space<vmem>>) semaphore(%run_scoped3A_248 : memref<!tpu.dma_semaphore, #tpu.memory_space<semaphore_mem>>) {add = true}
        %dma_wait3A_255 = arith.constant 0 : i32
        %dma_wait3A_256 = tpu.memref_slice %arg10[%run_scoped3A_169, %dma_wait3A_255] : memref<4x32xi32, #tpu.memory_space<vmem>> -> memref<1x32xi32, #tpu.memory_space<vmem>>
        %dma_wait3A_257 = tpu.memref_squeeze %dma_wait3A_256 : memref<1x32xi32, #tpu.memory_space<vmem>> -> memref<32xi32, #tpu.memory_space<vmem>>
        %dma_wait3A_258 = arith.constant 0 : i32
        %dma_wait3A_259 = arith.constant 0 : i32
        %dma_wait3A_260 = tpu.memref_slice %arg14[%dma_wait3A_258, %dma_wait3A_259] : memref<5056x128xf32, #tpu.memory_space<vmem_shared>> -> memref<5056x128xf32, #tpu.memory_space<vmem_shared>>
        tpu.wait_indirect_dma semaphore(%run_scoped3A_248 : memref<!tpu.dma_semaphore, #tpu.memory_space<semaphore_mem>>) src(%arg11 : memref<32x128xf32, #tpu.memory_space<vmem>>) dst(%dma_wait3A_260 : memref<5056x128xf32, #tpu.memory_space<vmem_shared>>)
        tpu.yield
      }) : () -> ()
      %dma_start3A_170 = arith.constant 2 : i32
      %dma_start3A_171 = arith.constant 0 : i32
      %dma_start3A_172 = tpu.memref_slice %arg8[%dma_start3A_170, %dma_start3A_171] : memref<4x32xi32, #tpu.memory_space<vmem>> -> memref<1x32xi32, #tpu.memory_space<vmem>>
      %dma_start3A_173 = tpu.memref_squeeze %dma_start3A_172 : memref<1x32xi32, #tpu.memory_space<vmem>> -> memref<32xi32, #tpu.memory_space<vmem>>
      %dma_start3A_174 = arith.constant 0 : i32
      %dma_start3A_175 = arith.constant 0 : i32
      %dma_start3A_176 = tpu.memref_slice %arg13[%dma_start3A_174, %dma_start3A_175] : memref<10000x128xf32, #tpu.memory_space<vmem_shared>> -> memref<10000x128xf32, #tpu.memory_space<vmem_shared>>
      tpu.enqueue_indirect_dma source(%dma_start3A_176 : memref<10000x128xf32, #tpu.memory_space<vmem_shared>>) target(%arg11 : memref<32x128xf32, #tpu.memory_space<vmem>>) offsets(%dma_start3A_173 : memref<32xi32, #tpu.memory_space<vmem>>) semaphore(%arg15 : memref<!tpu.dma_semaphore, #tpu.memory_space<semaphore_mem>>)
      %dma_wait3A_177 = arith.constant 1 : i32
      %dma_wait3A_178 = arith.constant 0 : i32
      %dma_wait3A_179 = tpu.memref_slice %arg8[%dma_wait3A_177, %dma_wait3A_178] : memref<4x32xi32, #tpu.memory_space<vmem>> -> memref<1x32xi32, #tpu.memory_space<vmem>>
      %dma_wait3A_180 = tpu.memref_squeeze %dma_wait3A_179 : memref<1x32xi32, #tpu.memory_space<vmem>> -> memref<32xi32, #tpu.memory_space<vmem>>
      %dma_wait3A_181 = arith.constant 0 : i32
      %dma_wait3A_182 = arith.constant 0 : i32
      %dma_wait3A_183 = tpu.memref_slice %arg13[%dma_wait3A_181, %dma_wait3A_182] : memref<10000x128xf32, #tpu.memory_space<vmem_shared>> -> memref<10000x128xf32, #tpu.memory_space<vmem_shared>>
      tpu.wait_indirect_dma semaphore(%arg16 : memref<!tpu.dma_semaphore, #tpu.memory_space<semaphore_mem>>) src(%dma_wait3A_183 : memref<10000x128xf32, #tpu.memory_space<vmem_shared>>) dst(%arg12 : memref<32x128xf32, #tpu.memory_space<vmem>>)
      %run_scoped3A_184 = arith.constant 1 : i32
      "tpu.region"() ({
        %run_scoped3A_248 = tpu.sem_alloc : memref<!tpu.dma_semaphore, #tpu.memory_space<semaphore_mem>>
        %dma_start3A_249 = arith.constant 0 : i32
        %dma_start3A_250 = tpu.memref_slice %arg10[%run_scoped3A_184, %dma_start3A_249] : memref<4x32xi32, #tpu.memory_space<vmem>> -> memref<1x32xi32, #tpu.memory_space<vmem>>
        %dma_start3A_251 = tpu.memref_squeeze %dma_start3A_250 : memref<1x32xi32, #tpu.memory_space<vmem>> -> memref<32xi32, #tpu.memory_space<vmem>>
        %dma_start3A_252 = arith.constant 0 : i32
        %dma_start3A_253 = arith.constant 0 : i32
        %dma_start3A_254 = tpu.memref_slice %arg14[%dma_start3A_252, %dma_start3A_253] : memref<5056x128xf32, #tpu.memory_space<vmem_shared>> -> memref<5056x128xf32, #tpu.memory_space<vmem_shared>>
        tpu.enqueue_indirect_dma source(%arg12 : memref<32x128xf32, #tpu.memory_space<vmem>>) target(%dma_start3A_254 : memref<5056x128xf32, #tpu.memory_space<vmem_shared>>) offsets(%dma_start3A_251 : memref<32xi32, #tpu.memory_space<vmem>>) semaphore(%run_scoped3A_248 : memref<!tpu.dma_semaphore, #tpu.memory_space<semaphore_mem>>) {add = true}
        %dma_wait3A_255 = arith.constant 0 : i32
        %dma_wait3A_256 = tpu.memref_slice %arg10[%run_scoped3A_184, %dma_wait3A_255] : memref<4x32xi32, #tpu.memory_space<vmem>> -> memref<1x32xi32, #tpu.memory_space<vmem>>
        %dma_wait3A_257 = tpu.memref_squeeze %dma_wait3A_256 : memref<1x32xi32, #tpu.memory_space<vmem>> -> memref<32xi32, #tpu.memory_space<vmem>>
        %dma_wait3A_258 = arith.constant 0 : i32
        %dma_wait3A_259 = arith.constant 0 : i32
        %dma_wait3A_260 = tpu.memref_slice %arg14[%dma_wait3A_258, %dma_wait3A_259] : memref<5056x128xf32, #tpu.memory_space<vmem_shared>> -> memref<5056x128xf32, #tpu.memory_space<vmem_shared>>
        tpu.wait_indirect_dma semaphore(%run_scoped3A_248 : memref<!tpu.dma_semaphore, #tpu.memory_space<semaphore_mem>>) src(%arg12 : memref<32x128xf32, #tpu.memory_space<vmem>>) dst(%dma_wait3A_260 : memref<5056x128xf32, #tpu.memory_space<vmem_shared>>)
        tpu.yield
      }) : () -> ()
      %dma_start3A_185 = arith.constant 3 : i32
      %dma_start3A_186 = arith.constant 0 : i32
      %dma_start3A_187 = tpu.memref_slice %arg8[%dma_start3A_185, %dma_start3A_186] : memref<4x32xi32, #tpu.memory_space<vmem>> -> memref<1x32xi32, #tpu.memory_space<vmem>>
      %dma_start3A_188 = tpu.memref_squeeze %dma_start3A_187 : memref<1x32xi32, #tpu.memory_space<vmem>> -> memref<32xi32, #tpu.memory_space<vmem>>
      %dma_start3A_189 = arith.constant 0 : i32
      %dma_start3A_190 = arith.constant 0 : i32
      %dma_start3A_191 = tpu.memref_slice %arg13[%dma_start3A_189, %dma_start3A_190] : memref<10000x128xf32, #tpu.memory_space<vmem_shared>> -> memref<10000x128xf32, #tpu.memory_space<vmem_shared>>
      tpu.enqueue_indirect_dma source(%dma_start3A_191 : memref<10000x128xf32, #tpu.memory_space<vmem_shared>>) target(%arg12 : memref<32x128xf32, #tpu.memory_space<vmem>>) offsets(%dma_start3A_188 : memref<32xi32, #tpu.memory_space<vmem>>) semaphore(%arg16 : memref<!tpu.dma_semaphore, #tpu.memory_space<semaphore_mem>>)
      %dma_wait3A_192 = arith.constant 2 : i32
      %dma_wait3A_193 = arith.constant 0 : i32
      %dma_wait3A_194 = tpu.memref_slice %arg8[%dma_wait3A_192, %dma_wait3A_193] : memref<4x32xi32, #tpu.memory_space<vmem>> -> memref<1x32xi32, #tpu.memory_space<vmem>>
      %dma_wait3A_195 = tpu.memref_squeeze %dma_wait3A_194 : memref<1x32xi32, #tpu.memory_space<vmem>> -> memref<32xi32, #tpu.memory_space<vmem>>
      %dma_wait3A_196 = arith.constant 0 : i32
      %dma_wait3A_197 = arith.constant 0 : i32
      %dma_wait3A_198 = tpu.memref_slice %arg13[%dma_wait3A_196, %dma_wait3A_197] : memref<10000x128xf32, #tpu.memory_space<vmem_shared>> -> memref<10000x128xf32, #tpu.memory_space<vmem_shared>>
      tpu.wait_indirect_dma semaphore(%arg15 : memref<!tpu.dma_semaphore, #tpu.memory_space<semaphore_mem>>) src(%dma_wait3A_198 : memref<10000x128xf32, #tpu.memory_space<vmem_shared>>) dst(%arg11 : memref<32x128xf32, #tpu.memory_space<vmem>>)
      %run_scoped3A_199 = arith.constant 2 : i32
      "tpu.region"() ({
        %run_scoped3A_248 = tpu.sem_alloc : memref<!tpu.dma_semaphore, #tpu.memory_space<semaphore_mem>>
        %dma_start3A_249 = arith.constant 0 : i32
        %dma_start3A_250 = tpu.memref_slice %arg10[%run_scoped3A_199, %dma_start3A_249] : memref<4x32xi32, #tpu.memory_space<vmem>> -> memref<1x32xi32, #tpu.memory_space<vmem>>
        %dma_start3A_251 = tpu.memref_squeeze %dma_start3A_250 : memref<1x32xi32, #tpu.memory_space<vmem>> -> memref<32xi32, #tpu.memory_space<vmem>>
        %dma_start3A_252 = arith.constant 0 : i32
        %dma_start3A_253 = arith.constant 0 : i32
        %dma_start3A_254 = tpu.memref_slice %arg14[%dma_start3A_252, %dma_start3A_253] : memref<5056x128xf32, #tpu.memory_space<vmem_shared>> -> memref<5056x128xf32, #tpu.memory_space<vmem_shared>>
        tpu.enqueue_indirect_dma source(%arg11 : memref<32x128xf32, #tpu.memory_space<vmem>>) target(%dma_start3A_254 : memref<5056x128xf32, #tpu.memory_space<vmem_shared>>) offsets(%dma_start3A_251 : memref<32xi32, #tpu.memory_space<vmem>>) semaphore(%run_scoped3A_248 : memref<!tpu.dma_semaphore, #tpu.memory_space<semaphore_mem>>) {add = true}
        %dma_wait3A_255 = arith.constant 0 : i32
        %dma_wait3A_256 = tpu.memref_slice %arg10[%run_scoped3A_199, %dma_wait3A_255] : memref<4x32xi32, #tpu.memory_space<vmem>> -> memref<1x32xi32, #tpu.memory_space<vmem>>
        %dma_wait3A_257 = tpu.memref_squeeze %dma_wait3A_256 : memref<1x32xi32, #tpu.memory_space<vmem>> -> memref<32xi32, #tpu.memory_space<vmem>>
        %dma_wait3A_258 = arith.constant 0 : i32
        %dma_wait3A_259 = arith.constant 0 : i32
        %dma_wait3A_260 = tpu.memref_slice %arg14[%dma_wait3A_258, %dma_wait3A_259] : memref<5056x128xf32, #tpu.memory_space<vmem_shared>> -> memref<5056x128xf32, #tpu.memory_space<vmem_shared>>
        tpu.wait_indirect_dma semaphore(%run_scoped3A_248 : memref<!tpu.dma_semaphore, #tpu.memory_space<semaphore_mem>>) src(%arg11 : memref<32x128xf32, #tpu.memory_space<vmem>>) dst(%dma_wait3A_260 : memref<5056x128xf32, #tpu.memory_space<vmem_shared>>)
        tpu.yield
      }) : () -> ()
      %dma_wait3A_200 = arith.constant 0 : i32
      %dma_wait3A_201 = arith.constant 0 : i32
      %dma_wait3A_202 = tpu.memref_slice %arg4[%arg1, %dma_wait3A_200, %dma_wait3A_201] : memref<16x656x32xi32, #tpu.memory_space<hbm>> -> memref<1x4x32xi32, #tpu.memory_space<hbm>>
      %dma_wait3A_203 = tpu.memref_squeeze %dma_wait3A_202 : memref<1x4x32xi32, #tpu.memory_space<hbm>> -> memref<4x32xi32, #tpu.memory_space<hbm>>
      %dma_wait3A_204 = arith.constant 0 : i32
      %dma_wait3A_205 = arith.constant 0 : i32
      %dma_wait3A_206 = tpu.memref_slice %arg4[%arg1, %dma_wait3A_204, %dma_wait3A_205] : memref<16x656x32xi32, #tpu.memory_space<hbm>> -> memref<1x4x32xi32, #tpu.memory_space<hbm>>
      %dma_wait3A_207 = tpu.memref_squeeze %dma_wait3A_206 : memref<1x4x32xi32, #tpu.memory_space<hbm>> -> memref<4x32xi32, #tpu.memory_space<hbm>>
      tpu.wait_dma2 semaphore(%arg17 : memref<!tpu.dma_semaphore, #tpu.memory_space<semaphore_mem>>) src(%dma_wait3A_207 : memref<4x32xi32, #tpu.memory_space<hbm>>) dst(%arg7 : memref<4x32xi32, #tpu.memory_space<vmem>>)
      %dma_start3A_208 = arith.constant 0 : i32
      %dma_start3A_209 = arith.constant 0 : i32
      %dma_start3A_210 = tpu.memref_slice %arg7[%dma_start3A_208, %dma_start3A_209] : memref<4x32xi32, #tpu.memory_space<vmem>> -> memref<1x32xi32, #tpu.memory_space<vmem>>
      %dma_start3A_211 = tpu.memref_squeeze %dma_start3A_210 : memref<1x32xi32, #tpu.memory_space<vmem>> -> memref<32xi32, #tpu.memory_space<vmem>>
      %dma_start3A_212 = arith.constant 0 : i32
      %dma_start3A_213 = arith.constant 0 : i32
      %dma_start3A_214 = tpu.memref_slice %arg13[%dma_start3A_212, %dma_start3A_213] : memref<10000x128xf32, #tpu.memory_space<vmem_shared>> -> memref<10000x128xf32, #tpu.memory_space<vmem_shared>>
      tpu.enqueue_indirect_dma source(%dma_start3A_214 : memref<10000x128xf32, #tpu.memory_space<vmem_shared>>) target(%arg11 : memref<32x128xf32, #tpu.memory_space<vmem>>) offsets(%dma_start3A_211 : memref<32xi32, #tpu.memory_space<vmem>>) semaphore(%arg15 : memref<!tpu.dma_semaphore, #tpu.memory_space<semaphore_mem>>)
      %dma_wait3A_215 = arith.constant 3 : i32
      %dma_wait3A_216 = arith.constant 0 : i32
      %dma_wait3A_217 = tpu.memref_slice %arg8[%dma_wait3A_215, %dma_wait3A_216] : memref<4x32xi32, #tpu.memory_space<vmem>> -> memref<1x32xi32, #tpu.memory_space<vmem>>
      %dma_wait3A_218 = tpu.memref_squeeze %dma_wait3A_217 : memref<1x32xi32, #tpu.memory_space<vmem>> -> memref<32xi32, #tpu.memory_space<vmem>>
      %dma_wait3A_219 = arith.constant 0 : i32
      %dma_wait3A_220 = arith.constant 0 : i32
      %dma_wait3A_221 = tpu.memref_slice %arg13[%dma_wait3A_219, %dma_wait3A_220] : memref<10000x128xf32, #tpu.memory_space<vmem_shared>> -> memref<10000x128xf32, #tpu.memory_space<vmem_shared>>
      tpu.wait_indirect_dma semaphore(%arg16 : memref<!tpu.dma_semaphore, #tpu.memory_space<semaphore_mem>>) src(%dma_wait3A_221 : memref<10000x128xf32, #tpu.memory_space<vmem_shared>>) dst(%arg12 : memref<32x128xf32, #tpu.memory_space<vmem>>)
      %add3A_222 = arith.constant 12 : i32
      %add3A_223 = arith.addi %mul3A_63, %add3A_222 : i32
      %dma_start3A_224 = arith.constant 0 : i32
      %dma_start3A_225 = tpu.memref_slice %arg4[%arg1, %add3A_223, %dma_start3A_224] : memref<16x656x32xi32, #tpu.memory_space<hbm>> -> memref<1x4x32xi32, #tpu.memory_space<hbm>>
      %dma_start3A_226 = tpu.memref_squeeze %dma_start3A_225 : memref<1x4x32xi32, #tpu.memory_space<hbm>> -> memref<4x32xi32, #tpu.memory_space<hbm>>
      %dma_start3A_227 = arith.constant 0 : i32
      %dma_start3A_228 = tpu.memref_slice %arg4[%arg1, %add3A_223, %dma_start3A_227] : memref<16x656x32xi32, #tpu.memory_space<hbm>> -> memref<1x4x32xi32, #tpu.memory_space<hbm>>
      %dma_start3A_229 = tpu.memref_squeeze %dma_start3A_228 : memref<1x4x32xi32, #tpu.memory_space<hbm>> -> memref<4x32xi32, #tpu.memory_space<hbm>>
      tpu.enqueue_dma source(%dma_start3A_229 : memref<4x32xi32, #tpu.memory_space<hbm>>) target(%arg8 : memref<4x32xi32, #tpu.memory_space<vmem>>) target_semaphore(%arg17 : memref<!tpu.dma_semaphore, #tpu.memory_space<semaphore_mem>>)
      %dma_wait3A_230 = arith.constant 4 : i32
      %dma_wait3A_231 = arith.constant 0 : i32
      %dma_wait3A_232 = tpu.memref_slice %arg5[%arg0, %arg1, %dma_wait3A_230, %dma_wait3A_231] : memref<2x16x656x32xi32, #tpu.memory_space<hbm>> -> memref<1x1x4x32xi32, #tpu.memory_space<hbm>>
      %dma_wait3A_233 = tpu.memref_squeeze %dma_wait3A_232 : memref<1x1x4x32xi32, #tpu.memory_space<hbm>> -> memref<4x32xi32, #tpu.memory_space<hbm>>
      %dma_wait3A_234 = arith.constant 4 : i32
      %dma_wait3A_235 = arith.constant 0 : i32
      %dma_wait3A_236 = tpu.memref_slice %arg5[%arg0, %arg1, %dma_wait3A_234, %dma_wait3A_235] : memref<2x16x656x32xi32, #tpu.memory_space<hbm>> -> memref<1x1x4x32xi32, #tpu.memory_space<hbm>>
      %dma_wait3A_237 = tpu.memref_squeeze %dma_wait3A_236 : memref<1x1x4x32xi32, #tpu.memory_space<hbm>> -> memref<4x32xi32, #tpu.memory_space<hbm>>
      tpu.wait_dma2 semaphore(%arg18 : memref<!tpu.dma_semaphore, #tpu.memory_space<semaphore_mem>>) src(%dma_wait3A_237 : memref<4x32xi32, #tpu.memory_space<hbm>>) dst(%arg9 : memref<4x32xi32, #tpu.memory_space<vmem>>)
      %run_scoped3A_238 = arith.constant 3 : i32
      "tpu.region"() ({
        %run_scoped3A_248 = tpu.sem_alloc : memref<!tpu.dma_semaphore, #tpu.memory_space<semaphore_mem>>
        %dma_start3A_249 = arith.constant 0 : i32
        %dma_start3A_250 = tpu.memref_slice %arg10[%run_scoped3A_238, %dma_start3A_249] : memref<4x32xi32, #tpu.memory_space<vmem>> -> memref<1x32xi32, #tpu.memory_space<vmem>>
        %dma_start3A_251 = tpu.memref_squeeze %dma_start3A_250 : memref<1x32xi32, #tpu.memory_space<vmem>> -> memref<32xi32, #tpu.memory_space<vmem>>
        %dma_start3A_252 = arith.constant 0 : i32
        %dma_start3A_253 = arith.constant 0 : i32
        %dma_start3A_254 = tpu.memref_slice %arg14[%dma_start3A_252, %dma_start3A_253] : memref<5056x128xf32, #tpu.memory_space<vmem_shared>> -> memref<5056x128xf32, #tpu.memory_space<vmem_shared>>
        tpu.enqueue_indirect_dma source(%arg12 : memref<32x128xf32, #tpu.memory_space<vmem>>) target(%dma_start3A_254 : memref<5056x128xf32, #tpu.memory_space<vmem_shared>>) offsets(%dma_start3A_251 : memref<32xi32, #tpu.memory_space<vmem>>) semaphore(%run_scoped3A_248 : memref<!tpu.dma_semaphore, #tpu.memory_space<semaphore_mem>>) {add = true}
        %dma_wait3A_255 = arith.constant 0 : i32
        %dma_wait3A_256 = tpu.memref_slice %arg10[%run_scoped3A_238, %dma_wait3A_255] : memref<4x32xi32, #tpu.memory_space<vmem>> -> memref<1x32xi32, #tpu.memory_space<vmem>>
        %dma_wait3A_257 = tpu.memref_squeeze %dma_wait3A_256 : memref<1x32xi32, #tpu.memory_space<vmem>> -> memref<32xi32, #tpu.memory_space<vmem>>
        %dma_wait3A_258 = arith.constant 0 : i32
        %dma_wait3A_259 = arith.constant 0 : i32
        %dma_wait3A_260 = tpu.memref_slice %arg14[%dma_wait3A_258, %dma_wait3A_259] : memref<5056x128xf32, #tpu.memory_space<vmem_shared>> -> memref<5056x128xf32, #tpu.memory_space<vmem_shared>>
        tpu.wait_indirect_dma semaphore(%run_scoped3A_248 : memref<!tpu.dma_semaphore, #tpu.memory_space<semaphore_mem>>) src(%arg12 : memref<32x128xf32, #tpu.memory_space<vmem>>) dst(%dma_wait3A_260 : memref<5056x128xf32, #tpu.memory_space<vmem_shared>>)
        tpu.yield
      }) : () -> ()
      %add3A_239 = arith.constant 12 : i32
      %add3A_240 = arith.addi %mul3A_63, %add3A_239 : i32
      %dma_start3A_241 = arith.constant 0 : i32
      %dma_start3A_242 = tpu.memref_slice %arg5[%arg0, %arg1, %add3A_240, %dma_start3A_241] : memref<2x16x656x32xi32, #tpu.memory_space<hbm>> -> memref<1x1x4x32xi32, #tpu.memory_space<hbm>>
      %dma_start3A_243 = tpu.memref_squeeze %dma_start3A_242 : memref<1x1x4x32xi32, #tpu.memory_space<hbm>> -> memref<4x32xi32, #tpu.memory_space<hbm>>
      %dma_start3A_244 = arith.constant 0 : i32
      %dma_start3A_245 = tpu.memref_slice %arg5[%arg0, %arg1, %add3A_240, %dma_start3A_244] : memref<2x16x656x32xi32, #tpu.memory_space<hbm>> -> memref<1x1x4x32xi32, #tpu.memory_space<hbm>>
      %dma_start3A_246 = tpu.memref_squeeze %dma_start3A_245 : memref<1x1x4x32xi32, #tpu.memory_space<hbm>> -> memref<4x32xi32, #tpu.memory_space<hbm>>
      tpu.enqueue_dma source(%dma_start3A_246 : memref<4x32xi32, #tpu.memory_space<hbm>>) target(%arg10 : memref<4x32xi32, #tpu.memory_space<vmem>>) target_semaphore(%arg18 : memref<!tpu.dma_semaphore, #tpu.memory_space<semaphore_mem>>)
      %scan3A_247 = arith.constant 0 : i32
      scf.yield %scan3A_247 : i32
    }
    %scan3A_32 = arith.constant 80 : i32
    %dma_wait3A = arith.constant 0 : i32
    %dma_wait3A_33 = arith.constant 0 : i32
    %dma_wait3A_34 = tpu.memref_slice %arg4[%arg1, %dma_wait3A, %dma_wait3A_33] : memref<16x656x32xi32, #tpu.memory_space<hbm>> -> memref<1x4x32xi32, #tpu.memory_space<hbm>>
    %dma_wait3A_35 = tpu.memref_squeeze %dma_wait3A_34 : memref<1x4x32xi32, #tpu.memory_space<hbm>> -> memref<4x32xi32, #tpu.memory_space<hbm>>
    %dma_wait3A_36 = arith.constant 0 : i32
    %dma_wait3A_37 = arith.constant 0 : i32
    %dma_wait3A_38 = tpu.memref_slice %arg4[%arg1, %dma_wait3A_36, %dma_wait3A_37] : memref<16x656x32xi32, #tpu.memory_space<hbm>> -> memref<1x4x32xi32, #tpu.memory_space<hbm>>
    %dma_wait3A_39 = tpu.memref_squeeze %dma_wait3A_38 : memref<1x4x32xi32, #tpu.memory_space<hbm>> -> memref<4x32xi32, #tpu.memory_space<hbm>>
    tpu.wait_dma2 semaphore(%arg17 : memref<!tpu.dma_semaphore, #tpu.memory_space<semaphore_mem>>) src(%dma_wait3A_39 : memref<4x32xi32, #tpu.memory_space<hbm>>) dst(%arg8 : memref<4x32xi32, #tpu.memory_space<vmem>>)
    %dma_wait3A_40 = arith.constant 4 : i32
    %dma_wait3A_41 = arith.constant 0 : i32
    %dma_wait3A_42 = tpu.memref_slice %arg5[%arg0, %arg1, %dma_wait3A_40, %dma_wait3A_41] : memref<2x16x656x32xi32, #tpu.memory_space<hbm>> -> memref<1x1x4x32xi32, #tpu.memory_space<hbm>>
    %dma_wait3A_43 = tpu.memref_squeeze %dma_wait3A_42 : memref<1x1x4x32xi32, #tpu.memory_space<hbm>> -> memref<4x32xi32, #tpu.memory_space<hbm>>
    %dma_wait3A_44 = arith.constant 4 : i32
    %dma_wait3A_45 = arith.constant 0 : i32
    %dma_wait3A_46 = tpu.memref_slice %arg5[%arg0, %arg1, %dma_wait3A_44, %dma_wait3A_45] : memref<2x16x656x32xi32, #tpu.memory_space<hbm>> -> memref<1x1x4x32xi32, #tpu.memory_space<hbm>>
    %dma_wait3A_47 = tpu.memref_squeeze %dma_wait3A_46 : memref<1x1x4x32xi32, #tpu.memory_space<hbm>> -> memref<4x32xi32, #tpu.memory_space<hbm>>
    tpu.wait_dma2 semaphore(%arg18 : memref<!tpu.dma_semaphore, #tpu.memory_space<semaphore_mem>>) src(%dma_wait3A_47 : memref<4x32xi32, #tpu.memory_space<hbm>>) dst(%arg10 : memref<4x32xi32, #tpu.memory_space<vmem>>)
    %dma_wait3A_48 = arith.constant 0 : i32
    %dma_wait3A_49 = arith.constant 0 : i32
    %dma_wait3A_50 = tpu.memref_slice %arg7[%dma_wait3A_48, %dma_wait3A_49] : memref<4x32xi32, #tpu.memory_space<vmem>> -> memref<1x32xi32, #tpu.memory_space<vmem>>
    %dma_wait3A_51 = tpu.memref_squeeze %dma_wait3A_50 : memref<1x32xi32, #tpu.memory_space<vmem>> -> memref<32xi32, #tpu.memory_space<vmem>>
    %dma_wait3A_52 = arith.constant 0 : i32
    %dma_wait3A_53 = arith.constant 0 : i32
    %dma_wait3A_54 = tpu.memref_slice %arg13[%dma_wait3A_52, %dma_wait3A_53] : memref<10000x128xf32, #tpu.memory_space<vmem_shared>> -> memref<10000x128xf32, #tpu.memory_space<vmem_shared>>
    tpu.wait_indirect_dma semaphore(%arg15 : memref<!tpu.dma_semaphore, #tpu.memory_space<semaphore_mem>>) src(%dma_wait3A_54 : memref<10000x128xf32, #tpu.memory_space<vmem_shared>>) dst(%arg11 : memref<32x128xf32, #tpu.memory_space<vmem>>)
    %barrier3A_55 = arith.constant 0 : index
    tpu.barrier barrier_id(%barrier3A_55)
    %lt3A = arith.constant 8 : i32
    %lt3A_56 = arith.cmpi slt, %arg1, %lt3A : i32
    %convert_element_type3A_57 = arith.extui %lt3A_56 : i1 to i32
    %cond3A_58 = arith.constant 0 : i32
    %cond3A_59 = arith.cmpi ne, %convert_element_type3A_57, %cond3A_58 : i32
    scf.if %cond3A_59 {
      %mul3A_60 = arith.constant 632 : i32
      %mul3A_61 = arith.muli %arg1, %mul3A_60 : i32
      %mul3A_62 = arith.constant 632 : i32
      %mul3A_63 = arith.muli %arg1, %mul3A_62 : i32
      "tpu.region"() ({
        %run_scoped3A = tpu.sem_alloc : memref<!tpu.dma_semaphore, #tpu.memory_space<semaphore_mem>>
        %dma_start3A_64 = arith.constant 0 : i32
        %dma_start3A_65 = tpu.memref_slice %arg6[%arg0, %mul3A_63, %dma_start3A_64] : memref<2x5056x128xf32, #tpu.memory_space<hbm>> -> memref<1x632x128xf32, #tpu.memory_space<hbm>>
        %dma_start3A_66 = tpu.memref_squeeze %dma_start3A_65 : memref<1x632x128xf32, #tpu.memory_space<hbm>> -> memref<632x128xf32, #tpu.memory_space<hbm>>
        %dma_start3A_67 = arith.constant 0 : i32
        %dma_start3A_68 = tpu.memref_slice %arg14[%mul3A_61, %dma_start3A_67] : memref<5056x128xf32, #tpu.memory_space<vmem_shared>> -> memref<632x128xf32, #tpu.memory_space<vmem_shared>>
        tpu.enqueue_dma source(%dma_start3A_68 : memref<632x128xf32, #tpu.memory_space<vmem_shared>>) target(%dma_start3A_66 : memref<632x128xf32, #tpu.memory_space<hbm>>) target_semaphore(%run_scoped3A : memref<!tpu.dma_semaphore, #tpu.memory_space<semaphore_mem>>)
        %dma_wait3A_69 = arith.constant 0 : i32
        %dma_wait3A_70 = tpu.memref_slice %arg6[%arg0, %mul3A_63, %dma_wait3A_69] : memref<2x5056x128xf32, #tpu.memory_space<hbm>> -> memref<1x632x128xf32, #tpu.memory_space<hbm>>
        %dma_wait3A_71 = tpu.memref_squeeze %dma_wait3A_70 : memref<1x632x128xf32, #tpu.memory_space<hbm>> -> memref<632x128xf32, #tpu.memory_space<hbm>>
        %dma_wait3A_72 = arith.constant 0 : i32
        %dma_wait3A_73 = tpu.memref_slice %arg14[%mul3A_61, %dma_wait3A_72] : memref<5056x128xf32, #tpu.memory_space<vmem_shared>> -> memref<632x128xf32, #tpu.memory_space<vmem_shared>>
        tpu.wait_dma2 semaphore(%run_scoped3A : memref<!tpu.dma_semaphore, #tpu.memory_space<semaphore_mem>>) src(%dma_wait3A_73 : memref<632x128xf32, #tpu.memory_space<vmem_shared>>) dst(%dma_wait3A_71 : memref<632x128xf32, #tpu.memory_space<hbm>>)
        tpu.yield
      }) : () -> ()
    } else {
    }
    return
  }
}

module attributes {stable_mosaic.version = 14 : i64} {
  func.func @_tc_body(%arg0: memref<10000x128xf32, #tpu.memory_space<vmem>>, %arg1: memref<2x5056x128xf32, #tpu.memory_space<vmem>>, %arg2: memref<128x128xf32, #tpu.memory_space<vmem>>, %arg3: memref<1x128xf32, #tpu.memory_space<vmem>>, %arg4: memref<128x128xf32, #tpu.memory_space<vmem>>, %arg5: memref<1x128xf32, #tpu.memory_space<vmem>>, %arg6: memref<1x128xf32, #tpu.memory_space<vmem>>, %arg7: memref<1x128xf32, #tpu.memory_space<vmem>>, %arg8: memref<10000x128xf32, #tpu.memory_space<vmem>>) attributes {dimension_semantics = [], scalar_prefetch = 0 : i64, scratch_operands = 0 : i64, tpu.core_type = #tpu.core_type<tc>} {
    %get3A = arith.constant 0 : index
    %get3A_0 = arith.constant 0 : index
    %get3A_1 = arith.constant 0 : index
    %get3A_2 = vector.load %arg1[%get3A, %get3A_0, %get3A_1] : memref<2x5056x128xf32, #tpu.memory_space<vmem>>, vector<1x5000x128xf32>
    %get3A_3 = vector.shape_cast %get3A_2 : vector<1x5000x128xf32> to vector<5000x128xf32>
    %get3A_4 = arith.constant 1 : index
    %get3A_5 = arith.constant 0 : index
    %get3A_6 = arith.constant 0 : index
    %get3A_7 = vector.load %arg1[%get3A_4, %get3A_5, %get3A_6] : memref<2x5056x128xf32, #tpu.memory_space<vmem>>, vector<1x5000x128xf32>
    %get3A_8 = vector.shape_cast %get3A_7 : vector<1x5000x128xf32> to vector<5000x128xf32>
    %concatenate3A = tpu.concatenate %get3A_3, %get3A_8 in 0 : vector<5000x128xf32>, vector<5000x128xf32> -> vector<10000x128xf32>
    %get3A_9 = arith.constant 0 : index
    %get3A_10 = arith.constant 0 : index
    %get3A_11 = vector.load %arg0[%get3A_9, %get3A_10] : memref<10000x128xf32, #tpu.memory_space<vmem>>, vector<10000x128xf32>
    %add3A = arith.addf %get3A_11, %concatenate3A : vector<10000x128xf32>
    %get3A_12 = arith.constant 0 : index
    %get3A_13 = arith.constant 0 : index
    %get3A_14 = vector.load %arg2[%get3A_12, %get3A_13] : memref<128x128xf32, #tpu.memory_space<vmem>>, vector<128x128xf32>
    %dot_general3A = arith.constant dense<0.000000e+00> : vector<10000x128xf32>
    %dot_general3A_15 = tpu.matmul %add3A, %get3A_14, %dot_general3A {dimension_numbers = #tpu.dot_dimension_numbers<[1], [0], [0], [1], [0, 0, 1, 1], [], []>, transpose_lhs_hint = false} : vector<10000x128xf32>, vector<128x128xf32>, vector<10000x128xf32> -> vector<10000x128xf32>
    %get3A_16 = arith.constant 0 : index
    %get3A_17 = arith.constant 0 : index
    %get3A_18 = vector.load %arg3[%get3A_16, %get3A_17] : memref<1x128xf32, #tpu.memory_space<vmem>>, vector<1x128xf32>
    %add3A_19 = vector.broadcast %get3A_18 : vector<1x128xf32> to vector<10000x128xf32>
    %add3A_20 = arith.addf %dot_general3A_15, %add3A_19 : vector<10000x128xf32>
    %gt3A = arith.constant 0.000000e+00 : f32
    %gt3A_21 = vector.broadcast %gt3A : f32 to vector<10000x128xf32>
    %gt3A_22 = arith.cmpf ogt, %add3A_20, %gt3A_21 : vector<10000x128xf32>
    %mul3A = arith.constant 0.00999999977 : f32
    %mul3A_23 = vector.broadcast %mul3A : f32 to vector<10000x128xf32>
    %mul3A_24 = arith.mulf %mul3A_23, %add3A_20 : vector<10000x128xf32>
    %select_n3A = arith.select %gt3A_22, %add3A_20, %mul3A_24 : vector<10000x128xi1>, vector<10000x128xf32>
    %get3A_25 = arith.constant 0 : index
    %get3A_26 = arith.constant 0 : index
    %get3A_27 = vector.load %arg4[%get3A_25, %get3A_26] : memref<128x128xf32, #tpu.memory_space<vmem>>, vector<128x128xf32>
    %dot_general3A_28 = arith.constant dense<0.000000e+00> : vector<10000x128xf32>
    %dot_general3A_29 = tpu.matmul %select_n3A, %get3A_27, %dot_general3A_28 {dimension_numbers = #tpu.dot_dimension_numbers<[1], [0], [0], [1], [0, 0, 1, 1], [], []>, transpose_lhs_hint = false} : vector<10000x128xf32>, vector<128x128xf32>, vector<10000x128xf32> -> vector<10000x128xf32>
    %get3A_30 = arith.constant 0 : index
    %get3A_31 = arith.constant 0 : index
    %get3A_32 = vector.load %arg5[%get3A_30, %get3A_31] : memref<1x128xf32, #tpu.memory_space<vmem>>, vector<1x128xf32>
    %add3A_33 = vector.broadcast %get3A_32 : vector<1x128xf32> to vector<10000x128xf32>
    %add3A_34 = arith.addf %dot_general3A_29, %add3A_33 : vector<10000x128xf32>
    %max3A = arith.constant 0.000000e+00 : f32
    %max3A_35 = vector.broadcast %max3A : f32 to vector<10000x128xf32>
    %max3A_36 = arith.maximumf %add3A_34, %max3A_35 : vector<10000x128xf32>
    %reduce_sum3A = arith.constant dense<0.000000e+00> : vector<128xf32>
    %reduce_sum3A_37 = vector.multi_reduction <add>, %max3A_36, %reduce_sum3A [0] : vector<10000x128xf32> to vector<128xf32>
    %broadcast_in_dim3A = vector.shape_cast %reduce_sum3A_37 : vector<128xf32> to vector<1x128xf32>
    %mul3A_38 = arith.constant 9.99999974E-5 : f32
    %mul3A_39 = vector.broadcast %mul3A_38 : f32 to vector<1x128xf32>
    %mul3A_40 = arith.mulf %broadcast_in_dim3A, %mul3A_39 : vector<1x128xf32>
    %mul3A_41 = arith.mulf %max3A_36, %max3A_36 : vector<10000x128xf32>
    %reduce_sum3A_42 = arith.constant dense<0.000000e+00> : vector<128xf32>
    %reduce_sum3A_43 = vector.multi_reduction <add>, %mul3A_41, %reduce_sum3A_42 [0] : vector<10000x128xf32> to vector<128xf32>
    %broadcast_in_dim3A_44 = vector.shape_cast %reduce_sum3A_43 : vector<128xf32> to vector<1x128xf32>
    %mul3A_45 = arith.constant 9.99999974E-5 : f32
    %mul3A_46 = vector.broadcast %mul3A_45 : f32 to vector<1x128xf32>
    %mul3A_47 = arith.mulf %broadcast_in_dim3A_44, %mul3A_46 : vector<1x128xf32>
    %mul3A_48 = arith.mulf %mul3A_40, %mul3A_40 : vector<1x128xf32>
    %sub3A = arith.subf %mul3A_47, %mul3A_48 : vector<1x128xf32>
    %sub3A_49 = vector.broadcast %mul3A_40 : vector<1x128xf32> to vector<10000x128xf32>
    %sub3A_50 = arith.subf %max3A_36, %sub3A_49 : vector<10000x128xf32>
    %add3A_51 = arith.constant 9.99999974E-5 : f32
    %add3A_52 = vector.broadcast %add3A_51 : f32 to vector<1x128xf32>
    %add3A_53 = arith.addf %sub3A, %add3A_52 : vector<1x128xf32>
    %rsqrt3A = math.rsqrt %add3A_53 : vector<1x128xf32>
    %mul3A_54 = vector.broadcast %rsqrt3A : vector<1x128xf32> to vector<10000x128xf32>
    %mul3A_55 = arith.mulf %sub3A_50, %mul3A_54 : vector<10000x128xf32>
    %get3A_56 = arith.constant 0 : index
    %get3A_57 = arith.constant 0 : index
    %get3A_58 = vector.load %arg6[%get3A_56, %get3A_57] : memref<1x128xf32, #tpu.memory_space<vmem>>, vector<1x128xf32>
    %mul3A_59 = vector.broadcast %get3A_58 : vector<1x128xf32> to vector<10000x128xf32>
    %mul3A_60 = arith.mulf %mul3A_55, %mul3A_59 : vector<10000x128xf32>
    %get3A_61 = arith.constant 0 : index
    %get3A_62 = arith.constant 0 : index
    %get3A_63 = vector.load %arg7[%get3A_61, %get3A_62] : memref<1x128xf32, #tpu.memory_space<vmem>>, vector<1x128xf32>
    %add3A_64 = vector.broadcast %get3A_63 : vector<1x128xf32> to vector<10000x128xf32>
    %add3A_65 = arith.addf %mul3A_60, %add3A_64 : vector<10000x128xf32>
    %swap3A = arith.constant 0 : index
    %swap3A_66 = arith.constant 0 : index
    %swap3A_67 = vector.load %arg8[%swap3A, %swap3A_66] : memref<10000x128xf32, #tpu.memory_space<vmem>>, vector<10000x128xf32>
    tpu.vector_store %arg8[%swap3A, %swap3A_66], %add3A_65 {strides = array<i32>} : memref<10000x128xf32, #tpu.memory_space<vmem>>, vector<10000x128xf32>,
    return
  }
}

module attributes {stable_mosaic.version = 14 : i64} {
  func.func @_tc_body(%arg0: memref<10000x128xf32, #tpu.memory_space<vmem>>, %arg1: memref<2x5056x128xf32, #tpu.memory_space<vmem>>, %arg2: memref<128x128xf32, #tpu.memory_space<vmem>>, %arg3: memref<1x128xf32, #tpu.memory_space<vmem>>, %arg4: memref<128x128xf32, #tpu.memory_space<vmem>>, %arg5: memref<1x128xf32, #tpu.memory_space<vmem>>, %arg6: memref<1x128xf32, #tpu.memory_space<vmem>>, %arg7: memref<1x128xf32, #tpu.memory_space<vmem>>, %arg8: memref<10000x128xf32, #tpu.memory_space<vmem>>) attributes {dimension_semantics = [], scalar_prefetch = 0 : i64, scratch_operands = 0 : i64, tpu.core_type = #tpu.core_type<tc>} {
    %get3A = arith.constant 0 : index
    %get3A_0 = arith.constant 0 : index
    %get3A_1 = arith.constant 0 : index
    %get3A_2 = vector.load %arg1[%get3A, %get3A_0, %get3A_1] : memref<2x5056x128xf32, #tpu.memory_space<vmem>>, vector<1x5000x128xf32>
    %get3A_3 = vector.shape_cast %get3A_2 : vector<1x5000x128xf32> to vector<5000x128xf32>
    %get3A_4 = arith.constant 1 : index
    %get3A_5 = arith.constant 0 : index
    %get3A_6 = arith.constant 0 : index
    %get3A_7 = vector.load %arg1[%get3A_4, %get3A_5, %get3A_6] : memref<2x5056x128xf32, #tpu.memory_space<vmem>>, vector<1x5000x128xf32>
    %get3A_8 = vector.shape_cast %get3A_7 : vector<1x5000x128xf32> to vector<5000x128xf32>
    %concatenate3A = tpu.concatenate %get3A_3, %get3A_8 in 0 : vector<5000x128xf32>, vector<5000x128xf32> -> vector<10000x128xf32>
    %get3A_9 = arith.constant 0 : index
    %get3A_10 = arith.constant 0 : index
    %get3A_11 = vector.load %arg0[%get3A_9, %get3A_10] : memref<10000x128xf32, #tpu.memory_space<vmem>>, vector<10000x128xf32>
    %add3A = arith.addf %get3A_11, %concatenate3A : vector<10000x128xf32>
    %get3A_12 = arith.constant 0 : index
    %get3A_13 = arith.constant 0 : index
    %get3A_14 = vector.load %arg2[%get3A_12, %get3A_13] : memref<128x128xf32, #tpu.memory_space<vmem>>, vector<128x128xf32>
    %dot_general3A = arith.constant dense<0.000000e+00> : vector<10000x128xf32>
    %dot_general3A_15 = tpu.matmul %add3A, %get3A_14, %dot_general3A {dimension_numbers = #tpu.dot_dimension_numbers<[1], [0], [0], [1], [0, 0, 1, 1], [], []>, transpose_lhs_hint = false} : vector<10000x128xf32>, vector<128x128xf32>, vector<10000x128xf32> -> vector<10000x128xf32>
    %get3A_16 = arith.constant 0 : index
    %get3A_17 = arith.constant 0 : index
    %get3A_18 = vector.load %arg3[%get3A_16, %get3A_17] : memref<1x128xf32, #tpu.memory_space<vmem>>, vector<1x128xf32>
    %add3A_19 = vector.broadcast %get3A_18 : vector<1x128xf32> to vector<10000x128xf32>
    %add3A_20 = arith.addf %dot_general3A_15, %add3A_19 : vector<10000x128xf32>
    %gt3A = arith.constant 0.000000e+00 : f32
    %gt3A_21 = vector.broadcast %gt3A : f32 to vector<10000x128xf32>
    %gt3A_22 = arith.cmpf ogt, %add3A_20, %gt3A_21 : vector<10000x128xf32>
    %mul3A = arith.constant 0.00999999977 : f32
    %mul3A_23 = vector.broadcast %mul3A : f32 to vector<10000x128xf32>
    %mul3A_24 = arith.mulf %mul3A_23, %add3A_20 : vector<10000x128xf32>
    %select_n3A = arith.select %gt3A_22, %add3A_20, %mul3A_24 : vector<10000x128xi1>, vector<10000x128xf32>
    %get3A_25 = arith.constant 0 : index
    %get3A_26 = arith.constant 0 : index
    %get3A_27 = vector.load %arg4[%get3A_25, %get3A_26] : memref<128x128xf32, #tpu.memory_space<vmem>>, vector<128x128xf32>
    %dot_general3A_28 = arith.constant dense<0.000000e+00> : vector<10000x128xf32>
    %dot_general3A_29 = tpu.matmul %select_n3A, %get3A_27, %dot_general3A_28 {dimension_numbers = #tpu.dot_dimension_numbers<[1], [0], [0], [1], [0, 0, 1, 1], [], []>, transpose_lhs_hint = false} : vector<10000x128xf32>, vector<128x128xf32>, vector<10000x128xf32> -> vector<10000x128xf32>
    %get3A_30 = arith.constant 0 : index
    %get3A_31 = arith.constant 0 : index
    %get3A_32 = vector.load %arg5[%get3A_30, %get3A_31] : memref<1x128xf32, #tpu.memory_space<vmem>>, vector<1x128xf32>
    %add3A_33 = vector.broadcast %get3A_32 : vector<1x128xf32> to vector<10000x128xf32>
    %add3A_34 = arith.addf %dot_general3A_29, %add3A_33 : vector<10000x128xf32>
    %max3A = arith.constant 0.000000e+00 : f32
    %max3A_35 = vector.broadcast %max3A : f32 to vector<10000x128xf32>
    %max3A_36 = arith.maximumf %add3A_34, %max3A_35 : vector<10000x128xf32>
    %reduce_sum3A = arith.constant dense<0.000000e+00> : vector<128xf32>
    %reduce_sum3A_37 = vector.multi_reduction <add>, %max3A_36, %reduce_sum3A [0] : vector<10000x128xf32> to vector<128xf32>
    %broadcast_in_dim3A = vector.shape_cast %reduce_sum3A_37 : vector<128xf32> to vector<1x128xf32>
    %mul3A_38 = arith.constant 9.99999974E-5 : f32
    %mul3A_39 = vector.broadcast %mul3A_38 : f32 to vector<1x128xf32>
    %mul3A_40 = arith.mulf %broadcast_in_dim3A, %mul3A_39 : vector<1x128xf32>
    %mul3A_41 = arith.mulf %max3A_36, %max3A_36 : vector<10000x128xf32>
    %reduce_sum3A_42 = arith.constant dense<0.000000e+00> : vector<128xf32>
    %reduce_sum3A_43 = vector.multi_reduction <add>, %mul3A_41, %reduce_sum3A_42 [0] : vector<10000x128xf32> to vector<128xf32>
    %broadcast_in_dim3A_44 = vector.shape_cast %reduce_sum3A_43 : vector<128xf32> to vector<1x128xf32>
    %mul3A_45 = arith.constant 9.99999974E-5 : f32
    %mul3A_46 = vector.broadcast %mul3A_45 : f32 to vector<1x128xf32>
    %mul3A_47 = arith.mulf %broadcast_in_dim3A_44, %mul3A_46 : vector<1x128xf32>
    %mul3A_48 = arith.mulf %mul3A_40, %mul3A_40 : vector<1x128xf32>
    %sub3A = arith.subf %mul3A_47, %mul3A_48 : vector<1x128xf32>
    %sub3A_49 = vector.broadcast %mul3A_40 : vector<1x128xf32> to vector<10000x128xf32>
    %sub3A_50 = arith.subf %max3A_36, %sub3A_49 : vector<10000x128xf32>
    %add3A_51 = arith.constant 9.99999974E-5 : f32
    %add3A_52 = vector.broadcast %add3A_51 : f32 to vector<1x128xf32>
    %add3A_53 = arith.addf %sub3A, %add3A_52 : vector<1x128xf32>
    %rsqrt3A = math.rsqrt %add3A_53 : vector<1x128xf32>
    %mul3A_54 = vector.broadcast %rsqrt3A : vector<1x128xf32> to vector<10000x128xf32>
    %mul3A_55 = arith.mulf %sub3A_50, %mul3A_54 : vector<10000x128xf32>
    %get3A_56 = arith.constant 0 : index
    %get3A_57 = arith.constant 0 : index
    %get3A_58 = vector.load %arg6[%get3A_56, %get3A_57] : memref<1x128xf32, #tpu.memory_space<vmem>>, vector<1x128xf32>
    %mul3A_59 = vector.broadcast %get3A_58 : vector<1x128xf32> to vector<10000x128xf32>
    %mul3A_60 = arith.mulf %mul3A_55, %mul3A_59 : vector<10000x128xf32>
    %get3A_61 = arith.constant 0 : index
    %get3A_62 = arith.constant 0 : index
    %get3A_63 = vector.load %arg7[%get3A_61, %get3A_62] : memref<1x128xf32, #tpu.memory_space<vmem>>, vector<1x128xf32>
    %add3A_64 = vector.broadcast %get3A_63 : vector<1x128xf32> to vector<10000x128xf32>
    %add3A_65 = arith.addf %mul3A_60, %add3A_64 : vector<10000x128xf32>
    %swap3A = arith.constant 0 : index
    %swap3A_66 = arith.constant 0 : index
    %swap3A_67 = vector.load %arg8[%swap3A, %swap3A_66] : memref<10000x128xf32, #tpu.memory_space<vmem>>, vector<10000x128xf32>
    tpu.vector_store %arg8[%swap3A, %swap3A_66], %add3A_65 {strides = array<i32>} : memref<10000x128xf32, #tpu.memory_space<vmem>>, vector<10000x128xf32>,
    return
  }
}

</mosaic_0001>

<sc_bundles>
// kernel: kernel.11.cloned.1.call-start
scs
__scs_entry_jumppad:
0x0: {  	(pc) =	sbr.rel $0x88, $3  }
0x1: {  	(tag) =	ssettag $0x0;
	lr =	simm.s32 $0x1  }
0x2: {  	[smem:$0x3F99] =	sst lr;
	_ =	strace $0xD0000000  }
0x3: {  	_ = 	snop  }
0x4: {  	_ = 	snop  }
0x5: {  	_ = 	snop  }
0x6: {  	_ = 	snop  }
0x7: {  	_ = 	snop  }
__scs_overlays_trampoline_lowered:
0x8: {  	[smem:$0x3FA8] =	sst s0  }
0x9: {  	[smem:$0x3FA9] =	sst s1  }
0xa: {  	[smem:$0x3FAA] =	sst s2  }
0xb: {  	[smem:$0x3FAB] =	sst s3  }
0xc: {  	[smem:$0x3FAC] =	sst s4  }
0xd: {  	[smem:$0x3FAD] =	sst s5  }
0xe: {  	[smem:$0x3FAE] =	sst s6  }
0xf: {  	[smem:$0x3FAF] =	sst s7  }
0x10: {  	[smem:$0x3FB0] =	sst s8  }
0x11: {  	[smem:$0x3FB1] =	sst s9;
	s0 =	simm.s32 @!p0 $0x0  }
0x12: {  	s1 =	sld [smem:$0x3F97];
	s0 =	simm.s32 @p0 $0x1  }
0x13: {  	[smem:$0x3FB2] =	sst s0;
	s0 =	simm.s32 @!p1 $0x0  }
0x14: {  	s2 =	sld [smem:$0x3F96];
	s0 =	simm.s32 @p1 $0x1  }
0x15: {  	[smem:$0x3FB3] =	sst s0;
	s0 =	simm.s32 @!p2 $0x0  }
0x16: {  	s3 =	sld [smem:$0x3FDB];
	s0 =	simm.s32 @p2 $0x1  }
0x17: {  	s4 =	simm.s32 $0x1BF5;
	[smem:$0x3FB5] =	sst s0  }
0x18: {  	s0 =	sld [smem:$0x3F98];
	_ =	swait.ge [sflag:s4], $0x0  }
0x19: {  	s7 =	sld [smem:$0x3F99]  }
0x1a: {  	s8 =	sadd.s32 $0xFFFFE003, lr  }
0x1b: {  	s9 =	sadd.s32 $0xFFFFFEF7, lr;
	s5 =	simm.s32 $0xFFFFFFFF;
	p2 =	slt.u32 s8, $0xFFFFF086  }
0x1c: {  	p1 =	slt.u32 s9, $0xF7A;
	s5 =	simm.s32 @!p2 $0x0  }
0x1d: {  	s5 =	simm.s32 @p1 $0x1;
	p0 =	seq.s32 s7, s2  }
0x1e: {  	s7 =	smul.u32 @!p0 $0xF7A, s2;
	p2 =	seq.s32 @!p0 s5, $0x0  }
0x1f: {  	s9 =	smul.u32 $0xF7A, s1;
	s8 =	simm.s32 @!p0 $0x1BF5;
	p2 =	por !p2, p0  }
0x20: {  	[sflag:s8] =	ssyncset.s32 @!p0 $0xFFFFF086;
	s6 =	sadd.s32 @!p0 s3, s7;
	s7 =	simm.s32 @!p0 $0x108  }
0x21: {  	s3 =	sadd.s32 s3, s9;
	s6 =	sadd.s32 @!p0 $0x88, s6;
	s7 =	simm.s32 @p2 $0x1082  }
0x22: {  	[simem:s7], [sflag:s8] =	dma.local @!p0 [hbm:s6], $0xF7A  }
0x23: {  	s9 =	sor.u32 $0xD0000000, s2;
	s6 =	simm.s32 $0x108;
	_ =	swait.ge @!p0 [sflag:s8], $0x0  }
0x24: {  	s3 =	sadd.s32 $0x88, s3;
	s6 =	simm.s32 @!p1 $0x1082;
	[sflag:s4] =	ssyncset.s32 $0xFFFFF086  }
0x25: {  	[simem:s6], [sflag:s4] =	dma.local [hbm:s3], $0xF7A  }
0x26: {  	[smem:$0x3F99] =	sst s1;
	(tag) =	ssettag s2;
	_ =	strace s9  }
0x27: {  	s1 =	sld [smem:$0x3FA9]  }
0x28: {  	s2 =	sld [smem:$0x3FAA]  }
0x29: {  	s4 =	sld [smem:$0x3FAC]  }
0x2a: {  	p0 =	seq.s32 s5, $0x0;
	s5 =	sld [smem:$0x3FAD]  }
0x2b: {  	s6 =	sld [smem:$0x3FAE]  }
0x2c: {  	s7 =	sld [smem:$0x3FAF]  }
0x2d: {  	s3 =	simm.s32 $0x108;
	s8 =	sld [smem:$0x3FB0]  }
0x2e: {  	s3 =	simm.s32 @!p0 $0x1082;
	s9 =	sld [smem:$0x3FB1]  }
0x2f: {  	lr =	sadd.s32 s0, s3;
	s0 =	sld [smem:$0x3FA8]  }
0x30: {  	s3 =	sld [smem:$0x3FAB]  }
0x31: {  	[smem:$0x3FB4] =	sst s10  }
0x32: {  	s10 =	sld [smem:$0x3FB2];
	_ =	sdelay $0x3  }
0x33: {  	p0 =	seq.s32 s10, $0x1;
	s10 =	sld [smem:$0x3FB4];
	_ =	sdelay $0x3  }
0x34: {  	[smem:$0x3FB4] =	sst s10  }
0x35: {  	s10 =	sld [smem:$0x3FB3];
	_ =	sdelay $0x3  }
0x36: {  	p1 =	seq.s32 s10, $0x1;
	s10 =	sld [smem:$0x3FB4];
	_ =	sdelay $0x3  }
0x37: {  	[smem:$0x3FB4] =	sst s10  }
0x38: {  	s10 =	sld [smem:$0x3FB5]  }
0x39: {  	_ = 	snop;
	(pc) =	sbr.ind lr, $3  }
0x3a: {  	_ = 	snop  }
0x3b: {  	_ = 	snop  }
0x3c: {  	p2 =	seq.s32 s10, $0x1;
	s10 =	sld [smem:$0x3FB4]  }
0x3d: {  	_ =	shalt  }
0x3e: {  	_ =	shalt  }
0x3f: {  	_ =	shalt  }
0x40: {  	_ =	shalt  }
0x41: {  	_ =	shalt  }
0x42: {  	_ =	shalt  }
0x43: {  	_ =	shalt  }
0x44: {  	_ =	shalt  }
0x45: {  	_ =	shalt  }
0x46: {  	_ =	shalt  }
0x47: {  	_ =	shalt  }
0x48: {  	_ =	shalt  }
0x49: {  	_ =	shalt  }
0x4a: {  	_ =	shalt  }
0x4b: {  	_ =	shalt  }
0x4c: {  	_ =	shalt  }
0x4d: {  	_ =	shalt  }
0x4e: {  	_ =	shalt  }
0x4f: {  	_ =	shalt  }
0x50: {  	_ =	shalt  }
0x51: {  	_ =	shalt  }
0x52: {  	_ =	shalt  }
0x53: {  	_ =	shalt  }
0x54: {  	_ =	shalt  }
0x55: {  	_ =	shalt  }
0x56: {  	_ =	shalt  }
0x57: {  	_ =	shalt  }
0x58: {  	_ =	shalt  }
0x59: {  	_ =	shalt  }
0x5a: {  	_ =	shalt  }
0x5b: {  	_ =	shalt  }
0x5c: {  	_ =	shalt  }
0x5d: {  	_ =	shalt  }
0x5e: {  	_ =	shalt  }
0x5f: {  	_ =	shalt  }
0x60: {  	_ =	shalt  }
0x61: {  	_ =	shalt  }
0x62: {  	_ =	shalt  }
0x63: {  	_ =	shalt  }
0x64: {  	_ =	shalt  }
0x65: {  	_ =	shalt  }
0x66: {  	_ =	shalt  }
0x67: {  	_ =	shalt  }
0x68: {  	_ =	shalt  }
0x69: {  	_ =	shalt  }
0x6a: {  	_ =	shalt  }
0x6b: {  	_ =	shalt  }
0x6c: {  	_ =	shalt  }
0x6d: {  	_ =	shalt  }
0x6e: {  	_ =	shalt  }
0x6f: {  	_ =	shalt  }
0x70: {  	_ =	shalt  }
0x71: {  	_ =	shalt  }
0x72: {  	_ =	shalt  }
0x73: {  	_ =	shalt  }
0x74: {  	_ =	shalt  }
0x75: {  	_ =	shalt  }
0x76: {  	_ =	shalt  }
0x77: {  	_ =	shalt  }
0x78: {  	_ =	shalt  }
0x79: {  	_ =	shalt  }
0x7a: {  	_ =	shalt  }
0x7b: {  	_ =	shalt  }
0x7c: {  	_ =	shalt  }
0x7d: {  	_ =	shalt  }
0x7e: {  	_ =	shalt  }
0x7f: {  	_ =	shalt  }
0x80: {  	_ =	shalt  }
0x81: {  	_ =	shalt  }
0x82: {  	_ =	shalt  }
0x83: {  	_ =	shalt  }
0x84: {  	_ =	shalt  }
0x85: {  	_ =	shalt  }
0x86: {  	_ =	shalt  }
0x87: {  	_ =	shalt  }
.Lfunc_end0:
.L_simem_size_0:
called_computation.1_lowered:
.L_overlay_start_0:
0x88: {  	s2 =	sld [smem:$0x3FD9]  }
0x89: {  	s3 =	sld [smem:$0x3FFE];
	_ =	sdelay $0x1  }
0x8a: {  	s1 =	srdreg.scid  }
0x8b: {  	s0 =	sand.u32 $0x1, s1  }
0x8c: {  	s17 =	sshll.u32 s0, $0xA;
	s2 =	sadd.s32 s3, s2  }
0x8d: {  	s2 =	sadd.s32 s2, s17  }
0x8e: {  	[smem:$0x3FC0] =	sst s2  }
0x8f: {  	_ = 	snop  }
0x90: {  	s2 =	sld [smem:$0x3FD0];
	(tm) =	ssettm $0x1  }
0x91: {  	s18 =	sld [smem:$0x3FFB];
	_ =	sdelay $0x3  }
0x92: {  	_ =	strace s18  }
0x93: {  	s3 =	sld [smem:$0x3FFC];
	_ =	sdelay $0x3  }
0x94: {  	_ =	strace s3  }
0x95: {  	s3 =	sld [smem:$0x3FFD];
	_ =	sdelay $0x3  }
0x96: {  	_ =	strace s3  }
0x97: {  	_ =	strace $0x8FFFFFFF  }
0x98: {  	s19 =	sld [smem:$0x3FDB];
	_ =	sdelay $0x1  }
0x99: {  	s4 =	simm.s32 $_scs_section_size  }
0x9a: {  	s5 =	simm.s32 $_size__tile_overlayer_lowered;
	s6 =	simm.s32 $_tile_overlayer_lowered  }
0x9b: {  	s22 =	simm.s32 $0x1BFF;
	s21 =	sshll.u32 s6, $0x1;
	s3 =	sadd.s32 s4, s19  }
0x9c: {  	s7 =	simm.s32 $0x0;
	s20 =	sshll.u32 s5, $0x1;
	s5 =	sadd.s32 s21, s3  }
0x9d: {  	[timem:s7], [sflag:s22] =	dma.local [hbm:s5], s20  }
0x9e: {  	_ =	swait.ge [sflag:s22], s20  }
0x9f: {  	s4 =	ssub.s32 $0x0, s20;
	[sflag:s22] =	ssyncset.done $0x0  }
0xa0: {  	[sflag:s22] =	ssyncadd.s32 s4;
	_ =	sdelay $0x1  }
0xa1: {  	s23 =	simm.s32 $0x1B8B  }
0xa2: {  	_ =	swait.ge [sflag:s23], $0x1  }
0xa3: {  	[sflag:s23] =	ssyncset.done $0x0  }
0xa4: {  	s25 =	simm.s32 $0x1B8E;
	s24 =	sld [smem:$0x3FFE];
	[sflag:s23] =	ssyncadd.s32 $0xFFFFFFFF  }
0xa5: {  	s26 =	simm.s32 $execute0_lowered;
	[smem:$0x3FD2] =	sst s25  }
0xa6: {  	s5 =	sshll.u32 s26, $0x1;
	_ =	strace $0x80000049;
	[dreg:$0x1] =	wrdreg $0xFFFFFFFF  }
0xa7: {  	s28 =	simm.s32 $_size_execute0_lowered;
	s3 =	sadd.s32 s3, s5;
	[dreg:$0x0] =	wrdreg $0x0  }
0xa8: {  	s5 =	sshll.u32 s28, $0x1;
	[dreg:$0x2] =	wrdreg s3  }
0xa9: {  	[dreg:$0x3] =	wrdreg s5  }
0xaa: {  	[dreg:$0x4] =	wrdreg $0xC0  }
0xab: {  	_ =	task [dreg:s7], $0x5FFFF  }
0xac: {  	[dreg:$0x1] =	wrdreg $0xFFFFFFFF  }
0xad: {  	[dreg:$0x0] =	wrdreg $0x60  }
0xae: {  	[dreg:$0x2] =	wrdreg s2  }
0xaf: {  	[dreg:$0x3] =	wrdreg s24  }
0xb0: {  	[dreg:$0x4] =	wrdreg $0x28000  }
0xb1: {  	[dreg:$0x5] =	wrdreg $0x160800  }
0xb2: {  	[dreg:$0x6] =	wrdreg $0x9  }
0xb3: {  	_ =	task.clear_ibuf [dreg:s7], $0x7FFFF;
	_ =	strace $0x90000049  }
0xb4: {  	s29 =	simm.s32 $0x9;
	_ =	strace $0x8000004B  }
0xb5: {  	_ =	swait.ge [sflag:s29], $0x1  }
0xb6: {  	[sflag:s29] =	ssyncadd.s32 $0xFFFFFFFF  }
0xb7: {  	_ =	strace $0x9000004B  }
0xb8: {  	_ =	sfence  }
0xb9: {  	s30 =	sld [smem:$0x0];
	_ =	sdelay $0x2  }
0xba: {  	s31 =	sshll.u32 s1, $0xD;
	s1 =	sshrl.u32 s1, $0x2  }
0xbb: {  	s3 =	sand.u32 $0x4000, s31;
	s1 =	sadd.s32 s1, s30  }
0xbc: {  	s0 =	sor.u32 s3, s0;
	s1 =	sshll.u32 s1, $0x11  }
0xbd: {  	s0 =	sor.u32 s1, s0  }
0xbe: {  	s0 =	sadd.s32 $0x8F2B, s0  }
0xbf: {  	[sflag:s0] =	ssyncadd.remote.s32 $0x1  }
0xc0: {  	_ =	sfence.sel $0xFFFF  }
0xc1: {  	[dreg:$0x0] =	wrdreg $0xFFFFFFFF;
	(pc) =	sbr.abs _section_cstart, $3  }
0xc2: {  	[dreg:$0x1] =	wrdreg $0xFFFFFFFF  }
0xc3: {  	_ =	task.clear_ibuf [dreg:s7], $0x2FFFF;
	_ =	strace $0x9FFFFFFF  }
0xc4: {  	(tm) =	ssettm $0x7FFFFFFF  }
0xc5: {  	_ =	shalt  }
tec
execute0_lowered:
.L_overlay_start_1:
0x0: {  	(tag) =	ssettag $0x1  }
0x1: {  	s0 =	rddreg [dreg:$0x0]  }
0x2: {  	s1 =	rddreg [dreg:$0x1]  }
0x3: {  	s2 =	rddreg [dreg:$0x2]  }
0x4: {  	s3 =	rddreg [dreg:$0x3];
	s5 =	srdreg.scid  }
0x5: {  	s17 =	stileid.u32;
	s4 =	simm.s32 $0x0;
	s28 =	simm.s32 $0x100  }
0x6: {  	s29 =	simm.s32 $0x2;
	s30 =	simm.s32 $0x480;
	s6 =	smul.u32 $0x13C00, s17  }
0x7: {  	s31 =	simm.s32 $0x180;
	s5 =	sand.u32 $0x1, s5;
	s11 =	smul.u32 $0x278, s17  }
0x8: {  	[smem:$0x7FF] =	sst s4;
	s8 =	sadd.s32 $0x7DE00, s1;
	s26 =	smul.u32 $0x4F000, s17  }
0x9: {  	s22 =	sadd.s32 $0x2E00, s1;
	s9 =	sadd.s32 $0x2BE00, s1;
	s15 =	smul.u32 $0x14800, s17  }
0xa: {  	s13 =	sshll.u32 s17, $0x6;
	s19 =	smul.u32 $0x2900, s17;
	p0 =	slt.u32 s17, $0x8  }
0xb: {  	p1 =	sgt.u32 s17, $0x7;
	s7 =	smul.u32 $0x9E000, s5;
	_ =	strace $0x8000004A  }
0xc: {  	[dreg:$0x8] =	wrdreg s8;
	s10 =	ssub.s32 $0x2, s5;
	s18 =	sor.u32 $0x1C05, s13  }
0xd: {  	s5 =	smul.u32 $0x148000, s5;
	s8 =	simm.s32 $0x280;
	s23 =	sshrl.u32 s10, $0x1  }
0xe: {  	s12 =	sadd.s32 s6, s2;
	s24 =	sshrl.u32 s6, $0x3;
	s25 =	smin.u32 s11, $0x2498  }
0xf: {  	s11 =	sshrl.u32 s26, $0x2;
	s21 =	sadd.s32 s19, s22;
	s19 =	simm.s32 $0x400  }
0x10: {  	s26 =	simm.s32 $0x80;
	[dreg:$0xa] =	wrdreg s18;
	s7 =	sadd.s32 s6, s7  }
0x11: {  	s10 =	ssub.s32 s10, s23;
	s14 =	sadd.s32 $0x208, s25;
	s11 =	sadd.s32 s11, s3  }
0x12: {  	s5 =	sadd.s32 s15, s5;
	s6 =	sadd.s32 s6, s3;
	[dreg:$0x5] =	wrdreg s21  }
0x13: {  	s21 =	simm.s32 $0x600;
	[dreg:$0x7] =	wrdreg s26;
	s26 =	simm.s32 $0x1  }
0x14: {  	s7 =	sshrl.u32 s7, $0x3;
	s23 =	smax.u32 s10, $0x1;
	s10 =	simm.s32 $0x0  }
0x15: {  	s1 =	sadd.s32 s7, s1;
	s7 =	sadd.s32 s0, s24;
	[dreg:$0x11] =	wrdreg s23  }
0x16: {  	s24 =	sshrl.u32 s12, $0x3;
	s23 =	simm.s32 $0x800;
	s12 =	simm.s32 $0x680  }
0x17: {  	[dreg:$0x9] =	wrdreg s7;
	s7 =	sshll.u32 s14, $0x7;
	s14 =	sshll.u32 s14, $0x4  }
0x18: {  	s1 =	sadd.s32 $0x80600, s1;
	[dreg:$0x12] =	wrdreg s24;
	s24 =	simm.s32 $0x1800  }
0x19: {  	s13 =	sadd.s32 s7, s2;
	s0 =	sadd.s32 s0, s14;
	s14 =	sshrl.u32 s15, $0x3  }
0x1a: {  	s15 =	sshrl.u32 s5, $0x3;
	s5 =	sor.u32 $0x400, s5;
	[dreg:$0x10] =	wrdreg s1  }
0x1b: {  	s1 =	simm.s32 $0x3;
	[dreg:$0xb] =	wrdreg s0;
	s16 =	sadd.s32 s22, s14  }
0x1c: {  	s0 =	sadd.s32 $0xFFF62000, s11;
	s14 =	sadd.s32 s9, s15;
	[dreg:$0xc] =	wrdreg s16  }
0x1d: {  	s5 =	sshrl.u32 s5, $0x3;
	s25 =	sshrl.u32 s13, $0x3;
	[dreg:$0xd] =	wrdreg s14  }
0x1e: {  	s11 =	simm.s32 $0x300;
	s7 =	sadd.s32 $0x40, s16;
	[dreg:$0x13] =	wrdreg s25  }
0x1f: {  	s13 =	simm.s32 $0x380;
	s20 =	sadd.s32 $0x40, s14;
	[dreg:$0xe] =	wrdreg s7  }
0x20: {  	s22 =	sadd.s32 s5, s9;
	s16 =	simm.s32 $0x5;
	[dreg:$0xf] =	wrdreg s20  }
0x21: {  	s0 =	sshrl.u32 @!p0 s0, $0x3;
	s5 =	simm.s32 $0x4;
	[dreg:$0x6] =	wrdreg s22  }
0x22: {  	s9 =	simm.s32 $0x700;
	s14 =	simm.s32 $0x780;
	[dreg:$0x14] =	wrdreg s0  }
0x23: {  	s20 =	simm.s32 $0x200;
	s22 =	simm.s32 $0x20;
	s0 =	sshrl.u32 @!p1 s6, $0x3  }
0x24: {  	s6 =	simm.s32 $0x580;
	[dreg:$0x15] =	wrdreg s0;
	s0 =	simm.s32 $0x500  }
.LBB2_1:
0x25: {  	s7 =	rddreg [dreg:$0x9]  }
0x26: {  	s15 =	rddreg [dreg:$0x12]  }
0x27: {  	[spmem:s15], [sflag:s18] =	dma.local [hbm:s7], $0x2080  }
0x28: {  	_ =	swait.ge [sflag:s16], $0x2080  }
0x29: {  	[sflag:s16] =	ssyncset.done $0x0;
	s17 =	rddreg [dreg:$0xb]  }
0x2a: {  	s25 =	rddreg [dreg:$0x13];
	[sflag:s16] =	ssyncadd.s32 $0xFFFFDF80  }
0x2b: {  	[spmem:s25], [sflag:s18] =	dma.local [hbm:s17], $0x700  }
0x2c: {  	_ =	swait.ge [sflag:s16], $0x700  }
0x2d: {  	[sflag:s16] =	ssyncset.done $0x0;
	s7 =	rddreg [dreg:$0x8]  }
0x2e: {  	s15 =	rddreg [dreg:$0x14];
	[sflag:s16] =	ssyncadd.s32 $0xFFFFF900  }
0x2f: {  	[spmem:s15], [sflag:s18] =	dma.local @!p0 [hbm:s7], $0x2780  }
0x30: {  	s15 =	simm.s32 @!p0 $0x5  }
0x31: {  	_ =	swait.ge @!p0 [sflag:s15], $0x2780  }
0x32: {  	[sflag:s15] =	ssyncset.done @!p0 $0x0  }
0x33: {  	s17 =	rddreg [dreg:$0xc];
	[sflag:s15] =	ssyncadd.s32 @!p0 $0xFFFFD880  }
0x34: {  	[tilespmem:s4], [sflag:$0x5] =	stream.linear.gather [hbm4b:s17+s4], $0x200, $0x38;
	[tilespmem:$0x1FE80] =	vst v63  }
0x35: {  	_ =	swait.ge [sflag:s16], $0x200  }
0x36: {  	[sflag:s16] =	ssyncset.done $0x0  }
0x37: {  	s18 =	rddreg [dreg:$0xd];
	[sflag:s16] =	ssyncadd.s32 $0xFFFFFE00  }
0x38: {  	[tilespmem:s19], [sflag:$0x5] =	stream.linear.gather [hbm4b:s18+s4], $0x200, $0x38;
	[tilespmem:$0x1FE80] =	vst v63  }
0x39: {  	_ =	swait.ge [sflag:s16], $0x200  }
0x3a: {  	[sflag:s16] =	ssyncset.done $0x0  }
0x3b: {  	s25 =	rddreg [dreg:$0xe];
	[sflag:s16] =	ssyncadd.s32 $0xFFFFFE00  }
0x3c: {  	[tilespmem:s20], [sflag:$0x3] =	stream.linear.gather [hbm4b:s25+s4], $0x200, $0x38;
	[tilespmem:$0x1FE80] =	vst v63  }
0x3d: {  	s15 =	rddreg [dreg:$0xf]  }
0x3e: {  	[tilespmem:s21], [sflag:$0x4] =	stream.linear.gather [hbm4b:s15+s4], $0x200, $0x38;
	[tilespmem:$0x1FE80] =	vst v63  }
0x3f: {  	[bflag:$0x0] =	sbarrier.arrive $0xFFFF  }
0x40: {  	[tilespmem:s23], [sflag:$0x1] =	stream.indirect.gather [spmem:s2], $0x80, s4, s22, $0xb8;
	[tilespmem:$0x1FE80] =	vst v63  }
0x41: {  	s17 =	rddreg [dreg:$0x7]  }
0x42: {  	[tilespmem:s24], [sflag:$0x2] =	stream.indirect.gather [spmem:s2], $0x80, s17, s22, $0xb8;
	[tilespmem:$0x1FE80] =	vst v63  }
0x43: {  	_ =	swait.ge [sflag:s26], $0x1000  }
0x44: {  	[sflag:s26] =	ssyncset.done $0x0  }
0x45: {  	[sflag:s26] =	ssyncadd.s32 $0xFFFFF000  }
0x46: {  	[spmem:s3] =	stream.indirect.scatter.add.f32 [tilespmem:s23], [sflag:$0x5], $0x80, s19, s22, $0xb8;
	[tilespmem:$0x1FE80] =	vst v63  }
0x47: {  	_ =	swait.ge [sflag:s16], $0x1000  }
0x48: {  	[sflag:s16] =	ssyncset.done $0x0  }
0x49: {  	[sflag:s16] =	ssyncadd.s32 $0xFFFFF000  }
0x4a: {  	[tilespmem:s23], [sflag:$0x1] =	stream.indirect.gather [spmem:s2], $0x80, s28, s22, $0xb8;
	[tilespmem:$0x1FE80] =	vst v63  }
0x4b: {  	_ =	swait.ge [sflag:s29], $0x1000  }
0x4c: {  	[sflag:s29] =	ssyncset.done $0x0  }
0x4d: {  	[sflag:s29] =	ssyncadd.s32 $0xFFFFF000  }
0x4e: {  	[spmem:s3] =	stream.indirect.scatter.add.f32 [tilespmem:s24], [sflag:$0x5], $0x80, s30, s22, $0xb8;
	[tilespmem:$0x1FE80] =	vst v63  }
0x4f: {  	_ =	swait.ge [sflag:s16], $0x1000  }
0x50: {  	[sflag:s16] =	ssyncset.done $0x0  }
0x51: {  	[sflag:s16] =	ssyncadd.s32 $0xFFFFF000  }
0x52: {  	[tilespmem:s24], [sflag:$0x2] =	stream.indirect.gather [spmem:s2], $0x80, s31, s22, $0xb8;
	[tilespmem:$0x1FE80] =	vst v63  }
0x53: {  	_ =	swait.ge [sflag:s26], $0x1000  }
0x54: {  	[sflag:s26] =	ssyncset.done $0x0  }
0x55: {  	[sflag:s26] =	ssyncadd.s32 $0xFFFFF000  }
0x56: {  	[spmem:s3] =	stream.indirect.scatter.add.f32 [tilespmem:s23], [sflag:$0x5], $0x80, s0, s22, $0xb8;
	[tilespmem:$0x1FE80] =	vst v63  }
0x57: {  	_ =	swait.ge [sflag:s16], $0x1000  }
0x58: {  	[sflag:s16] =	ssyncset.done $0x0  }
0x59: {  	[sflag:s16] =	ssyncadd.s32 $0xFFFFF000  }
0x5a: {  	_ =	swait.ge [sflag:s1], $0x200  }
0x5b: {  	[sflag:s1] =	ssyncset.done $0x0  }
0x5c: {  	[sflag:s1] =	ssyncadd.s32 $0xFFFFFE00  }
0x5d: {  	[tilespmem:s23], [sflag:$0x1] =	stream.indirect.gather [spmem:s2], $0x80, s20, s22, $0xb8;
	[tilespmem:$0x1FE80] =	vst v63  }
0x5e: {  	_ =	swait.ge [sflag:s29], $0x1000  }
0x5f: {  	s18 =	rddreg [dreg:$0x5]  }
0x60: {  	[sflag:s29] =	ssyncset.done $0x0;
	s15 =	sadd.s32 $0x0, s18  }
0x61: {  	[sflag:s29] =	ssyncadd.s32 $0xFFFFF000;
	s17 =	sadd.s32 $0x80, s15  }
0x62: {  	[tilespmem:s4], [sflag:$0x3] =	stream.linear.gather [hbm4b:s17+s4], $0x200, $0x38;
	[tilespmem:$0x1FE80] =	vst v63  }
0x63: {  	_ =	swait.ge [sflag:s5], $0x200  }
0x64: {  	[sflag:s5] =	ssyncset.done $0x0  }
0x65: {  	[sflag:s5] =	ssyncadd.s32 $0xFFFFFE00  }
0x66: {  	[spmem:s3] =	stream.indirect.scatter.add.f32 [tilespmem:s24], [sflag:$0x5], $0x80, s6, s22, $0xb8;
	[tilespmem:$0x1FE80] =	vst v63  }
0x67: {  	_ =	swait.ge [sflag:s16], $0x1000  }
0x68: {  	s25 =	rddreg [dreg:$0x6];
	[sflag:s16] =	ssyncset.done $0x0  }
0x69: {  	[sflag:s16] =	ssyncadd.s32 $0xFFFFF000;
	s17 =	sadd.s32 $0x0, s25  }
0x6a: {  	[tilespmem:s19], [sflag:$0x4] =	stream.linear.gather [hbm4b:s17+s4], $0x200, $0x38;
	[tilespmem:$0x1FE80] =	vst v63  }
0x6b: {  	_ = 	snop  }
0x6c: {  	[tilespmem:s24], [sflag:$0x2] =	stream.indirect.gather [spmem:s2], $0x80, s8, s22, $0xb8;
	[tilespmem:$0x1FE80] =	vst v63  }
0x6d: {  	_ =	swait.ge [sflag:s26], $0x1000  }
0x6e: {  	[sflag:s26] =	ssyncset.done $0x0  }
0x6f: {  	[sflag:s26] =	ssyncadd.s32 $0xFFFFF000  }
0x70: {  	[spmem:s3] =	stream.indirect.scatter.add.f32 [tilespmem:s23], [sflag:$0x5], $0x80, s21, s22, $0xb8;
	[tilespmem:$0x1FE80] =	vst v63  }
0x71: {  	_ =	swait.ge [sflag:s16], $0x1000  }
0x72: {  	[sflag:s16] =	ssyncset.done $0x0  }
0x73: {  	[sflag:s16] =	ssyncadd.s32 $0xFFFFF000  }
0x74: {  	[tilespmem:s23], [sflag:$0x1] =	stream.indirect.gather [spmem:s2], $0x80, s11, s22, $0xb8;
	[tilespmem:$0x1FE80] =	vst v63  }
0x75: {  	_ =	swait.ge [sflag:s29], $0x1000  }
0x76: {  	[sflag:s29] =	ssyncset.done $0x0  }
0x77: {  	[sflag:s29] =	ssyncadd.s32 $0xFFFFF000  }
0x78: {  	[spmem:s3] =	stream.indirect.scatter.add.f32 [tilespmem:s24], [sflag:$0x5], $0x80, s12, s22, $0xb8;
	[tilespmem:$0x1FE80] =	vst v63  }
0x79: {  	_ =	swait.ge [sflag:s16], $0x1000  }
0x7a: {  	[sflag:s16] =	ssyncset.done $0x0  }
0x7b: {  	[sflag:s16] =	ssyncadd.s32 $0xFFFFF000  }
0x7c: {  	[tilespmem:s24], [sflag:$0x2] =	stream.indirect.gather [spmem:s2], $0x80, s13, s22, $0xb8;
	[tilespmem:$0x1FE80] =	vst v63  }
0x7d: {  	_ =	swait.ge [sflag:s26], $0x1000  }
0x7e: {  	[sflag:s26] =	ssyncset.done $0x0  }
0x7f: {  	[sflag:s26] =	ssyncadd.s32 $0xFFFFF000  }
0x80: {  	[spmem:s3] =	stream.indirect.scatter.add.f32 [tilespmem:s23], [sflag:$0x5], $0x80, s9, s22, $0xb8;
	[tilespmem:$0x1FE80] =	vst v63  }
0x81: {  	_ =	swait.ge [sflag:s16], $0x1000  }
0x82: {  	[sflag:s16] =	ssyncset.done $0x0  }
0x83: {  	[sflag:s16] =	ssyncadd.s32 $0xFFFFF000  }
0x84: {  	_ =	swait.ge [sflag:s1], $0x200  }
0x85: {  	[sflag:s1] =	ssyncset.done $0x0  }
0x86: {  	[sflag:s1] =	ssyncadd.s32 $0xFFFFFE00  }
0x87: {  	[tilespmem:s23], [sflag:$0x1] =	stream.indirect.gather [spmem:s2], $0x80, s4, s22, $0xb8;
	[tilespmem:$0x1FE80] =	vst v63  }
0x88: {  	_ =	swait.ge [sflag:s29], $0x1000  }
0x89: {  	[sflag:s29] =	ssyncset.done $0x0  }
0x8a: {  	s15 =	sadd.s32 $0xC0, s15;
	[sflag:s29] =	ssyncadd.s32 $0xFFFFF000  }
0x8b: {  	[tilespmem:s20], [sflag:$0x3] =	stream.linear.gather [hbm4b:s15+s4], $0x200, $0x38;
	[tilespmem:$0x1FE80] =	vst v63  }
0x8c: {  	_ =	swait.ge [sflag:s5], $0x200  }
0x8d: {  	[sflag:s5] =	ssyncset.done $0x0  }
0x8e: {  	[sflag:s5] =	ssyncadd.s32 $0xFFFFFE00  }
0x8f: {  	[spmem:s3] =	stream.indirect.scatter.add.f32 [tilespmem:s24], [sflag:$0x5], $0x80, s14, s22, $0xb8;
	[tilespmem:$0x1FE80] =	vst v63  }
0x90: {  	_ =	swait.ge [sflag:s16], $0x1000  }
0x91: {  	s25 =	simm.s32 $0x80;
	s18 =	sadd.s32 $0x40, s17;
	[sflag:s16] =	ssyncset.done $0x0  }
.LBB2_2:
0x92: {  	[sflag:s16] =	ssyncadd.s32 $0xFFFFF000  }
0x93: {  	[tilespmem:s21], [sflag:$0x4] =	stream.linear.gather [hbm4b:s18+s4], $0x200, $0x38;
	[tilespmem:$0x1FE80] =	vst v63  }
0x94: {  	s7 =	rddreg [dreg:$0x7]  }
0x95: {  	[tilespmem:s24], [sflag:$0x2] =	stream.indirect.gather [spmem:s2], $0x80, s7, s22, $0xb8;
	[tilespmem:$0x1FE80] =	vst v63  }
0x96: {  	_ =	swait.ge [sflag:s26], $0x1000  }
0x97: {  	[sflag:s26] =	ssyncset.done $0x0  }
0x98: {  	[sflag:s26] =	ssyncadd.s32 $0xFFFFF000  }
0x99: {  	[spmem:s3] =	stream.indirect.scatter.add.f32 [tilespmem:s23], [sflag:$0x5], $0x80, s19, s22, $0xb8;
	[tilespmem:$0x1FE80] =	vst v63  }
0x9a: {  	_ =	swait.ge [sflag:s16], $0x1000  }
0x9b: {  	[sflag:s16] =	ssyncset.done $0x0  }
0x9c: {  	[sflag:s16] =	ssyncadd.s32 $0xFFFFF000  }
0x9d: {  	[tilespmem:s23], [sflag:$0x1] =	stream.indirect.gather [spmem:s2], $0x80, s28, s22, $0xb8;
	[tilespmem:$0x1FE80] =	vst v63  }
0x9e: {  	_ =	swait.ge [sflag:s29], $0x1000  }
0x9f: {  	[sflag:s29] =	ssyncset.done $0x0  }
0xa0: {  	[sflag:s29] =	ssyncadd.s32 $0xFFFFF000  }
0xa1: {  	[spmem:s3] =	stream.indirect.scatter.add.f32 [tilespmem:s24], [sflag:$0x5], $0x80, s30, s22, $0xb8;
	[tilespmem:$0x1FE80] =	vst v63  }
0xa2: {  	_ =	swait.ge [sflag:s16], $0x1000  }
0xa3: {  	[sflag:s16] =	ssyncset.done $0x0  }
0xa4: {  	[sflag:s16] =	ssyncadd.s32 $0xFFFFF000  }
0xa5: {  	[tilespmem:s24], [sflag:$0x2] =	stream.indirect.gather [spmem:s2], $0x80, s31, s22, $0xb8;
	[tilespmem:$0x1FE80] =	vst v63  }
0xa6: {  	_ =	swait.ge [sflag:s26], $0x1000  }
0xa7: {  	[sflag:s26] =	ssyncset.done $0x0  }
0xa8: {  	[sflag:s26] =	ssyncadd.s32 $0xFFFFF000  }
0xa9: {  	[spmem:s3] =	stream.indirect.scatter.add.f32 [tilespmem:s23], [sflag:$0x5], $0x80, s0, s22, $0xb8;
	[tilespmem:$0x1FE80] =	vst v63  }
0xaa: {  	_ =	swait.ge [sflag:s16], $0x1000  }
0xab: {  	[sflag:s16] =	ssyncset.done $0x0  }
0xac: {  	[sflag:s16] =	ssyncadd.s32 $0xFFFFF000  }
0xad: {  	_ =	swait.ge [sflag:s1], $0x200  }
0xae: {  	[sflag:s1] =	ssyncset.done $0x0  }
0xaf: {  	[sflag:s1] =	ssyncadd.s32 $0xFFFFFE00  }
0xb0: {  	[tilespmem:s23], [sflag:$0x1] =	stream.indirect.gather [spmem:s2], $0x80, s20, s22, $0xb8;
	[tilespmem:$0x1FE80] =	vst v63  }
0xb1: {  	s17 =	smov.u32 s25;
	_ =	swait.ge [sflag:s29], $0x1000  }
0xb2: {  	s15 =	sadd.s32 $0x80, s25;
	p2 =	sne.s32 s25, $0x2780;
	s25 =	rddreg [dreg:$0x5]  }
0xb3: {  	[sflag:s29] =	ssyncset.done $0x0;
	s25 =	sadd.s32 s17, s25  }
0xb4: {  	[sflag:s29] =	ssyncadd.s32 $0xFFFFF000;
	s7 =	sadd.s32 $0x80, s25  }
0xb5: {  	[tilespmem:s4], [sflag:$0x3] =	stream.linear.gather [hbm4b:s7+s4], $0x200, $0x38;
	[tilespmem:$0x1FE80] =	vst v63  }
0xb6: {  	_ =	swait.ge [sflag:s5], $0x200  }
0xb7: {  	[sflag:s5] =	ssyncset.done $0x0  }
0xb8: {  	[sflag:s5] =	ssyncadd.s32 $0xFFFFFE00  }
0xb9: {  	[spmem:s3] =	stream.indirect.scatter.add.f32 [tilespmem:s24], [sflag:$0x5], $0x80, s6, s22, $0xb8;
	[tilespmem:$0x1FE80] =	vst v63  }
0xba: {  	_ =	swait.ge [sflag:s16], $0x1000  }
0xbb: {  	s18 =	rddreg [dreg:$0x6];
	[sflag:s16] =	ssyncset.done $0x0  }
0xbc: {  	[sflag:s16] =	ssyncadd.s32 $0xFFFFF000;
	s7 =	sadd.s32 s17, s18  }
0xbd: {  	[tilespmem:s19], [sflag:$0x4] =	stream.linear.gather [hbm4b:s7+s4], $0x200, $0x38;
	[tilespmem:$0x1FE80] =	vst v63  }
0xbe: {  	_ = 	snop  }
0xbf: {  	[tilespmem:s24], [sflag:$0x2] =	stream.indirect.gather [spmem:s2], $0x80, s8, s22, $0xb8;
	[tilespmem:$0x1FE80] =	vst v63  }
0xc0: {  	_ =	swait.ge [sflag:s26], $0x1000  }
0xc1: {  	[sflag:s26] =	ssyncset.done $0x0  }
0xc2: {  	[sflag:s26] =	ssyncadd.s32 $0xFFFFF000  }
0xc3: {  	[spmem:s3] =	stream.indirect.scatter.add.f32 [tilespmem:s23], [sflag:$0x5], $0x80, s21, s22, $0xb8;
	[tilespmem:$0x1FE80] =	vst v63  }
0xc4: {  	_ =	swait.ge [sflag:s16], $0x1000  }
0xc5: {  	[sflag:s16] =	ssyncset.done $0x0  }
0xc6: {  	[sflag:s16] =	ssyncadd.s32 $0xFFFFF000  }
0xc7: {  	[tilespmem:s23], [sflag:$0x1] =	stream.indirect.gather [spmem:s2], $0x80, s11, s22, $0xb8;
	[tilespmem:$0x1FE80] =	vst v63  }
0xc8: {  	_ =	swait.ge [sflag:s29], $0x1000  }
0xc9: {  	[sflag:s29] =	ssyncset.done $0x0  }
0xca: {  	[sflag:s29] =	ssyncadd.s32 $0xFFFFF000  }
0xcb: {  	[spmem:s3] =	stream.indirect.scatter.add.f32 [tilespmem:s24], [sflag:$0x5], $0x80, s12, s22, $0xb8;
	[tilespmem:$0x1FE80] =	vst v63  }
0xcc: {  	_ =	swait.ge [sflag:s16], $0x1000  }
0xcd: {  	[sflag:s16] =	ssyncset.done $0x0  }
0xce: {  	[sflag:s16] =	ssyncadd.s32 $0xFFFFF000  }
0xcf: {  	[tilespmem:s24], [sflag:$0x2] =	stream.indirect.gather [spmem:s2], $0x80, s13, s22, $0xb8;
	[tilespmem:$0x1FE80] =	vst v63  }
0xd0: {  	_ =	swait.ge [sflag:s26], $0x1000  }
0xd1: {  	[sflag:s26] =	ssyncset.done $0x0  }
0xd2: {  	[sflag:s26] =	ssyncadd.s32 $0xFFFFF000  }
0xd3: {  	[spmem:s3] =	stream.indirect.scatter.add.f32 [tilespmem:s23], [sflag:$0x5], $0x80, s9, s22, $0xb8;
	[tilespmem:$0x1FE80] =	vst v63  }
0xd4: {  	_ =	swait.ge [sflag:s16], $0x1000  }
0xd5: {  	[sflag:s16] =	ssyncset.done $0x0  }
0xd6: {  	[sflag:s16] =	ssyncadd.s32 $0xFFFFF000  }
0xd7: {  	_ =	swait.ge [sflag:s1], $0x200  }
0xd8: {  	[sflag:s1] =	ssyncset.done $0x0  }
0xd9: {  	[sflag:s1] =	ssyncadd.s32 $0xFFFFFE00  }
0xda: {  	[tilespmem:s23], [sflag:$0x1] =	stream.indirect.gather [spmem:s2], $0x80, s4, s22, $0xb8;
	[tilespmem:$0x1FE80] =	vst v63  }
0xdb: {  	_ =	swait.ge [sflag:s29], $0x1000  }
0xdc: {  	[sflag:s29] =	ssyncset.done $0x0  }
0xdd: {  	s25 =	sadd.s32 $0xC0, s25;
	[sflag:s29] =	ssyncadd.s32 $0xFFFFF000  }
0xde: {  	[tilespmem:s20], [sflag:$0x3] =	stream.linear.gather [hbm4b:s25+s4], $0x200, $0x38;
	[tilespmem:$0x1FE80] =	vst v63  }
0xdf: {  	_ =	swait.ge [sflag:s5], $0x200  }
.Ltmp0:
0xe0: {  	[sflag:s5] =	ssyncset.done $0x0;
	(pc) =	sbr.rel @p2 .LBB2_2-.Ltmp0, $4  }
0xe1: {  	[sflag:s5] =	ssyncadd.s32 $0xFFFFFE00  }
0xe2: {  	[spmem:s3] =	stream.indirect.scatter.add.f32 [tilespmem:s24], [sflag:$0x5], $0x80, s14, s22, $0xb8;
	[tilespmem:$0x1FE80] =	vst v63  }
0xe3: {  	_ =	swait.ge [sflag:s16], $0x1000  }
0xe4: {  	s18 =	sadd.s32 $0x40, s7;
	s25 =	smov.u32 s15;
	[sflag:s16] =	ssyncset.done $0x0  }
0xe5: {  	[sflag:s16] =	ssyncadd.s32 $0xFFFFF000  }
0xe6: {  	[tilespmem:s21], [sflag:$0x4] =	stream.linear.gather [hbm4b:s18+s4], $0x200, $0x38;
	[tilespmem:$0x1FE80] =	vst v63  }
0xe7: {  	_ =	swait.ge [sflag:s1], $0x200  }
0xe8: {  	[sflag:s1] =	ssyncset.done $0x0  }
0xe9: {  	[sflag:s1] =	ssyncadd.s32 $0xFFFFFE00  }
0xea: {  	_ =	swait.ge [sflag:s5], $0x200  }
0xeb: {  	[sflag:s5] =	ssyncset.done $0x0  }
0xec: {  	[sflag:s5] =	ssyncadd.s32 $0xFFFFFE00  }
0xed: {  	_ =	swait.ge [sflag:s26], $0x1000  }
0xee: {  	[sflag:s26] =	ssyncset.done $0x0  }
0xef: {  	[sflag:s26] =	ssyncadd.s32 $0xFFFFF000  }
0xf0: {  	[bflag:$0x0] =	sbarrier.arrive $0xFFFF  }
0xf1: {  	s18 =	rddreg [dreg:$0xa]  }
0xf2: {  	s7 =	rddreg [dreg:$0x10]  }
0xf3: {  	s15 =	rddreg [dreg:$0x15]  }
0xf4: {  	[hbm:s7], [sflag:s18] =	dma.local @!p1 [spmem:s15], $0x2780  }
0xf5: {  	s7 =	simm.s32 @!p1 $0x5  }
0xf6: {  	_ =	swait.ge @!p1 [sflag:s7], $0x2780  }
0xf7: {  	s10 =	sadd.s32 $0x1, s10;
	s25 =	rddreg [dreg:$0x11]  }
0xf8: {  	p2 =	sne.s32 s10, s25  }
.Ltmp1:
0xf9: {  	_ = 	snop;
	(pc) =	sbr.rel @p2 .LBB2_1-.Ltmp1, $3  }
0xfa: {  	_ =	sdelay $0x1  }
0xfb: {  	[sflag:s7] =	ssyncset.done @!p1 $0x0  }
0xfc: {  	[sflag:s7] =	ssyncadd.s32 @!p1 $0xFFFFD880  }
0xfd: {  	_ =	sfence.sel $0x180000  }
0xfe: {  	[bflag:$0x0] =	sbarrier.arrive $0xFFFF  }
0xff: {  	_ =	strace $0x9000004A  }
0x100: {  	s0 =	stileid.u32;
	[bflag:$0x2] =	sbarrier.arrive $0xFFFF  }
0x101: {  	p0 =	sne.s32 s0, $0x0;
	s0 =	rddreg [dreg:$0x4]  }
0x102: {  	s0 =	sadd.s32 @!p0 $0x100000, s0  }
0x103: {  	[sflag:s0] =	ssyncadd.tile.s32 @!p0 $0x1;
	_ =	shalt  }
.Lfunc_end2:
_tile_overlayer_lowered:
.L_overlay_start_2:
0x104: {  	(tag) =	ssettag $0x2  }
0x105: {  	s0 =	rddreg [dreg:$0x0];
	s2 =	stileid.u32  }
0x106: {  	s1 =	rddreg [dreg:$0x1];
	p0 =	sne.s32 s2, $0x0  }
0x107: {  	s3 =	rddreg [dreg:$0x2];
	[bflag:$0x3] =	sbarrier.arrive $0xFFFF;
	s2 =	simm.s32 @!p0 $0x1C05  }
0x108: {  	[timem:s3], [sflag:s2] =	dma.local @!p0 [hbm:s0], s1  }
0x109: {  	s0 =	simm.s32 @!p0 $0x5  }
0x10a: {  	_ =	swait.ge @!p0 [sflag:s0], s1  }
0x10b: {  	s1 =	ssub.s32 @!p0 $0x0, s1;
	[sflag:s0] =	ssyncset.done @!p0 $0x0  }
0x10c: {  	[sflag:s0] =	ssyncadd.s32 @!p0 s1  }
0x10d: {  	[bflag:$0x3] =	sbarrier.arrive $0xFFFF  }
0x10e: {  	_ =	shalt  }

// kernel: kernel.14.cloned.1.call-start
scs
__scs_entry_jumppad:
0x0: {  	(pc) =	sbr.rel $0x88, $3  }
0x1: {  	(tag) =	ssettag $0x0;
	lr =	simm.s32 $0x1  }
0x2: {  	[smem:$0x3F99] =	sst lr;
	_ =	strace $0xD0000000  }
0x3: {  	_ = 	snop  }
0x4: {  	_ = 	snop  }
0x5: {  	_ = 	snop  }
0x6: {  	_ = 	snop  }
0x7: {  	_ = 	snop  }
__scs_overlays_trampoline_lowered:
0x8: {  	[smem:$0x3FA8] =	sst s0  }
0x9: {  	[smem:$0x3FA9] =	sst s1  }
0xa: {  	[smem:$0x3FAA] =	sst s2  }
0xb: {  	[smem:$0x3FAB] =	sst s3  }
0xc: {  	[smem:$0x3FAC] =	sst s4  }
0xd: {  	[smem:$0x3FAD] =	sst s5  }
0xe: {  	[smem:$0x3FAE] =	sst s6  }
0xf: {  	[smem:$0x3FAF] =	sst s7  }
0x10: {  	[smem:$0x3FB0] =	sst s8  }
0x11: {  	[smem:$0x3FB1] =	sst s9;
	s0 =	simm.s32 @!p0 $0x0  }
0x12: {  	s1 =	sld [smem:$0x3F97];
	s0 =	simm.s32 @p0 $0x1  }
0x13: {  	[smem:$0x3FB2] =	sst s0;
	s0 =	simm.s32 @!p1 $0x0  }
0x14: {  	s2 =	sld [smem:$0x3F96];
	s0 =	simm.s32 @p1 $0x1  }
0x15: {  	[smem:$0x3FB3] =	sst s0;
	s0 =	simm.s32 @!p2 $0x0  }
0x16: {  	s3 =	sld [smem:$0x3FDB];
	s0 =	simm.s32 @p2 $0x1  }
0x17: {  	s4 =	simm.s32 $0x1BF5;
	[smem:$0x3FB5] =	sst s0  }
0x18: {  	s0 =	sld [smem:$0x3F98];
	_ =	swait.ge [sflag:s4], $0x0  }
0x19: {  	s7 =	sld [smem:$0x3F99]  }
0x1a: {  	s8 =	sadd.s32 $0xFFFFE003, lr  }
0x1b: {  	s9 =	sadd.s32 $0xFFFFFEF7, lr;
	s5 =	simm.s32 $0xFFFFFFFF;
	p2 =	slt.u32 s8, $0xFFFFF086  }
0x1c: {  	p1 =	slt.u32 s9, $0xF7A;
	s5 =	simm.s32 @!p2 $0x0  }
0x1d: {  	s5 =	simm.s32 @p1 $0x1;
	p0 =	seq.s32 s7, s2  }
0x1e: {  	s7 =	smul.u32 @!p0 $0xF7A, s2;
	p2 =	seq.s32 @!p0 s5, $0x0  }
0x1f: {  	s9 =	smul.u32 $0xF7A, s1;
	s8 =	simm.s32 @!p0 $0x1BF5;
	p2 =	por !p2, p0  }
0x20: {  	[sflag:s8] =	ssyncset.s32 @!p0 $0xFFFFF086;
	s6 =	sadd.s32 @!p0 s3, s7;
	s7 =	simm.s32 @!p0 $0x108  }
0x21: {  	s3 =	sadd.s32 s3, s9;
	s6 =	sadd.s32 @!p0 $0x88, s6;
	s7 =	simm.s32 @p2 $0x1082  }
0x22: {  	[simem:s7], [sflag:s8] =	dma.local @!p0 [hbm:s6], $0xF7A  }
0x23: {  	s9 =	sor.u32 $0xD0000000, s2;
	s6 =	simm.s32 $0x108;
	_ =	swait.ge @!p0 [sflag:s8], $0x0  }
0x24: {  	s3 =	sadd.s32 $0x88, s3;
	s6 =	simm.s32 @!p1 $0x1082;
	[sflag:s4] =	ssyncset.s32 $0xFFFFF086  }
0x25: {  	[simem:s6], [sflag:s4] =	dma.local [hbm:s3], $0xF7A  }
0x26: {  	[smem:$0x3F99] =	sst s1;
	(tag) =	ssettag s2;
	_ =	strace s9  }
0x27: {  	s1 =	sld [smem:$0x3FA9]  }
0x28: {  	s2 =	sld [smem:$0x3FAA]  }
0x29: {  	s4 =	sld [smem:$0x3FAC]  }
0x2a: {  	p0 =	seq.s32 s5, $0x0;
	s5 =	sld [smem:$0x3FAD]  }
0x2b: {  	s6 =	sld [smem:$0x3FAE]  }
0x2c: {  	s7 =	sld [smem:$0x3FAF]  }
0x2d: {  	s3 =	simm.s32 $0x108;
	s8 =	sld [smem:$0x3FB0]  }
0x2e: {  	s3 =	simm.s32 @!p0 $0x1082;
	s9 =	sld [smem:$0x3FB1]  }
0x2f: {  	lr =	sadd.s32 s0, s3;
	s0 =	sld [smem:$0x3FA8]  }
0x30: {  	s3 =	sld [smem:$0x3FAB]  }
0x31: {  	[smem:$0x3FB4] =	sst s10  }
0x32: {  	s10 =	sld [smem:$0x3FB2];
	_ =	sdelay $0x3  }
0x33: {  	p0 =	seq.s32 s10, $0x1;
	s10 =	sld [smem:$0x3FB4];
	_ =	sdelay $0x3  }
0x34: {  	[smem:$0x3FB4] =	sst s10  }
0x35: {  	s10 =	sld [smem:$0x3FB3];
	_ =	sdelay $0x3  }
0x36: {  	p1 =	seq.s32 s10, $0x1;
	s10 =	sld [smem:$0x3FB4];
	_ =	sdelay $0x3  }
0x37: {  	[smem:$0x3FB4] =	sst s10  }
0x38: {  	s10 =	sld [smem:$0x3FB5]  }
0x39: {  	_ = 	snop;
	(pc) =	sbr.ind lr, $3  }
0x3a: {  	_ = 	snop  }
0x3b: {  	_ = 	snop  }
0x3c: {  	p2 =	seq.s32 s10, $0x1;
	s10 =	sld [smem:$0x3FB4]  }
0x3d: {  	_ =	shalt  }
0x3e: {  	_ =	shalt  }
0x3f: {  	_ =	shalt  }
0x40: {  	_ =	shalt  }
0x41: {  	_ =	shalt  }
0x42: {  	_ =	shalt  }
0x43: {  	_ =	shalt  }
0x44: {  	_ =	shalt  }
0x45: {  	_ =	shalt  }
0x46: {  	_ =	shalt  }
0x47: {  	_ =	shalt  }
0x48: {  	_ =	shalt  }
0x49: {  	_ =	shalt  }
0x4a: {  	_ =	shalt  }
0x4b: {  	_ =	shalt  }
0x4c: {  	_ =	shalt  }
0x4d: {  	_ =	shalt  }
0x4e: {  	_ =	shalt  }
0x4f: {  	_ =	shalt  }
0x50: {  	_ =	shalt  }
0x51: {  	_ =	shalt  }
0x52: {  	_ =	shalt  }
0x53: {  	_ =	shalt  }
0x54: {  	_ =	shalt  }
0x55: {  	_ =	shalt  }
0x56: {  	_ =	shalt  }
0x57: {  	_ =	shalt  }
0x58: {  	_ =	shalt  }
0x59: {  	_ =	shalt  }
0x5a: {  	_ =	shalt  }
0x5b: {  	_ =	shalt  }
0x5c: {  	_ =	shalt  }
0x5d: {  	_ =	shalt  }
0x5e: {  	_ =	shalt  }
0x5f: {  	_ =	shalt  }
0x60: {  	_ =	shalt  }
0x61: {  	_ =	shalt  }
0x62: {  	_ =	shalt  }
0x63: {  	_ =	shalt  }
0x64: {  	_ =	shalt  }
0x65: {  	_ =	shalt  }
0x66: {  	_ =	shalt  }
0x67: {  	_ =	shalt  }
0x68: {  	_ =	shalt  }
0x69: {  	_ =	shalt  }
0x6a: {  	_ =	shalt  }
0x6b: {  	_ =	shalt  }
0x6c: {  	_ =	shalt  }
0x6d: {  	_ =	shalt  }
0x6e: {  	_ =	shalt  }
0x6f: {  	_ =	shalt  }
0x70: {  	_ =	shalt  }
0x71: {  	_ =	shalt  }
0x72: {  	_ =	shalt  }
0x73: {  	_ =	shalt  }
0x74: {  	_ =	shalt  }
0x75: {  	_ =	shalt  }
0x76: {  	_ =	shalt  }
0x77: {  	_ =	shalt  }
0x78: {  	_ =	shalt  }
0x79: {  	_ =	shalt  }
0x7a: {  	_ =	shalt  }
0x7b: {  	_ =	shalt  }
0x7c: {  	_ =	shalt  }
0x7d: {  	_ =	shalt  }
0x7e: {  	_ =	shalt  }
0x7f: {  	_ =	shalt  }
0x80: {  	_ =	shalt  }
0x81: {  	_ =	shalt  }
0x82: {  	_ =	shalt  }
0x83: {  	_ =	shalt  }
0x84: {  	_ =	shalt  }
0x85: {  	_ =	shalt  }
0x86: {  	_ =	shalt  }
0x87: {  	_ =	shalt  }
.Lfunc_end0:
.L_simem_size_0:
called_computation.2_lowered:
.L_overlay_start_0:
0x88: {  	s2 =	sld [smem:$0x3FD9]  }
0x89: {  	s3 =	sld [smem:$0x3FFE];
	_ =	sdelay $0x1  }
0x8a: {  	s1 =	srdreg.scid  }
0x8b: {  	s0 =	sand.u32 $0x1, s1  }
0x8c: {  	s17 =	sshll.u32 s0, $0xA;
	s2 =	sadd.s32 s3, s2  }
0x8d: {  	s2 =	sadd.s32 s2, s17  }
0x8e: {  	[smem:$0x3FC0] =	sst s2  }
0x8f: {  	_ = 	snop  }
0x90: {  	s2 =	sld [smem:$0x3FD0];
	(tm) =	ssettm $0x1  }
0x91: {  	s18 =	sld [smem:$0x3FFB];
	_ =	sdelay $0x3  }
0x92: {  	_ =	strace s18  }
0x93: {  	s3 =	sld [smem:$0x3FFC];
	_ =	sdelay $0x3  }
0x94: {  	_ =	strace s3  }
0x95: {  	s3 =	sld [smem:$0x3FFD];
	_ =	sdelay $0x3  }
0x96: {  	_ =	strace s3  }
0x97: {  	_ =	strace $0x8FFFFFFF  }
0x98: {  	s19 =	sld [smem:$0x3FDB];
	_ =	sdelay $0x1  }
0x99: {  	s4 =	simm.s32 $_scs_section_size  }
0x9a: {  	s5 =	simm.s32 $_size__tile_overlayer_lowered;
	s6 =	simm.s32 $_tile_overlayer_lowered  }
0x9b: {  	s22 =	simm.s32 $0x1BFF;
	s21 =	sshll.u32 s6, $0x1;
	s3 =	sadd.s32 s4, s19  }
0x9c: {  	s7 =	simm.s32 $0x0;
	s20 =	sshll.u32 s5, $0x1;
	s5 =	sadd.s32 s21, s3  }
0x9d: {  	[timem:s7], [sflag:s22] =	dma.local [hbm:s5], s20  }
0x9e: {  	_ =	swait.ge [sflag:s22], s20  }
0x9f: {  	s4 =	ssub.s32 $0x0, s20;
	[sflag:s22] =	ssyncset.done $0x0  }
0xa0: {  	[sflag:s22] =	ssyncadd.s32 s4;
	_ =	sdelay $0x1  }
0xa1: {  	s23 =	simm.s32 $0x1B8B  }
0xa2: {  	_ =	swait.ge [sflag:s23], $0x1  }
0xa3: {  	[sflag:s23] =	ssyncset.done $0x0  }
0xa4: {  	s25 =	simm.s32 $0x1B8E;
	s24 =	sld [smem:$0x3FFE];
	[sflag:s23] =	ssyncadd.s32 $0xFFFFFFFF  }
0xa5: {  	s26 =	simm.s32 $execute0_lowered;
	[smem:$0x3FD2] =	sst s25  }
0xa6: {  	s5 =	sshll.u32 s26, $0x1;
	_ =	strace $0x8000004C;
	[dreg:$0x1] =	wrdreg $0xFFFFFFFF  }
0xa7: {  	s28 =	simm.s32 $_size_execute0_lowered;
	s3 =	sadd.s32 s3, s5;
	[dreg:$0x0] =	wrdreg $0x0  }
0xa8: {  	s5 =	sshll.u32 s28, $0x1;
	[dreg:$0x2] =	wrdreg s3  }
0xa9: {  	[dreg:$0x3] =	wrdreg s5  }
0xaa: {  	[dreg:$0x4] =	wrdreg $0xC0  }
0xab: {  	_ =	task [dreg:s7], $0x5FFFF  }
0xac: {  	[dreg:$0x1] =	wrdreg $0xFFFFFFFF  }
0xad: {  	[dreg:$0x0] =	wrdreg $0x60  }
0xae: {  	[dreg:$0x2] =	wrdreg s2  }
0xaf: {  	[dreg:$0x3] =	wrdreg s24  }
0xb0: {  	[dreg:$0x4] =	wrdreg $0x28000  }
0xb1: {  	[dreg:$0x5] =	wrdreg $0x160800  }
0xb2: {  	[dreg:$0x6] =	wrdreg $0x9  }
0xb3: {  	_ =	task.clear_ibuf [dreg:s7], $0x7FFFF;
	_ =	strace $0x9000004C  }
0xb4: {  	s29 =	simm.s32 $0x9;
	_ =	strace $0x8000004E  }
0xb5: {  	_ =	swait.ge [sflag:s29], $0x1  }
0xb6: {  	[sflag:s29] =	ssyncadd.s32 $0xFFFFFFFF  }
0xb7: {  	_ =	strace $0x9000004E  }
0xb8: {  	_ =	sfence  }
0xb9: {  	s30 =	sld [smem:$0x0];
	_ =	sdelay $0x2  }
0xba: {  	s31 =	sshll.u32 s1, $0xD;
	s1 =	sshrl.u32 s1, $0x2  }
0xbb: {  	s3 =	sand.u32 $0x4000, s31;
	s1 =	sadd.s32 s1, s30  }
0xbc: {  	s0 =	sor.u32 s3, s0;
	s1 =	sshll.u32 s1, $0x11  }
0xbd: {  	s0 =	sor.u32 s1, s0  }
0xbe: {  	s0 =	sadd.s32 $0x8F2B, s0  }
0xbf: {  	[sflag:s0] =	ssyncadd.remote.s32 $0x1  }
0xc0: {  	_ =	sfence.sel $0xFFFF  }
0xc1: {  	[dreg:$0x0] =	wrdreg $0xFFFFFFFF;
	(pc) =	sbr.abs _section_cstart, $3  }
0xc2: {  	[dreg:$0x1] =	wrdreg $0xFFFFFFFF  }
0xc3: {  	_ =	task.clear_ibuf [dreg:s7], $0x2FFFF;
	_ =	strace $0x9FFFFFFF  }
0xc4: {  	(tm) =	ssettm $0x7FFFFFFF  }
0xc5: {  	_ =	shalt  }
tec
execute0_lowered:
.L_overlay_start_1:
0x0: {  	(tag) =	ssettag $0x1  }
0x1: {  	s0 =	rddreg [dreg:$0x0]  }
0x2: {  	s1 =	rddreg [dreg:$0x1]  }
0x3: {  	s2 =	rddreg [dreg:$0x2]  }
0x4: {  	s3 =	rddreg [dreg:$0x3];
	s5 =	srdreg.scid  }
0x5: {  	s17 =	stileid.u32;
	s4 =	simm.s32 $0x0;
	s28 =	simm.s32 $0x100  }
0x6: {  	s29 =	simm.s32 $0x2;
	s30 =	simm.s32 $0x480;
	s6 =	smul.u32 $0x13C00, s17  }
0x7: {  	s31 =	simm.s32 $0x180;
	s5 =	sand.u32 $0x1, s5;
	s11 =	smul.u32 $0x278, s17  }
0x8: {  	[smem:$0x7FF] =	sst s4;
	s8 =	sadd.s32 $0x7DE00, s1;
	s26 =	smul.u32 $0x4F000, s17  }
0x9: {  	s22 =	sadd.s32 $0x2E00, s1;
	s9 =	sadd.s32 $0x2BE00, s1;
	s15 =	smul.u32 $0x14800, s17  }
0xa: {  	s13 =	sshll.u32 s17, $0x6;
	s19 =	smul.u32 $0x2900, s17;
	p0 =	slt.u32 s17, $0x8  }
0xb: {  	p1 =	sgt.u32 s17, $0x7;
	s7 =	smul.u32 $0x9E000, s5;
	_ =	strace $0x8000004D  }
0xc: {  	[dreg:$0x8] =	wrdreg s8;
	s10 =	ssub.s32 $0x2, s5;
	s18 =	sor.u32 $0x1C05, s13  }
0xd: {  	s5 =	smul.u32 $0x148000, s5;
	s8 =	simm.s32 $0x280;
	s23 =	sshrl.u32 s10, $0x1  }
0xe: {  	s12 =	sadd.s32 s6, s2;
	s24 =	sshrl.u32 s6, $0x3;
	s25 =	smin.u32 s11, $0x2498  }
0xf: {  	s11 =	sshrl.u32 s26, $0x2;
	s21 =	sadd.s32 s19, s22;
	s19 =	simm.s32 $0x400  }
0x10: {  	s26 =	simm.s32 $0x80;
	[dreg:$0xa] =	wrdreg s18;
	s7 =	sadd.s32 s6, s7  }
0x11: {  	s10 =	ssub.s32 s10, s23;
	s14 =	sadd.s32 $0x208, s25;
	s11 =	sadd.s32 s11, s3  }
0x12: {  	s5 =	sadd.s32 s15, s5;
	s6 =	sadd.s32 s6, s3;
	[dreg:$0x5] =	wrdreg s21  }
0x13: {  	s21 =	simm.s32 $0x600;
	[dreg:$0x7] =	wrdreg s26;
	s26 =	simm.s32 $0x1  }
0x14: {  	s7 =	sshrl.u32 s7, $0x3;
	s23 =	smax.u32 s10, $0x1;
	s10 =	simm.s32 $0x0  }
0x15: {  	s1 =	sadd.s32 s7, s1;
	s7 =	sadd.s32 s0, s24;
	[dreg:$0x11] =	wrdreg s23  }
0x16: {  	s24 =	sshrl.u32 s12, $0x3;
	s23 =	simm.s32 $0x800;
	s12 =	simm.s32 $0x680  }
0x17: {  	[dreg:$0x9] =	wrdreg s7;
	s7 =	sshll.u32 s14, $0x7;
	s14 =	sshll.u32 s14, $0x4  }
0x18: {  	s1 =	sadd.s32 $0x80600, s1;
	[dreg:$0x12] =	wrdreg s24;
	s24 =	simm.s32 $0x1800  }
0x19: {  	s13 =	sadd.s32 s7, s2;
	s0 =	sadd.s32 s0, s14;
	s14 =	sshrl.u32 s15, $0x3  }
0x1a: {  	s15 =	sshrl.u32 s5, $0x3;
	s5 =	sor.u32 $0x400, s5;
	[dreg:$0x10] =	wrdreg s1  }
0x1b: {  	s1 =	simm.s32 $0x3;
	[dreg:$0xb] =	wrdreg s0;
	s16 =	sadd.s32 s22, s14  }
0x1c: {  	s0 =	sadd.s32 $0xFFF62000, s11;
	s14 =	sadd.s32 s9, s15;
	[dreg:$0xc] =	wrdreg s16  }
0x1d: {  	s5 =	sshrl.u32 s5, $0x3;
	s25 =	sshrl.u32 s13, $0x3;
	[dreg:$0xd] =	wrdreg s14  }
0x1e: {  	s11 =	simm.s32 $0x300;
	s7 =	sadd.s32 $0x40, s16;
	[dreg:$0x13] =	wrdreg s25  }
0x1f: {  	s13 =	simm.s32 $0x380;
	s20 =	sadd.s32 $0x40, s14;
	[dreg:$0xe] =	wrdreg s7  }
0x20: {  	s22 =	sadd.s32 s5, s9;
	s16 =	simm.s32 $0x5;
	[dreg:$0xf] =	wrdreg s20  }
0x21: {  	s0 =	sshrl.u32 @!p0 s0, $0x3;
	s5 =	simm.s32 $0x4;
	[dreg:$0x6] =	wrdreg s22  }
0x22: {  	s9 =	simm.s32 $0x700;
	s14 =	simm.s32 $0x780;
	[dreg:$0x14] =	wrdreg s0  }
0x23: {  	s20 =	simm.s32 $0x200;
	s22 =	simm.s32 $0x20;
	s0 =	sshrl.u32 @!p1 s6, $0x3  }
0x24: {  	s6 =	simm.s32 $0x580;
	[dreg:$0x15] =	wrdreg s0;
	s0 =	simm.s32 $0x500  }
.LBB2_1:
0x25: {  	s7 =	rddreg [dreg:$0x9]  }
0x26: {  	s15 =	rddreg [dreg:$0x12]  }
0x27: {  	[spmem:s15], [sflag:s18] =	dma.local [hbm:s7], $0x2080  }
0x28: {  	_ =	swait.ge [sflag:s16], $0x2080  }
0x29: {  	[sflag:s16] =	ssyncset.done $0x0;
	s17 =	rddreg [dreg:$0xb]  }
0x2a: {  	s25 =	rddreg [dreg:$0x13];
	[sflag:s16] =	ssyncadd.s32 $0xFFFFDF80  }
0x2b: {  	[spmem:s25], [sflag:s18] =	dma.local [hbm:s17], $0x700  }
0x2c: {  	_ =	swait.ge [sflag:s16], $0x700  }
0x2d: {  	[sflag:s16] =	ssyncset.done $0x0;
	s7 =	rddreg [dreg:$0x8]  }
0x2e: {  	s15 =	rddreg [dreg:$0x14];
	[sflag:s16] =	ssyncadd.s32 $0xFFFFF900  }
0x2f: {  	[spmem:s15], [sflag:s18] =	dma.local @!p0 [hbm:s7], $0x2780  }
0x30: {  	s15 =	simm.s32 @!p0 $0x5  }
0x31: {  	_ =	swait.ge @!p0 [sflag:s15], $0x2780  }
0x32: {  	[sflag:s15] =	ssyncset.done @!p0 $0x0  }
0x33: {  	s17 =	rddreg [dreg:$0xc];
	[sflag:s15] =	ssyncadd.s32 @!p0 $0xFFFFD880  }
0x34: {  	[tilespmem:s4], [sflag:$0x5] =	stream.linear.gather [hbm4b:s17+s4], $0x200, $0x38;
	[tilespmem:$0x1FE80] =	vst v63  }
0x35: {  	_ =	swait.ge [sflag:s16], $0x200  }
0x36: {  	[sflag:s16] =	ssyncset.done $0x0  }
0x37: {  	s18 =	rddreg [dreg:$0xd];
	[sflag:s16] =	ssyncadd.s32 $0xFFFFFE00  }
0x38: {  	[tilespmem:s19], [sflag:$0x5] =	stream.linear.gather [hbm4b:s18+s4], $0x200, $0x38;
	[tilespmem:$0x1FE80] =	vst v63  }
0x39: {  	_ =	swait.ge [sflag:s16], $0x200  }
0x3a: {  	[sflag:s16] =	ssyncset.done $0x0  }
0x3b: {  	s25 =	rddreg [dreg:$0xe];
	[sflag:s16] =	ssyncadd.s32 $0xFFFFFE00  }
0x3c: {  	[tilespmem:s20], [sflag:$0x3] =	stream.linear.gather [hbm4b:s25+s4], $0x200, $0x38;
	[tilespmem:$0x1FE80] =	vst v63  }
0x3d: {  	s15 =	rddreg [dreg:$0xf]  }
0x3e: {  	[tilespmem:s21], [sflag:$0x4] =	stream.linear.gather [hbm4b:s15+s4], $0x200, $0x38;
	[tilespmem:$0x1FE80] =	vst v63  }
0x3f: {  	[bflag:$0x0] =	sbarrier.arrive $0xFFFF  }
0x40: {  	[tilespmem:s23], [sflag:$0x1] =	stream.indirect.gather [spmem:s2], $0x80, s4, s22, $0xb8;
	[tilespmem:$0x1FE80] =	vst v63  }
0x41: {  	s17 =	rddreg [dreg:$0x7]  }
0x42: {  	[tilespmem:s24], [sflag:$0x2] =	stream.indirect.gather [spmem:s2], $0x80, s17, s22, $0xb8;
	[tilespmem:$0x1FE80] =	vst v63  }
0x43: {  	_ =	swait.ge [sflag:s26], $0x1000  }
0x44: {  	[sflag:s26] =	ssyncset.done $0x0  }
0x45: {  	[sflag:s26] =	ssyncadd.s32 $0xFFFFF000  }
0x46: {  	[spmem:s3] =	stream.indirect.scatter.add.f32 [tilespmem:s23], [sflag:$0x5], $0x80, s19, s22, $0xb8;
	[tilespmem:$0x1FE80] =	vst v63  }
0x47: {  	_ =	swait.ge [sflag:s16], $0x1000  }
0x48: {  	[sflag:s16] =	ssyncset.done $0x0  }
0x49: {  	[sflag:s16] =	ssyncadd.s32 $0xFFFFF000  }
0x4a: {  	[tilespmem:s23], [sflag:$0x1] =	stream.indirect.gather [spmem:s2], $0x80, s28, s22, $0xb8;
	[tilespmem:$0x1FE80] =	vst v63  }
0x4b: {  	_ =	swait.ge [sflag:s29], $0x1000  }
0x4c: {  	[sflag:s29] =	ssyncset.done $0x0  }
0x4d: {  	[sflag:s29] =	ssyncadd.s32 $0xFFFFF000  }
0x4e: {  	[spmem:s3] =	stream.indirect.scatter.add.f32 [tilespmem:s24], [sflag:$0x5], $0x80, s30, s22, $0xb8;
	[tilespmem:$0x1FE80] =	vst v63  }
0x4f: {  	_ =	swait.ge [sflag:s16], $0x1000  }
0x50: {  	[sflag:s16] =	ssyncset.done $0x0  }
0x51: {  	[sflag:s16] =	ssyncadd.s32 $0xFFFFF000  }
0x52: {  	[tilespmem:s24], [sflag:$0x2] =	stream.indirect.gather [spmem:s2], $0x80, s31, s22, $0xb8;
	[tilespmem:$0x1FE80] =	vst v63  }
0x53: {  	_ =	swait.ge [sflag:s26], $0x1000  }
0x54: {  	[sflag:s26] =	ssyncset.done $0x0  }
0x55: {  	[sflag:s26] =	ssyncadd.s32 $0xFFFFF000  }
0x56: {  	[spmem:s3] =	stream.indirect.scatter.add.f32 [tilespmem:s23], [sflag:$0x5], $0x80, s0, s22, $0xb8;
	[tilespmem:$0x1FE80] =	vst v63  }
0x57: {  	_ =	swait.ge [sflag:s16], $0x1000  }
0x58: {  	[sflag:s16] =	ssyncset.done $0x0  }
0x59: {  	[sflag:s16] =	ssyncadd.s32 $0xFFFFF000  }
0x5a: {  	_ =	swait.ge [sflag:s1], $0x200  }
0x5b: {  	[sflag:s1] =	ssyncset.done $0x0  }
0x5c: {  	[sflag:s1] =	ssyncadd.s32 $0xFFFFFE00  }
0x5d: {  	[tilespmem:s23], [sflag:$0x1] =	stream.indirect.gather [spmem:s2], $0x80, s20, s22, $0xb8;
	[tilespmem:$0x1FE80] =	vst v63  }
0x5e: {  	_ =	swait.ge [sflag:s29], $0x1000  }
0x5f: {  	s18 =	rddreg [dreg:$0x5]  }
0x60: {  	[sflag:s29] =	ssyncset.done $0x0;
	s15 =	sadd.s32 $0x0, s18  }
0x61: {  	[sflag:s29] =	ssyncadd.s32 $0xFFFFF000;
	s17 =	sadd.s32 $0x80, s15  }
0x62: {  	[tilespmem:s4], [sflag:$0x3] =	stream.linear.gather [hbm4b:s17+s4], $0x200, $0x38;
	[tilespmem:$0x1FE80] =	vst v63  }
0x63: {  	_ =	swait.ge [sflag:s5], $0x200  }
0x64: {  	[sflag:s5] =	ssyncset.done $0x0  }
0x65: {  	[sflag:s5] =	ssyncadd.s32 $0xFFFFFE00  }
0x66: {  	[spmem:s3] =	stream.indirect.scatter.add.f32 [tilespmem:s24], [sflag:$0x5], $0x80, s6, s22, $0xb8;
	[tilespmem:$0x1FE80] =	vst v63  }
0x67: {  	_ =	swait.ge [sflag:s16], $0x1000  }
0x68: {  	s25 =	rddreg [dreg:$0x6];
	[sflag:s16] =	ssyncset.done $0x0  }
0x69: {  	[sflag:s16] =	ssyncadd.s32 $0xFFFFF000;
	s17 =	sadd.s32 $0x0, s25  }
0x6a: {  	[tilespmem:s19], [sflag:$0x4] =	stream.linear.gather [hbm4b:s17+s4], $0x200, $0x38;
	[tilespmem:$0x1FE80] =	vst v63  }
0x6b: {  	_ = 	snop  }
0x6c: {  	[tilespmem:s24], [sflag:$0x2] =	stream.indirect.gather [spmem:s2], $0x80, s8, s22, $0xb8;
	[tilespmem:$0x1FE80] =	vst v63  }
0x6d: {  	_ =	swait.ge [sflag:s26], $0x1000  }
0x6e: {  	[sflag:s26] =	ssyncset.done $0x0  }
0x6f: {  	[sflag:s26] =	ssyncadd.s32 $0xFFFFF000  }
0x70: {  	[spmem:s3] =	stream.indirect.scatter.add.f32 [tilespmem:s23], [sflag:$0x5], $0x80, s21, s22, $0xb8;
	[tilespmem:$0x1FE80] =	vst v63  }
0x71: {  	_ =	swait.ge [sflag:s16], $0x1000  }
0x72: {  	[sflag:s16] =	ssyncset.done $0x0  }
0x73: {  	[sflag:s16] =	ssyncadd.s32 $0xFFFFF000  }
0x74: {  	[tilespmem:s23], [sflag:$0x1] =	stream.indirect.gather [spmem:s2], $0x80, s11, s22, $0xb8;
	[tilespmem:$0x1FE80] =	vst v63  }
0x75: {  	_ =	swait.ge [sflag:s29], $0x1000  }
0x76: {  	[sflag:s29] =	ssyncset.done $0x0  }
0x77: {  	[sflag:s29] =	ssyncadd.s32 $0xFFFFF000  }
0x78: {  	[spmem:s3] =	stream.indirect.scatter.add.f32 [tilespmem:s24], [sflag:$0x5], $0x80, s12, s22, $0xb8;
	[tilespmem:$0x1FE80] =	vst v63  }
0x79: {  	_ =	swait.ge [sflag:s16], $0x1000  }
0x7a: {  	[sflag:s16] =	ssyncset.done $0x0  }
0x7b: {  	[sflag:s16] =	ssyncadd.s32 $0xFFFFF000  }
0x7c: {  	[tilespmem:s24], [sflag:$0x2] =	stream.indirect.gather [spmem:s2], $0x80, s13, s22, $0xb8;
	[tilespmem:$0x1FE80] =	vst v63  }
0x7d: {  	_ =	swait.ge [sflag:s26], $0x1000  }
0x7e: {  	[sflag:s26] =	ssyncset.done $0x0  }
0x7f: {  	[sflag:s26] =	ssyncadd.s32 $0xFFFFF000  }
0x80: {  	[spmem:s3] =	stream.indirect.scatter.add.f32 [tilespmem:s23], [sflag:$0x5], $0x80, s9, s22, $0xb8;
	[tilespmem:$0x1FE80] =	vst v63  }
0x81: {  	_ =	swait.ge [sflag:s16], $0x1000  }
0x82: {  	[sflag:s16] =	ssyncset.done $0x0  }
0x83: {  	[sflag:s16] =	ssyncadd.s32 $0xFFFFF000  }
0x84: {  	_ =	swait.ge [sflag:s1], $0x200  }
0x85: {  	[sflag:s1] =	ssyncset.done $0x0  }
0x86: {  	[sflag:s1] =	ssyncadd.s32 $0xFFFFFE00  }
0x87: {  	[tilespmem:s23], [sflag:$0x1] =	stream.indirect.gather [spmem:s2], $0x80, s4, s22, $0xb8;
	[tilespmem:$0x1FE80] =	vst v63  }
0x88: {  	_ =	swait.ge [sflag:s29], $0x1000  }
0x89: {  	[sflag:s29] =	ssyncset.done $0x0  }
0x8a: {  	s15 =	sadd.s32 $0xC0, s15;
	[sflag:s29] =	ssyncadd.s32 $0xFFFFF000  }
0x8b: {  	[tilespmem:s20], [sflag:$0x3] =	stream.linear.gather [hbm4b:s15+s4], $0x200, $0x38;
	[tilespmem:$0x1FE80] =	vst v63  }
0x8c: {  	_ =	swait.ge [sflag:s5], $0x200  }
0x8d: {  	[sflag:s5] =	ssyncset.done $0x0  }
0x8e: {  	[sflag:s5] =	ssyncadd.s32 $0xFFFFFE00  }
0x8f: {  	[spmem:s3] =	stream.indirect.scatter.add.f32 [tilespmem:s24], [sflag:$0x5], $0x80, s14, s22, $0xb8;
	[tilespmem:$0x1FE80] =	vst v63  }
0x90: {  	_ =	swait.ge [sflag:s16], $0x1000  }
0x91: {  	s25 =	simm.s32 $0x80;
	s18 =	sadd.s32 $0x40, s17;
	[sflag:s16] =	ssyncset.done $0x0  }
.LBB2_2:
0x92: {  	[sflag:s16] =	ssyncadd.s32 $0xFFFFF000  }
0x93: {  	[tilespmem:s21], [sflag:$0x4] =	stream.linear.gather [hbm4b:s18+s4], $0x200, $0x38;
	[tilespmem:$0x1FE80] =	vst v63  }
0x94: {  	s7 =	rddreg [dreg:$0x7]  }
0x95: {  	[tilespmem:s24], [sflag:$0x2] =	stream.indirect.gather [spmem:s2], $0x80, s7, s22, $0xb8;
	[tilespmem:$0x1FE80] =	vst v63  }
0x96: {  	_ =	swait.ge [sflag:s26], $0x1000  }
0x97: {  	[sflag:s26] =	ssyncset.done $0x0  }
0x98: {  	[sflag:s26] =	ssyncadd.s32 $0xFFFFF000  }
0x99: {  	[spmem:s3] =	stream.indirect.scatter.add.f32 [tilespmem:s23], [sflag:$0x5], $0x80, s19, s22, $0xb8;
	[tilespmem:$0x1FE80] =	vst v63  }
0x9a: {  	_ =	swait.ge [sflag:s16], $0x1000  }
0x9b: {  	[sflag:s16] =	ssyncset.done $0x0  }
0x9c: {  	[sflag:s16] =	ssyncadd.s32 $0xFFFFF000  }
0x9d: {  	[tilespmem:s23], [sflag:$0x1] =	stream.indirect.gather [spmem:s2], $0x80, s28, s22, $0xb8;
	[tilespmem:$0x1FE80] =	vst v63  }
0x9e: {  	_ =	swait.ge [sflag:s29], $0x1000  }
0x9f: {  	[sflag:s29] =	ssyncset.done $0x0  }
0xa0: {  	[sflag:s29] =	ssyncadd.s32 $0xFFFFF000  }
0xa1: {  	[spmem:s3] =	stream.indirect.scatter.add.f32 [tilespmem:s24], [sflag:$0x5], $0x80, s30, s22, $0xb8;
	[tilespmem:$0x1FE80] =	vst v63  }
0xa2: {  	_ =	swait.ge [sflag:s16], $0x1000  }
0xa3: {  	[sflag:s16] =	ssyncset.done $0x0  }
0xa4: {  	[sflag:s16] =	ssyncadd.s32 $0xFFFFF000  }
0xa5: {  	[tilespmem:s24], [sflag:$0x2] =	stream.indirect.gather [spmem:s2], $0x80, s31, s22, $0xb8;
	[tilespmem:$0x1FE80] =	vst v63  }
0xa6: {  	_ =	swait.ge [sflag:s26], $0x1000  }
0xa7: {  	[sflag:s26] =	ssyncset.done $0x0  }
0xa8: {  	[sflag:s26] =	ssyncadd.s32 $0xFFFFF000  }
0xa9: {  	[spmem:s3] =	stream.indirect.scatter.add.f32 [tilespmem:s23], [sflag:$0x5], $0x80, s0, s22, $0xb8;
	[tilespmem:$0x1FE80] =	vst v63  }
0xaa: {  	_ =	swait.ge [sflag:s16], $0x1000  }
0xab: {  	[sflag:s16] =	ssyncset.done $0x0  }
0xac: {  	[sflag:s16] =	ssyncadd.s32 $0xFFFFF000  }
0xad: {  	_ =	swait.ge [sflag:s1], $0x200  }
0xae: {  	[sflag:s1] =	ssyncset.done $0x0  }
0xaf: {  	[sflag:s1] =	ssyncadd.s32 $0xFFFFFE00  }
0xb0: {  	[tilespmem:s23], [sflag:$0x1] =	stream.indirect.gather [spmem:s2], $0x80, s20, s22, $0xb8;
	[tilespmem:$0x1FE80] =	vst v63  }
0xb1: {  	s17 =	smov.u32 s25;
	_ =	swait.ge [sflag:s29], $0x1000  }
0xb2: {  	s15 =	sadd.s32 $0x80, s25;
	p2 =	sne.s32 s25, $0x2780;
	s25 =	rddreg [dreg:$0x5]  }
0xb3: {  	[sflag:s29] =	ssyncset.done $0x0;
	s25 =	sadd.s32 s17, s25  }
0xb4: {  	[sflag:s29] =	ssyncadd.s32 $0xFFFFF000;
	s7 =	sadd.s32 $0x80, s25  }
0xb5: {  	[tilespmem:s4], [sflag:$0x3] =	stream.linear.gather [hbm4b:s7+s4], $0x200, $0x38;
	[tilespmem:$0x1FE80] =	vst v63  }
0xb6: {  	_ =	swait.ge [sflag:s5], $0x200  }
0xb7: {  	[sflag:s5] =	ssyncset.done $0x0  }
0xb8: {  	[sflag:s5] =	ssyncadd.s32 $0xFFFFFE00  }
0xb9: {  	[spmem:s3] =	stream.indirect.scatter.add.f32 [tilespmem:s24], [sflag:$0x5], $0x80, s6, s22, $0xb8;
	[tilespmem:$0x1FE80] =	vst v63  }
0xba: {  	_ =	swait.ge [sflag:s16], $0x1000  }
0xbb: {  	s18 =	rddreg [dreg:$0x6];
	[sflag:s16] =	ssyncset.done $0x0  }
0xbc: {  	[sflag:s16] =	ssyncadd.s32 $0xFFFFF000;
	s7 =	sadd.s32 s17, s18  }
0xbd: {  	[tilespmem:s19], [sflag:$0x4] =	stream.linear.gather [hbm4b:s7+s4], $0x200, $0x38;
	[tilespmem:$0x1FE80] =	vst v63  }
0xbe: {  	_ = 	snop  }
0xbf: {  	[tilespmem:s24], [sflag:$0x2] =	stream.indirect.gather [spmem:s2], $0x80, s8, s22, $0xb8;
	[tilespmem:$0x1FE80] =	vst v63  }
0xc0: {  	_ =	swait.ge [sflag:s26], $0x1000  }
0xc1: {  	[sflag:s26] =	ssyncset.done $0x0  }
0xc2: {  	[sflag:s26] =	ssyncadd.s32 $0xFFFFF000  }
0xc3: {  	[spmem:s3] =	stream.indirect.scatter.add.f32 [tilespmem:s23], [sflag:$0x5], $0x80, s21, s22, $0xb8;
	[tilespmem:$0x1FE80] =	vst v63  }
0xc4: {  	_ =	swait.ge [sflag:s16], $0x1000  }
0xc5: {  	[sflag:s16] =	ssyncset.done $0x0  }
0xc6: {  	[sflag:s16] =	ssyncadd.s32 $0xFFFFF000  }
0xc7: {  	[tilespmem:s23], [sflag:$0x1] =	stream.indirect.gather [spmem:s2], $0x80, s11, s22, $0xb8;
	[tilespmem:$0x1FE80] =	vst v63  }
0xc8: {  	_ =	swait.ge [sflag:s29], $0x1000  }
0xc9: {  	[sflag:s29] =	ssyncset.done $0x0  }
0xca: {  	[sflag:s29] =	ssyncadd.s32 $0xFFFFF000  }
0xcb: {  	[spmem:s3] =	stream.indirect.scatter.add.f32 [tilespmem:s24], [sflag:$0x5], $0x80, s12, s22, $0xb8;
	[tilespmem:$0x1FE80] =	vst v63  }
0xcc: {  	_ =	swait.ge [sflag:s16], $0x1000  }
0xcd: {  	[sflag:s16] =	ssyncset.done $0x0  }
0xce: {  	[sflag:s16] =	ssyncadd.s32 $0xFFFFF000  }
0xcf: {  	[tilespmem:s24], [sflag:$0x2] =	stream.indirect.gather [spmem:s2], $0x80, s13, s22, $0xb8;
	[tilespmem:$0x1FE80] =	vst v63  }
0xd0: {  	_ =	swait.ge [sflag:s26], $0x1000  }
0xd1: {  	[sflag:s26] =	ssyncset.done $0x0  }
0xd2: {  	[sflag:s26] =	ssyncadd.s32 $0xFFFFF000  }
0xd3: {  	[spmem:s3] =	stream.indirect.scatter.add.f32 [tilespmem:s23], [sflag:$0x5], $0x80, s9, s22, $0xb8;
	[tilespmem:$0x1FE80] =	vst v63  }
0xd4: {  	_ =	swait.ge [sflag:s16], $0x1000  }
0xd5: {  	[sflag:s16] =	ssyncset.done $0x0  }
0xd6: {  	[sflag:s16] =	ssyncadd.s32 $0xFFFFF000  }
0xd7: {  	_ =	swait.ge [sflag:s1], $0x200  }
0xd8: {  	[sflag:s1] =	ssyncset.done $0x0  }
0xd9: {  	[sflag:s1] =	ssyncadd.s32 $0xFFFFFE00  }
0xda: {  	[tilespmem:s23], [sflag:$0x1] =	stream.indirect.gather [spmem:s2], $0x80, s4, s22, $0xb8;
	[tilespmem:$0x1FE80] =	vst v63  }
0xdb: {  	_ =	swait.ge [sflag:s29], $0x1000  }
0xdc: {  	[sflag:s29] =	ssyncset.done $0x0  }
0xdd: {  	s25 =	sadd.s32 $0xC0, s25;
	[sflag:s29] =	ssyncadd.s32 $0xFFFFF000  }
0xde: {  	[tilespmem:s20], [sflag:$0x3] =	stream.linear.gather [hbm4b:s25+s4], $0x200, $0x38;
	[tilespmem:$0x1FE80] =	vst v63  }
0xdf: {  	_ =	swait.ge [sflag:s5], $0x200  }
.Ltmp0:
0xe0: {  	[sflag:s5] =	ssyncset.done $0x0;
	(pc) =	sbr.rel @p2 .LBB2_2-.Ltmp0, $4  }
0xe1: {  	[sflag:s5] =	ssyncadd.s32 $0xFFFFFE00  }
0xe2: {  	[spmem:s3] =	stream.indirect.scatter.add.f32 [tilespmem:s24], [sflag:$0x5], $0x80, s14, s22, $0xb8;
	[tilespmem:$0x1FE80] =	vst v63  }
0xe3: {  	_ =	swait.ge [sflag:s16], $0x1000  }
0xe4: {  	s18 =	sadd.s32 $0x40, s7;
	s25 =	smov.u32 s15;
	[sflag:s16] =	ssyncset.done $0x0  }
0xe5: {  	[sflag:s16] =	ssyncadd.s32 $0xFFFFF000  }
0xe6: {  	[tilespmem:s21], [sflag:$0x4] =	stream.linear.gather [hbm4b:s18+s4], $0x200, $0x38;
	[tilespmem:$0x1FE80] =	vst v63  }
0xe7: {  	_ =	swait.ge [sflag:s1], $0x200  }
0xe8: {  	[sflag:s1] =	ssyncset.done $0x0  }
0xe9: {  	[sflag:s1] =	ssyncadd.s32 $0xFFFFFE00  }
0xea: {  	_ =	swait.ge [sflag:s5], $0x200  }
0xeb: {  	[sflag:s5] =	ssyncset.done $0x0  }
0xec: {  	[sflag:s5] =	ssyncadd.s32 $0xFFFFFE00  }
0xed: {  	_ =	swait.ge [sflag:s26], $0x1000  }
0xee: {  	[sflag:s26] =	ssyncset.done $0x0  }
0xef: {  	[sflag:s26] =	ssyncadd.s32 $0xFFFFF000  }
0xf0: {  	[bflag:$0x0] =	sbarrier.arrive $0xFFFF  }
0xf1: {  	s18 =	rddreg [dreg:$0xa]  }
0xf2: {  	s7 =	rddreg [dreg:$0x10]  }
0xf3: {  	s15 =	rddreg [dreg:$0x15]  }
0xf4: {  	[hbm:s7], [sflag:s18] =	dma.local @!p1 [spmem:s15], $0x2780  }
0xf5: {  	s7 =	simm.s32 @!p1 $0x5  }
0xf6: {  	_ =	swait.ge @!p1 [sflag:s7], $0x2780  }
0xf7: {  	s10 =	sadd.s32 $0x1, s10;
	s25 =	rddreg [dreg:$0x11]  }
0xf8: {  	p2 =	sne.s32 s10, s25  }
.Ltmp1:
0xf9: {  	_ = 	snop;
	(pc) =	sbr.rel @p2 .LBB2_1-.Ltmp1, $3  }
0xfa: {  	_ =	sdelay $0x1  }
0xfb: {  	[sflag:s7] =	ssyncset.done @!p1 $0x0  }
0xfc: {  	[sflag:s7] =	ssyncadd.s32 @!p1 $0xFFFFD880  }
0xfd: {  	_ =	sfence.sel $0x180000  }
0xfe: {  	[bflag:$0x0] =	sbarrier.arrive $0xFFFF  }
0xff: {  	_ =	strace $0x9000004D  }
0x100: {  	s0 =	stileid.u32;
	[bflag:$0x2] =	sbarrier.arrive $0xFFFF  }
0x101: {  	p0 =	sne.s32 s0, $0x0;
	s0 =	rddreg [dreg:$0x4]  }
0x102: {  	s0 =	sadd.s32 @!p0 $0x100000, s0  }
0x103: {  	[sflag:s0] =	ssyncadd.tile.s32 @!p0 $0x1;
	_ =	shalt  }
.Lfunc_end2:
_tile_overlayer_lowered:
.L_overlay_start_2:
0x104: {  	(tag) =	ssettag $0x2  }
0x105: {  	s0 =	rddreg [dreg:$0x0];
	s2 =	stileid.u32  }
0x106: {  	s1 =	rddreg [dreg:$0x1];
	p0 =	sne.s32 s2, $0x0  }
0x107: {  	s3 =	rddreg [dreg:$0x2];
	[bflag:$0x3] =	sbarrier.arrive $0xFFFF;
	s2 =	simm.s32 @!p0 $0x1C05  }
0x108: {  	[timem:s3], [sflag:s2] =	dma.local @!p0 [hbm:s0], s1  }
0x109: {  	s0 =	simm.s32 @!p0 $0x5  }
0x10a: {  	_ =	swait.ge @!p0 [sflag:s0], s1  }
0x10b: {  	s1 =	ssub.s32 @!p0 $0x0, s1;
	[sflag:s0] =	ssyncset.done @!p0 $0x0  }
0x10c: {  	[sflag:s0] =	ssyncadd.s32 @!p0 s1  }
0x10d: {  	[bflag:$0x3] =	sbarrier.arrive $0xFFFF  }
0x10e: {  	_ =	shalt  }

// kernel: kernel.8.cloned.1.call-start
scs
__scs_entry_jumppad:
0x0: {  	(pc) =	sbr.rel $0x88, $3  }
0x1: {  	(tag) =	ssettag $0x0;
	lr =	simm.s32 $0x1  }
0x2: {  	[smem:$0x3F99] =	sst lr;
	_ =	strace $0xD0000000  }
0x3: {  	_ = 	snop  }
0x4: {  	_ = 	snop  }
0x5: {  	_ = 	snop  }
0x6: {  	_ = 	snop  }
0x7: {  	_ = 	snop  }
__scs_overlays_trampoline_lowered:
0x8: {  	[smem:$0x3FA8] =	sst s0  }
0x9: {  	[smem:$0x3FA9] =	sst s1  }
0xa: {  	[smem:$0x3FAA] =	sst s2  }
0xb: {  	[smem:$0x3FAB] =	sst s3  }
0xc: {  	[smem:$0x3FAC] =	sst s4  }
0xd: {  	[smem:$0x3FAD] =	sst s5  }
0xe: {  	[smem:$0x3FAE] =	sst s6  }
0xf: {  	[smem:$0x3FAF] =	sst s7  }
0x10: {  	[smem:$0x3FB0] =	sst s8  }
0x11: {  	[smem:$0x3FB1] =	sst s9;
	s0 =	simm.s32 @!p0 $0x0  }
0x12: {  	s1 =	sld [smem:$0x3F97];
	s0 =	simm.s32 @p0 $0x1  }
0x13: {  	[smem:$0x3FB2] =	sst s0;
	s0 =	simm.s32 @!p1 $0x0  }
0x14: {  	s2 =	sld [smem:$0x3F96];
	s0 =	simm.s32 @p1 $0x1  }
0x15: {  	[smem:$0x3FB3] =	sst s0;
	s0 =	simm.s32 @!p2 $0x0  }
0x16: {  	s3 =	sld [smem:$0x3FDB];
	s0 =	simm.s32 @p2 $0x1  }
0x17: {  	s4 =	simm.s32 $0x1BF5;
	[smem:$0x3FB5] =	sst s0  }
0x18: {  	s0 =	sld [smem:$0x3F98];
	_ =	swait.ge [sflag:s4], $0x0  }
0x19: {  	s7 =	sld [smem:$0x3F99]  }
0x1a: {  	s8 =	sadd.s32 $0xFFFFE003, lr  }
0x1b: {  	s9 =	sadd.s32 $0xFFFFFEF7, lr;
	s5 =	simm.s32 $0xFFFFFFFF;
	p2 =	slt.u32 s8, $0xFFFFF086  }
0x1c: {  	p1 =	slt.u32 s9, $0xF7A;
	s5 =	simm.s32 @!p2 $0x0  }
0x1d: {  	s5 =	simm.s32 @p1 $0x1;
	p0 =	seq.s32 s7, s2  }
0x1e: {  	s7 =	smul.u32 @!p0 $0xF7A, s2;
	p2 =	seq.s32 @!p0 s5, $0x0  }
0x1f: {  	s9 =	smul.u32 $0xF7A, s1;
	s8 =	simm.s32 @!p0 $0x1BF5;
	p2 =	por !p2, p0  }
0x20: {  	[sflag:s8] =	ssyncset.s32 @!p0 $0xFFFFF086;
	s6 =	sadd.s32 @!p0 s3, s7;
	s7 =	simm.s32 @!p0 $0x108  }
0x21: {  	s3 =	sadd.s32 s3, s9;
	s6 =	sadd.s32 @!p0 $0x88, s6;
	s7 =	simm.s32 @p2 $0x1082  }
0x22: {  	[simem:s7], [sflag:s8] =	dma.local @!p0 [hbm:s6], $0xF7A  }
0x23: {  	s9 =	sor.u32 $0xD0000000, s2;
	s6 =	simm.s32 $0x108;
	_ =	swait.ge @!p0 [sflag:s8], $0x0  }
0x24: {  	s3 =	sadd.s32 $0x88, s3;
	s6 =	simm.s32 @!p1 $0x1082;
	[sflag:s4] =	ssyncset.s32 $0xFFFFF086  }
0x25: {  	[simem:s6], [sflag:s4] =	dma.local [hbm:s3], $0xF7A  }
0x26: {  	[smem:$0x3F99] =	sst s1;
	(tag) =	ssettag s2;
	_ =	strace s9  }
0x27: {  	s1 =	sld [smem:$0x3FA9]  }
0x28: {  	s2 =	sld [smem:$0x3FAA]  }
0x29: {  	s4 =	sld [smem:$0x3FAC]  }
0x2a: {  	p0 =	seq.s32 s5, $0x0;
	s5 =	sld [smem:$0x3FAD]  }
0x2b: {  	s6 =	sld [smem:$0x3FAE]  }
0x2c: {  	s7 =	sld [smem:$0x3FAF]  }
0x2d: {  	s3 =	simm.s32 $0x108;
	s8 =	sld [smem:$0x3FB0]  }
0x2e: {  	s3 =	simm.s32 @!p0 $0x1082;
	s9 =	sld [smem:$0x3FB1]  }
0x2f: {  	lr =	sadd.s32 s0, s3;
	s0 =	sld [smem:$0x3FA8]  }
0x30: {  	s3 =	sld [smem:$0x3FAB]  }
0x31: {  	[smem:$0x3FB4] =	sst s10  }
0x32: {  	s10 =	sld [smem:$0x3FB2];
	_ =	sdelay $0x3  }
0x33: {  	p0 =	seq.s32 s10, $0x1;
	s10 =	sld [smem:$0x3FB4];
	_ =	sdelay $0x3  }
0x34: {  	[smem:$0x3FB4] =	sst s10  }
0x35: {  	s10 =	sld [smem:$0x3FB3];
	_ =	sdelay $0x3  }
0x36: {  	p1 =	seq.s32 s10, $0x1;
	s10 =	sld [smem:$0x3FB4];
	_ =	sdelay $0x3  }
0x37: {  	[smem:$0x3FB4] =	sst s10  }
0x38: {  	s10 =	sld [smem:$0x3FB5]  }
0x39: {  	_ = 	snop;
	(pc) =	sbr.ind lr, $3  }
0x3a: {  	_ = 	snop  }
0x3b: {  	_ = 	snop  }
0x3c: {  	p2 =	seq.s32 s10, $0x1;
	s10 =	sld [smem:$0x3FB4]  }
0x3d: {  	_ =	shalt  }
0x3e: {  	_ =	shalt  }
0x3f: {  	_ =	shalt  }
0x40: {  	_ =	shalt  }
0x41: {  	_ =	shalt  }
0x42: {  	_ =	shalt  }
0x43: {  	_ =	shalt  }
0x44: {  	_ =	shalt  }
0x45: {  	_ =	shalt  }
0x46: {  	_ =	shalt  }
0x47: {  	_ =	shalt  }
0x48: {  	_ =	shalt  }
0x49: {  	_ =	shalt  }
0x4a: {  	_ =	shalt  }
0x4b: {  	_ =	shalt  }
0x4c: {  	_ =	shalt  }
0x4d: {  	_ =	shalt  }
0x4e: {  	_ =	shalt  }
0x4f: {  	_ =	shalt  }
0x50: {  	_ =	shalt  }
0x51: {  	_ =	shalt  }
0x52: {  	_ =	shalt  }
0x53: {  	_ =	shalt  }
0x54: {  	_ =	shalt  }
0x55: {  	_ =	shalt  }
0x56: {  	_ =	shalt  }
0x57: {  	_ =	shalt  }
0x58: {  	_ =	shalt  }
0x59: {  	_ =	shalt  }
0x5a: {  	_ =	shalt  }
0x5b: {  	_ =	shalt  }
0x5c: {  	_ =	shalt  }
0x5d: {  	_ =	shalt  }
0x5e: {  	_ =	shalt  }
0x5f: {  	_ =	shalt  }
0x60: {  	_ =	shalt  }
0x61: {  	_ =	shalt  }
0x62: {  	_ =	shalt  }
0x63: {  	_ =	shalt  }
0x64: {  	_ =	shalt  }
0x65: {  	_ =	shalt  }
0x66: {  	_ =	shalt  }
0x67: {  	_ =	shalt  }
0x68: {  	_ =	shalt  }
0x69: {  	_ =	shalt  }
0x6a: {  	_ =	shalt  }
0x6b: {  	_ =	shalt  }
0x6c: {  	_ =	shalt  }
0x6d: {  	_ =	shalt  }
0x6e: {  	_ =	shalt  }
0x6f: {  	_ =	shalt  }
0x70: {  	_ =	shalt  }
0x71: {  	_ =	shalt  }
0x72: {  	_ =	shalt  }
0x73: {  	_ =	shalt  }
0x74: {  	_ =	shalt  }
0x75: {  	_ =	shalt  }
0x76: {  	_ =	shalt  }
0x77: {  	_ =	shalt  }
0x78: {  	_ =	shalt  }
0x79: {  	_ =	shalt  }
0x7a: {  	_ =	shalt  }
0x7b: {  	_ =	shalt  }
0x7c: {  	_ =	shalt  }
0x7d: {  	_ =	shalt  }
0x7e: {  	_ =	shalt  }
0x7f: {  	_ =	shalt  }
0x80: {  	_ =	shalt  }
0x81: {  	_ =	shalt  }
0x82: {  	_ =	shalt  }
0x83: {  	_ =	shalt  }
0x84: {  	_ =	shalt  }
0x85: {  	_ =	shalt  }
0x86: {  	_ =	shalt  }
0x87: {  	_ =	shalt  }
.Lfunc_end0:
.L_simem_size_0:
called_computation_lowered:
.L_overlay_start_0:
0x88: {  	s2 =	sld [smem:$0x3FD9]  }
0x89: {  	s3 =	sld [smem:$0x3FFE];
	_ =	sdelay $0x1  }
0x8a: {  	s1 =	srdreg.scid  }
0x8b: {  	s0 =	sand.u32 $0x1, s1  }
0x8c: {  	s17 =	sshll.u32 s0, $0xA;
	s2 =	sadd.s32 s3, s2  }
0x8d: {  	s2 =	sadd.s32 s2, s17  }
0x8e: {  	[smem:$0x3FC0] =	sst s2  }
0x8f: {  	_ = 	snop  }
0x90: {  	s2 =	sld [smem:$0x3FC9];
	(tm) =	ssettm $0x1  }
0x91: {  	s18 =	sld [smem:$0x3FFB];
	_ =	sdelay $0x3  }
0x92: {  	_ =	strace s18  }
0x93: {  	s3 =	sld [smem:$0x3FFC];
	_ =	sdelay $0x3  }
0x94: {  	_ =	strace s3  }
0x95: {  	s3 =	sld [smem:$0x3FFD];
	_ =	sdelay $0x3  }
0x96: {  	_ =	strace s3  }
0x97: {  	_ =	strace $0x8FFFFFFF  }
0x98: {  	s19 =	sld [smem:$0x3FDB];
	_ =	sdelay $0x1  }
0x99: {  	s4 =	simm.s32 $_scs_section_size  }
0x9a: {  	s5 =	simm.s32 $_size__tile_overlayer_lowered;
	s6 =	simm.s32 $_tile_overlayer_lowered  }
0x9b: {  	s22 =	simm.s32 $0x1BFF;
	s21 =	sshll.u32 s6, $0x1;
	s3 =	sadd.s32 s4, s19  }
0x9c: {  	s7 =	simm.s32 $0x0;
	s20 =	sshll.u32 s5, $0x1;
	s5 =	sadd.s32 s21, s3  }
0x9d: {  	[timem:s7], [sflag:s22] =	dma.local [hbm:s5], s20  }
0x9e: {  	_ =	swait.ge [sflag:s22], s20  }
0x9f: {  	s4 =	ssub.s32 $0x0, s20;
	[sflag:s22] =	ssyncset.done $0x0  }
0xa0: {  	[sflag:s22] =	ssyncadd.s32 s4;
	_ =	sdelay $0x1  }
0xa1: {  	s23 =	simm.s32 $0x1B8B  }
0xa2: {  	_ =	swait.ge [sflag:s23], $0x1  }
0xa3: {  	[sflag:s23] =	ssyncset.done $0x0  }
0xa4: {  	s25 =	simm.s32 $0x1B8E;
	s24 =	sld [smem:$0x3FFE];
	[sflag:s23] =	ssyncadd.s32 $0xFFFFFFFF  }
0xa5: {  	s26 =	simm.s32 $execute0_lowered;
	[smem:$0x3FD2] =	sst s25  }
0xa6: {  	s5 =	sshll.u32 s26, $0x1;
	_ =	strace $0x80000046;
	[dreg:$0x1] =	wrdreg $0xFFFFFFFF  }
0xa7: {  	s28 =	simm.s32 $_size_execute0_lowered;
	s3 =	sadd.s32 s3, s5;
	[dreg:$0x0] =	wrdreg $0x0  }
0xa8: {  	s5 =	sshll.u32 s28, $0x1;
	[dreg:$0x2] =	wrdreg s3  }
0xa9: {  	[dreg:$0x3] =	wrdreg s5  }
0xaa: {  	[dreg:$0x4] =	wrdreg $0xC0  }
0xab: {  	_ =	task [dreg:s7], $0x5FFFF  }
0xac: {  	[dreg:$0x1] =	wrdreg $0xFFFFFFFF  }
0xad: {  	[dreg:$0x0] =	wrdreg $0x60  }
0xae: {  	[dreg:$0x2] =	wrdreg s2  }
0xaf: {  	[dreg:$0x3] =	wrdreg s24  }
0xb0: {  	[dreg:$0x4] =	wrdreg $0x28000  }
0xb1: {  	[dreg:$0x5] =	wrdreg $0x160800  }
0xb2: {  	[dreg:$0x6] =	wrdreg $0x9  }
0xb3: {  	_ =	task.clear_ibuf [dreg:s7], $0x7FFFF;
	_ =	strace $0x90000046  }
0xb4: {  	s29 =	simm.s32 $0x9;
	_ =	strace $0x80000048  }
0xb5: {  	_ =	swait.ge [sflag:s29], $0x1  }
0xb6: {  	[sflag:s29] =	ssyncadd.s32 $0xFFFFFFFF  }
0xb7: {  	_ =	strace $0x90000048  }
0xb8: {  	_ =	sfence  }
0xb9: {  	s30 =	sld [smem:$0x0];
	_ =	sdelay $0x2  }
0xba: {  	s31 =	sshll.u32 s1, $0xD;
	s1 =	sshrl.u32 s1, $0x2  }
0xbb: {  	s3 =	sand.u32 $0x4000, s31;
	s1 =	sadd.s32 s1, s30  }
0xbc: {  	s0 =	sor.u32 s3, s0;
	s1 =	sshll.u32 s1, $0x11  }
0xbd: {  	s0 =	sor.u32 s1, s0  }
0xbe: {  	s0 =	sadd.s32 $0x8F2B, s0  }
0xbf: {  	[sflag:s0] =	ssyncadd.remote.s32 $0x1  }
0xc0: {  	_ =	sfence.sel $0xFFFF  }
0xc1: {  	[dreg:$0x0] =	wrdreg $0xFFFFFFFF;
	(pc) =	sbr.abs _section_cstart, $3  }
0xc2: {  	[dreg:$0x1] =	wrdreg $0xFFFFFFFF  }
0xc3: {  	_ =	task.clear_ibuf [dreg:s7], $0x2FFFF;
	_ =	strace $0x9FFFFFFF  }
0xc4: {  	(tm) =	ssettm $0x7FFFFFFF  }
0xc5: {  	_ =	shalt  }
tec
execute0_lowered:
.L_overlay_start_1:
0x0: {  	(tag) =	ssettag $0x1  }
0x1: {  	s0 =	rddreg [dreg:$0x0]  }
0x2: {  	s1 =	rddreg [dreg:$0x1]  }
0x3: {  	s2 =	rddreg [dreg:$0x2]  }
0x4: {  	s3 =	rddreg [dreg:$0x3];
	s5 =	srdreg.scid  }
0x5: {  	s17 =	stileid.u32;
	s4 =	simm.s32 $0x0;
	s28 =	simm.s32 $0x100  }
0x6: {  	s29 =	simm.s32 $0x2;
	s30 =	simm.s32 $0x480;
	s6 =	smul.u32 $0x13C00, s17  }
0x7: {  	s31 =	simm.s32 $0x180;
	s5 =	sand.u32 $0x1, s5;
	s11 =	smul.u32 $0x278, s17  }
0x8: {  	[smem:$0x7FF] =	sst s4;
	s8 =	sadd.s32 $0x7DE00, s1;
	s26 =	smul.u32 $0x4F000, s17  }
0x9: {  	s22 =	sadd.s32 $0x2E00, s1;
	s9 =	sadd.s32 $0x2BE00, s1;
	s15 =	smul.u32 $0x14800, s17  }
0xa: {  	s13 =	sshll.u32 s17, $0x6;
	s19 =	smul.u32 $0x2900, s17;
	p0 =	slt.u32 s17, $0x8  }
0xb: {  	p1 =	sgt.u32 s17, $0x7;
	s7 =	smul.u32 $0x9E000, s5;
	_ =	strace $0x80000047  }
0xc: {  	[dreg:$0x8] =	wrdreg s8;
	s10 =	ssub.s32 $0x2, s5;
	s18 =	sor.u32 $0x1C05, s13  }
0xd: {  	s5 =	smul.u32 $0x148000, s5;
	s8 =	simm.s32 $0x280;
	s23 =	sshrl.u32 s10, $0x1  }
0xe: {  	s12 =	sadd.s32 s6, s2;
	s24 =	sshrl.u32 s6, $0x3;
	s25 =	smin.u32 s11, $0x2498  }
0xf: {  	s11 =	sshrl.u32 s26, $0x2;
	s21 =	sadd.s32 s19, s22;
	s19 =	simm.s32 $0x400  }
0x10: {  	s26 =	simm.s32 $0x80;
	[dreg:$0xa] =	wrdreg s18;
	s7 =	sadd.s32 s6, s7  }
0x11: {  	s10 =	ssub.s32 s10, s23;
	s14 =	sadd.s32 $0x208, s25;
	s11 =	sadd.s32 s11, s3  }
0x12: {  	s5 =	sadd.s32 s15, s5;
	s6 =	sadd.s32 s6, s3;
	[dreg:$0x5] =	wrdreg s21  }
0x13: {  	s21 =	simm.s32 $0x600;
	[dreg:$0x7] =	wrdreg s26;
	s26 =	simm.s32 $0x1  }
0x14: {  	s7 =	sshrl.u32 s7, $0x3;
	s23 =	smax.u32 s10, $0x1;
	s10 =	simm.s32 $0x0  }
0x15: {  	s1 =	sadd.s32 s7, s1;
	s7 =	sadd.s32 s0, s24;
	[dreg:$0x11] =	wrdreg s23  }
0x16: {  	s24 =	sshrl.u32 s12, $0x3;
	s23 =	simm.s32 $0x800;
	s12 =	simm.s32 $0x680  }
0x17: {  	[dreg:$0x9] =	wrdreg s7;
	s7 =	sshll.u32 s14, $0x7;
	s14 =	sshll.u32 s14, $0x4  }
0x18: {  	s1 =	sadd.s32 $0x80600, s1;
	[dreg:$0x12] =	wrdreg s24;
	s24 =	simm.s32 $0x1800  }
0x19: {  	s13 =	sadd.s32 s7, s2;
	s0 =	sadd.s32 s0, s14;
	s14 =	sshrl.u32 s15, $0x3  }
0x1a: {  	s15 =	sshrl.u32 s5, $0x3;
	s5 =	sor.u32 $0x400, s5;
	[dreg:$0x10] =	wrdreg s1  }
0x1b: {  	s1 =	simm.s32 $0x3;
	[dreg:$0xb] =	wrdreg s0;
	s16 =	sadd.s32 s22, s14  }
0x1c: {  	s0 =	sadd.s32 $0xFFF62000, s11;
	s14 =	sadd.s32 s9, s15;
	[dreg:$0xc] =	wrdreg s16  }
0x1d: {  	s5 =	sshrl.u32 s5, $0x3;
	s25 =	sshrl.u32 s13, $0x3;
	[dreg:$0xd] =	wrdreg s14  }
0x1e: {  	s11 =	simm.s32 $0x300;
	s7 =	sadd.s32 $0x40, s16;
	[dreg:$0x13] =	wrdreg s25  }
0x1f: {  	s13 =	simm.s32 $0x380;
	s20 =	sadd.s32 $0x40, s14;
	[dreg:$0xe] =	wrdreg s7  }
0x20: {  	s22 =	sadd.s32 s5, s9;
	s16 =	simm.s32 $0x5;
	[dreg:$0xf] =	wrdreg s20  }
0x21: {  	s0 =	sshrl.u32 @!p0 s0, $0x3;
	s5 =	simm.s32 $0x4;
	[dreg:$0x6] =	wrdreg s22  }
0x22: {  	s9 =	simm.s32 $0x700;
	s14 =	simm.s32 $0x780;
	[dreg:$0x14] =	wrdreg s0  }
0x23: {  	s20 =	simm.s32 $0x200;
	s22 =	simm.s32 $0x20;
	s0 =	sshrl.u32 @!p1 s6, $0x3  }
0x24: {  	s6 =	simm.s32 $0x580;
	[dreg:$0x15] =	wrdreg s0;
	s0 =	simm.s32 $0x500  }
.LBB2_1:
0x25: {  	s7 =	rddreg [dreg:$0x9]  }
0x26: {  	s15 =	rddreg [dreg:$0x12]  }
0x27: {  	[spmem:s15], [sflag:s18] =	dma.local [hbm:s7], $0x2080  }
0x28: {  	_ =	swait.ge [sflag:s16], $0x2080  }
0x29: {  	[sflag:s16] =	ssyncset.done $0x0;
	s17 =	rddreg [dreg:$0xb]  }
0x2a: {  	s25 =	rddreg [dreg:$0x13];
	[sflag:s16] =	ssyncadd.s32 $0xFFFFDF80  }
0x2b: {  	[spmem:s25], [sflag:s18] =	dma.local [hbm:s17], $0x700  }
0x2c: {  	_ =	swait.ge [sflag:s16], $0x700  }
0x2d: {  	[sflag:s16] =	ssyncset.done $0x0;
	s7 =	rddreg [dreg:$0x8]  }
0x2e: {  	s15 =	rddreg [dreg:$0x14];
	[sflag:s16] =	ssyncadd.s32 $0xFFFFF900  }
0x2f: {  	[spmem:s15], [sflag:s18] =	dma.local @!p0 [hbm:s7], $0x2780  }
0x30: {  	s15 =	simm.s32 @!p0 $0x5  }
0x31: {  	_ =	swait.ge @!p0 [sflag:s15], $0x2780  }
0x32: {  	[sflag:s15] =	ssyncset.done @!p0 $0x0  }
0x33: {  	s17 =	rddreg [dreg:$0xc];
	[sflag:s15] =	ssyncadd.s32 @!p0 $0xFFFFD880  }
0x34: {  	[tilespmem:s4], [sflag:$0x5] =	stream.linear.gather [hbm4b:s17+s4], $0x200, $0x38;
	[tilespmem:$0x1FE80] =	vst v63  }
0x35: {  	_ =	swait.ge [sflag:s16], $0x200  }
0x36: {  	[sflag:s16] =	ssyncset.done $0x0  }
0x37: {  	s18 =	rddreg [dreg:$0xd];
	[sflag:s16] =	ssyncadd.s32 $0xFFFFFE00  }
0x38: {  	[tilespmem:s19], [sflag:$0x5] =	stream.linear.gather [hbm4b:s18+s4], $0x200, $0x38;
	[tilespmem:$0x1FE80] =	vst v63  }
0x39: {  	_ =	swait.ge [sflag:s16], $0x200  }
0x3a: {  	[sflag:s16] =	ssyncset.done $0x0  }
0x3b: {  	s25 =	rddreg [dreg:$0xe];
	[sflag:s16] =	ssyncadd.s32 $0xFFFFFE00  }
0x3c: {  	[tilespmem:s20], [sflag:$0x3] =	stream.linear.gather [hbm4b:s25+s4], $0x200, $0x38;
	[tilespmem:$0x1FE80] =	vst v63  }
0x3d: {  	s15 =	rddreg [dreg:$0xf]  }
0x3e: {  	[tilespmem:s21], [sflag:$0x4] =	stream.linear.gather [hbm4b:s15+s4], $0x200, $0x38;
	[tilespmem:$0x1FE80] =	vst v63  }
0x3f: {  	[bflag:$0x0] =	sbarrier.arrive $0xFFFF  }
0x40: {  	[tilespmem:s23], [sflag:$0x1] =	stream.indirect.gather [spmem:s2], $0x80, s4, s22, $0xb8;
	[tilespmem:$0x1FE80] =	vst v63  }
0x41: {  	s17 =	rddreg [dreg:$0x7]  }
0x42: {  	[tilespmem:s24], [sflag:$0x2] =	stream.indirect.gather [spmem:s2], $0x80, s17, s22, $0xb8;
	[tilespmem:$0x1FE80] =	vst v63  }
0x43: {  	_ =	swait.ge [sflag:s26], $0x1000  }
0x44: {  	[sflag:s26] =	ssyncset.done $0x0  }
0x45: {  	[sflag:s26] =	ssyncadd.s32 $0xFFFFF000  }
0x46: {  	[spmem:s3] =	stream.indirect.scatter.add.f32 [tilespmem:s23], [sflag:$0x5], $0x80, s19, s22, $0xb8;
	[tilespmem:$0x1FE80] =	vst v63  }
0x47: {  	_ =	swait.ge [sflag:s16], $0x1000  }
0x48: {  	[sflag:s16] =	ssyncset.done $0x0  }
0x49: {  	[sflag:s16] =	ssyncadd.s32 $0xFFFFF000  }
0x4a: {  	[tilespmem:s23], [sflag:$0x1] =	stream.indirect.gather [spmem:s2], $0x80, s28, s22, $0xb8;
	[tilespmem:$0x1FE80] =	vst v63  }
0x4b: {  	_ =	swait.ge [sflag:s29], $0x1000  }
0x4c: {  	[sflag:s29] =	ssyncset.done $0x0  }
0x4d: {  	[sflag:s29] =	ssyncadd.s32 $0xFFFFF000  }
0x4e: {  	[spmem:s3] =	stream.indirect.scatter.add.f32 [tilespmem:s24], [sflag:$0x5], $0x80, s30, s22, $0xb8;
	[tilespmem:$0x1FE80] =	vst v63  }
0x4f: {  	_ =	swait.ge [sflag:s16], $0x1000  }
0x50: {  	[sflag:s16] =	ssyncset.done $0x0  }
0x51: {  	[sflag:s16] =	ssyncadd.s32 $0xFFFFF000  }
0x52: {  	[tilespmem:s24], [sflag:$0x2] =	stream.indirect.gather [spmem:s2], $0x80, s31, s22, $0xb8;
	[tilespmem:$0x1FE80] =	vst v63  }
0x53: {  	_ =	swait.ge [sflag:s26], $0x1000  }
0x54: {  	[sflag:s26] =	ssyncset.done $0x0  }
0x55: {  	[sflag:s26] =	ssyncadd.s32 $0xFFFFF000  }
0x56: {  	[spmem:s3] =	stream.indirect.scatter.add.f32 [tilespmem:s23], [sflag:$0x5], $0x80, s0, s22, $0xb8;
	[tilespmem:$0x1FE80] =	vst v63  }
0x57: {  	_ =	swait.ge [sflag:s16], $0x1000  }
0x58: {  	[sflag:s16] =	ssyncset.done $0x0  }
0x59: {  	[sflag:s16] =	ssyncadd.s32 $0xFFFFF000  }
0x5a: {  	_ =	swait.ge [sflag:s1], $0x200  }
0x5b: {  	[sflag:s1] =	ssyncset.done $0x0  }
0x5c: {  	[sflag:s1] =	ssyncadd.s32 $0xFFFFFE00  }
0x5d: {  	[tilespmem:s23], [sflag:$0x1] =	stream.indirect.gather [spmem:s2], $0x80, s20, s22, $0xb8;
	[tilespmem:$0x1FE80] =	vst v63  }
0x5e: {  	_ =	swait.ge [sflag:s29], $0x1000  }
0x5f: {  	s18 =	rddreg [dreg:$0x5]  }
0x60: {  	[sflag:s29] =	ssyncset.done $0x0;
	s15 =	sadd.s32 $0x0, s18  }
0x61: {  	[sflag:s29] =	ssyncadd.s32 $0xFFFFF000;
	s17 =	sadd.s32 $0x80, s15  }
0x62: {  	[tilespmem:s4], [sflag:$0x3] =	stream.linear.gather [hbm4b:s17+s4], $0x200, $0x38;
	[tilespmem:$0x1FE80] =	vst v63  }
0x63: {  	_ =	swait.ge [sflag:s5], $0x200  }
0x64: {  	[sflag:s5] =	ssyncset.done $0x0  }
0x65: {  	[sflag:s5] =	ssyncadd.s32 $0xFFFFFE00  }
0x66: {  	[spmem:s3] =	stream.indirect.scatter.add.f32 [tilespmem:s24], [sflag:$0x5], $0x80, s6, s22, $0xb8;
	[tilespmem:$0x1FE80] =	vst v63  }
0x67: {  	_ =	swait.ge [sflag:s16], $0x1000  }
0x68: {  	s25 =	rddreg [dreg:$0x6];
	[sflag:s16] =	ssyncset.done $0x0  }
0x69: {  	[sflag:s16] =	ssyncadd.s32 $0xFFFFF000;
	s17 =	sadd.s32 $0x0, s25  }
0x6a: {  	[tilespmem:s19], [sflag:$0x4] =	stream.linear.gather [hbm4b:s17+s4], $0x200, $0x38;
	[tilespmem:$0x1FE80] =	vst v63  }
0x6b: {  	_ = 	snop  }
0x6c: {  	[tilespmem:s24], [sflag:$0x2] =	stream.indirect.gather [spmem:s2], $0x80, s8, s22, $0xb8;
	[tilespmem:$0x1FE80] =	vst v63  }
0x6d: {  	_ =	swait.ge [sflag:s26], $0x1000  }
0x6e: {  	[sflag:s26] =	ssyncset.done $0x0  }
0x6f: {  	[sflag:s26] =	ssyncadd.s32 $0xFFFFF000  }
0x70: {  	[spmem:s3] =	stream.indirect.scatter.add.f32 [tilespmem:s23], [sflag:$0x5], $0x80, s21, s22, $0xb8;
	[tilespmem:$0x1FE80] =	vst v63  }
0x71: {  	_ =	swait.ge [sflag:s16], $0x1000  }
0x72: {  	[sflag:s16] =	ssyncset.done $0x0  }
0x73: {  	[sflag:s16] =	ssyncadd.s32 $0xFFFFF000  }
0x74: {  	[tilespmem:s23], [sflag:$0x1] =	stream.indirect.gather [spmem:s2], $0x80, s11, s22, $0xb8;
	[tilespmem:$0x1FE80] =	vst v63  }
0x75: {  	_ =	swait.ge [sflag:s29], $0x1000  }
0x76: {  	[sflag:s29] =	ssyncset.done $0x0  }
0x77: {  	[sflag:s29] =	ssyncadd.s32 $0xFFFFF000  }
0x78: {  	[spmem:s3] =	stream.indirect.scatter.add.f32 [tilespmem:s24], [sflag:$0x5], $0x80, s12, s22, $0xb8;
	[tilespmem:$0x1FE80] =	vst v63  }
0x79: {  	_ =	swait.ge [sflag:s16], $0x1000  }
0x7a: {  	[sflag:s16] =	ssyncset.done $0x0  }
0x7b: {  	[sflag:s16] =	ssyncadd.s32 $0xFFFFF000  }
0x7c: {  	[tilespmem:s24], [sflag:$0x2] =	stream.indirect.gather [spmem:s2], $0x80, s13, s22, $0xb8;
	[tilespmem:$0x1FE80] =	vst v63  }
0x7d: {  	_ =	swait.ge [sflag:s26], $0x1000  }
0x7e: {  	[sflag:s26] =	ssyncset.done $0x0  }
0x7f: {  	[sflag:s26] =	ssyncadd.s32 $0xFFFFF000  }
0x80: {  	[spmem:s3] =	stream.indirect.scatter.add.f32 [tilespmem:s23], [sflag:$0x5], $0x80, s9, s22, $0xb8;
	[tilespmem:$0x1FE80] =	vst v63  }
0x81: {  	_ =	swait.ge [sflag:s16], $0x1000  }
0x82: {  	[sflag:s16] =	ssyncset.done $0x0  }
0x83: {  	[sflag:s16] =	ssyncadd.s32 $0xFFFFF000  }
0x84: {  	_ =	swait.ge [sflag:s1], $0x200  }
0x85: {  	[sflag:s1] =	ssyncset.done $0x0  }
0x86: {  	[sflag:s1] =	ssyncadd.s32 $0xFFFFFE00  }
0x87: {  	[tilespmem:s23], [sflag:$0x1] =	stream.indirect.gather [spmem:s2], $0x80, s4, s22, $0xb8;
	[tilespmem:$0x1FE80] =	vst v63  }
0x88: {  	_ =	swait.ge [sflag:s29], $0x1000  }
0x89: {  	[sflag:s29] =	ssyncset.done $0x0  }
0x8a: {  	s15 =	sadd.s32 $0xC0, s15;
	[sflag:s29] =	ssyncadd.s32 $0xFFFFF000  }
0x8b: {  	[tilespmem:s20], [sflag:$0x3] =	stream.linear.gather [hbm4b:s15+s4], $0x200, $0x38;
	[tilespmem:$0x1FE80] =	vst v63  }
0x8c: {  	_ =	swait.ge [sflag:s5], $0x200  }
0x8d: {  	[sflag:s5] =	ssyncset.done $0x0  }
0x8e: {  	[sflag:s5] =	ssyncadd.s32 $0xFFFFFE00  }
0x8f: {  	[spmem:s3] =	stream.indirect.scatter.add.f32 [tilespmem:s24], [sflag:$0x5], $0x80, s14, s22, $0xb8;
	[tilespmem:$0x1FE80] =	vst v63  }
0x90: {  	_ =	swait.ge [sflag:s16], $0x1000  }
0x91: {  	s25 =	simm.s32 $0x80;
	s18 =	sadd.s32 $0x40, s17;
	[sflag:s16] =	ssyncset.done $0x0  }
.LBB2_2:
0x92: {  	[sflag:s16] =	ssyncadd.s32 $0xFFFFF000  }
0x93: {  	[tilespmem:s21], [sflag:$0x4] =	stream.linear.gather [hbm4b:s18+s4], $0x200, $0x38;
	[tilespmem:$0x1FE80] =	vst v63  }
0x94: {  	s7 =	rddreg [dreg:$0x7]  }
0x95: {  	[tilespmem:s24], [sflag:$0x2] =	stream.indirect.gather [spmem:s2], $0x80, s7, s22, $0xb8;
	[tilespmem:$0x1FE80] =	vst v63  }
0x96: {  	_ =	swait.ge [sflag:s26], $0x1000  }
0x97: {  	[sflag:s26] =	ssyncset.done $0x0  }
0x98: {  	[sflag:s26] =	ssyncadd.s32 $0xFFFFF000  }
0x99: {  	[spmem:s3] =	stream.indirect.scatter.add.f32 [tilespmem:s23], [sflag:$0x5], $0x80, s19, s22, $0xb8;
	[tilespmem:$0x1FE80] =	vst v63  }
0x9a: {  	_ =	swait.ge [sflag:s16], $0x1000  }
0x9b: {  	[sflag:s16] =	ssyncset.done $0x0  }
0x9c: {  	[sflag:s16] =	ssyncadd.s32 $0xFFFFF000  }
0x9d: {  	[tilespmem:s23], [sflag:$0x1] =	stream.indirect.gather [spmem:s2], $0x80, s28, s22, $0xb8;
	[tilespmem:$0x1FE80] =	vst v63  }
0x9e: {  	_ =	swait.ge [sflag:s29], $0x1000  }
0x9f: {  	[sflag:s29] =	ssyncset.done $0x0  }
0xa0: {  	[sflag:s29] =	ssyncadd.s32 $0xFFFFF000  }
0xa1: {  	[spmem:s3] =	stream.indirect.scatter.add.f32 [tilespmem:s24], [sflag:$0x5], $0x80, s30, s22, $0xb8;
	[tilespmem:$0x1FE80] =	vst v63  }
0xa2: {  	_ =	swait.ge [sflag:s16], $0x1000  }
0xa3: {  	[sflag:s16] =	ssyncset.done $0x0  }
0xa4: {  	[sflag:s16] =	ssyncadd.s32 $0xFFFFF000  }
0xa5: {  	[tilespmem:s24], [sflag:$0x2] =	stream.indirect.gather [spmem:s2], $0x80, s31, s22, $0xb8;
	[tilespmem:$0x1FE80] =	vst v63  }
0xa6: {  	_ =	swait.ge [sflag:s26], $0x1000  }
0xa7: {  	[sflag:s26] =	ssyncset.done $0x0  }
0xa8: {  	[sflag:s26] =	ssyncadd.s32 $0xFFFFF000  }
0xa9: {  	[spmem:s3] =	stream.indirect.scatter.add.f32 [tilespmem:s23], [sflag:$0x5], $0x80, s0, s22, $0xb8;
	[tilespmem:$0x1FE80] =	vst v63  }
0xaa: {  	_ =	swait.ge [sflag:s16], $0x1000  }
0xab: {  	[sflag:s16] =	ssyncset.done $0x0  }
0xac: {  	[sflag:s16] =	ssyncadd.s32 $0xFFFFF000  }
0xad: {  	_ =	swait.ge [sflag:s1], $0x200  }
0xae: {  	[sflag:s1] =	ssyncset.done $0x0  }
0xaf: {  	[sflag:s1] =	ssyncadd.s32 $0xFFFFFE00  }
0xb0: {  	[tilespmem:s23], [sflag:$0x1] =	stream.indirect.gather [spmem:s2], $0x80, s20, s22, $0xb8;
	[tilespmem:$0x1FE80] =	vst v63  }
0xb1: {  	s17 =	smov.u32 s25;
	_ =	swait.ge [sflag:s29], $0x1000  }
0xb2: {  	s15 =	sadd.s32 $0x80, s25;
	p2 =	sne.s32 s25, $0x2780;
	s25 =	rddreg [dreg:$0x5]  }
0xb3: {  	[sflag:s29] =	ssyncset.done $0x0;
	s25 =	sadd.s32 s17, s25  }
0xb4: {  	[sflag:s29] =	ssyncadd.s32 $0xFFFFF000;
	s7 =	sadd.s32 $0x80, s25  }
0xb5: {  	[tilespmem:s4], [sflag:$0x3] =	stream.linear.gather [hbm4b:s7+s4], $0x200, $0x38;
	[tilespmem:$0x1FE80] =	vst v63  }
0xb6: {  	_ =	swait.ge [sflag:s5], $0x200  }
0xb7: {  	[sflag:s5] =	ssyncset.done $0x0  }
0xb8: {  	[sflag:s5] =	ssyncadd.s32 $0xFFFFFE00  }
0xb9: {  	[spmem:s3] =	stream.indirect.scatter.add.f32 [tilespmem:s24], [sflag:$0x5], $0x80, s6, s22, $0xb8;
	[tilespmem:$0x1FE80] =	vst v63  }
0xba: {  	_ =	swait.ge [sflag:s16], $0x1000  }
0xbb: {  	s18 =	rddreg [dreg:$0x6];
	[sflag:s16] =	ssyncset.done $0x0  }
0xbc: {  	[sflag:s16] =	ssyncadd.s32 $0xFFFFF000;
	s7 =	sadd.s32 s17, s18  }
0xbd: {  	[tilespmem:s19], [sflag:$0x4] =	stream.linear.gather [hbm4b:s7+s4], $0x200, $0x38;
	[tilespmem:$0x1FE80] =	vst v63  }
0xbe: {  	_ = 	snop  }
0xbf: {  	[tilespmem:s24], [sflag:$0x2] =	stream.indirect.gather [spmem:s2], $0x80, s8, s22, $0xb8;
	[tilespmem:$0x1FE80] =	vst v63  }
0xc0: {  	_ =	swait.ge [sflag:s26], $0x1000  }
0xc1: {  	[sflag:s26] =	ssyncset.done $0x0  }
0xc2: {  	[sflag:s26] =	ssyncadd.s32 $0xFFFFF000  }
0xc3: {  	[spmem:s3] =	stream.indirect.scatter.add.f32 [tilespmem:s23], [sflag:$0x5], $0x80, s21, s22, $0xb8;
	[tilespmem:$0x1FE80] =	vst v63  }
0xc4: {  	_ =	swait.ge [sflag:s16], $0x1000  }
0xc5: {  	[sflag:s16] =	ssyncset.done $0x0  }
0xc6: {  	[sflag:s16] =	ssyncadd.s32 $0xFFFFF000  }
0xc7: {  	[tilespmem:s23], [sflag:$0x1] =	stream.indirect.gather [spmem:s2], $0x80, s11, s22, $0xb8;
	[tilespmem:$0x1FE80] =	vst v63  }
0xc8: {  	_ =	swait.ge [sflag:s29], $0x1000  }
0xc9: {  	[sflag:s29] =	ssyncset.done $0x0  }
0xca: {  	[sflag:s29] =	ssyncadd.s32 $0xFFFFF000  }
0xcb: {  	[spmem:s3] =	stream.indirect.scatter.add.f32 [tilespmem:s24], [sflag:$0x5], $0x80, s12, s22, $0xb8;
	[tilespmem:$0x1FE80] =	vst v63  }
0xcc: {  	_ =	swait.ge [sflag:s16], $0x1000  }
0xcd: {  	[sflag:s16] =	ssyncset.done $0x0  }
0xce: {  	[sflag:s16] =	ssyncadd.s32 $0xFFFFF000  }
0xcf: {  	[tilespmem:s24], [sflag:$0x2] =	stream.indirect.gather [spmem:s2], $0x80, s13, s22, $0xb8;
	[tilespmem:$0x1FE80] =	vst v63  }
0xd0: {  	_ =	swait.ge [sflag:s26], $0x1000  }
0xd1: {  	[sflag:s26] =	ssyncset.done $0x0  }
0xd2: {  	[sflag:s26] =	ssyncadd.s32 $0xFFFFF000  }
0xd3: {  	[spmem:s3] =	stream.indirect.scatter.add.f32 [tilespmem:s23], [sflag:$0x5], $0x80, s9, s22, $0xb8;
	[tilespmem:$0x1FE80] =	vst v63  }
0xd4: {  	_ =	swait.ge [sflag:s16], $0x1000  }
0xd5: {  	[sflag:s16] =	ssyncset.done $0x0  }
0xd6: {  	[sflag:s16] =	ssyncadd.s32 $0xFFFFF000  }
0xd7: {  	_ =	swait.ge [sflag:s1], $0x200  }
0xd8: {  	[sflag:s1] =	ssyncset.done $0x0  }
0xd9: {  	[sflag:s1] =	ssyncadd.s32 $0xFFFFFE00  }
0xda: {  	[tilespmem:s23], [sflag:$0x1] =	stream.indirect.gather [spmem:s2], $0x80, s4, s22, $0xb8;
	[tilespmem:$0x1FE80] =	vst v63  }
0xdb: {  	_ =	swait.ge [sflag:s29], $0x1000  }
0xdc: {  	[sflag:s29] =	ssyncset.done $0x0  }
0xdd: {  	s25 =	sadd.s32 $0xC0, s25;
	[sflag:s29] =	ssyncadd.s32 $0xFFFFF000  }
0xde: {  	[tilespmem:s20], [sflag:$0x3] =	stream.linear.gather [hbm4b:s25+s4], $0x200, $0x38;
	[tilespmem:$0x1FE80] =	vst v63  }
0xdf: {  	_ =	swait.ge [sflag:s5], $0x200  }
.Ltmp0:
0xe0: {  	[sflag:s5] =	ssyncset.done $0x0;
	(pc) =	sbr.rel @p2 .LBB2_2-.Ltmp0, $4  }
0xe1: {  	[sflag:s5] =	ssyncadd.s32 $0xFFFFFE00  }
0xe2: {  	[spmem:s3] =	stream.indirect.scatter.add.f32 [tilespmem:s24], [sflag:$0x5], $0x80, s14, s22, $0xb8;
	[tilespmem:$0x1FE80] =	vst v63  }
0xe3: {  	_ =	swait.ge [sflag:s16], $0x1000  }
0xe4: {  	s18 =	sadd.s32 $0x40, s7;
	s25 =	smov.u32 s15;
	[sflag:s16] =	ssyncset.done $0x0  }
0xe5: {  	[sflag:s16] =	ssyncadd.s32 $0xFFFFF000  }
0xe6: {  	[tilespmem:s21], [sflag:$0x4] =	stream.linear.gather [hbm4b:s18+s4], $0x200, $0x38;
	[tilespmem:$0x1FE80] =	vst v63  }
0xe7: {  	_ =	swait.ge [sflag:s1], $0x200  }
0xe8: {  	[sflag:s1] =	ssyncset.done $0x0  }
0xe9: {  	[sflag:s1] =	ssyncadd.s32 $0xFFFFFE00  }
0xea: {  	_ =	swait.ge [sflag:s5], $0x200  }
0xeb: {  	[sflag:s5] =	ssyncset.done $0x0  }
0xec: {  	[sflag:s5] =	ssyncadd.s32 $0xFFFFFE00  }
0xed: {  	_ =	swait.ge [sflag:s26], $0x1000  }
0xee: {  	[sflag:s26] =	ssyncset.done $0x0  }
0xef: {  	[sflag:s26] =	ssyncadd.s32 $0xFFFFF000  }
0xf0: {  	[bflag:$0x0] =	sbarrier.arrive $0xFFFF  }
0xf1: {  	s18 =	rddreg [dreg:$0xa]  }
0xf2: {  	s7 =	rddreg [dreg:$0x10]  }
0xf3: {  	s15 =	rddreg [dreg:$0x15]  }
0xf4: {  	[hbm:s7], [sflag:s18] =	dma.local @!p1 [spmem:s15], $0x2780  }
0xf5: {  	s7 =	simm.s32 @!p1 $0x5  }
0xf6: {  	_ =	swait.ge @!p1 [sflag:s7], $0x2780  }
0xf7: {  	s10 =	sadd.s32 $0x1, s10;
	s25 =	rddreg [dreg:$0x11]  }
0xf8: {  	p2 =	sne.s32 s10, s25  }
.Ltmp1:
0xf9: {  	_ = 	snop;
	(pc) =	sbr.rel @p2 .LBB2_1-.Ltmp1, $3  }
0xfa: {  	_ =	sdelay $0x1  }
0xfb: {  	[sflag:s7] =	ssyncset.done @!p1 $0x0  }
0xfc: {  	[sflag:s7] =	ssyncadd.s32 @!p1 $0xFFFFD880  }
0xfd: {  	_ =	sfence.sel $0x180000  }
0xfe: {  	[bflag:$0x0] =	sbarrier.arrive $0xFFFF  }
0xff: {  	_ =	strace $0x90000047  }
0x100: {  	s0 =	stileid.u32;
	[bflag:$0x2] =	sbarrier.arrive $0xFFFF  }
0x101: {  	p0 =	sne.s32 s0, $0x0;
	s0 =	rddreg [dreg:$0x4]  }
0x102: {  	s0 =	sadd.s32 @!p0 $0x100000, s0  }
0x103: {  	[sflag:s0] =	ssyncadd.tile.s32 @!p0 $0x1;
	_ =	shalt  }
.Lfunc_end2:
_tile_overlayer_lowered:
.L_overlay_start_2:
0x104: {  	(tag) =	ssettag $0x2  }
0x105: {  	s0 =	rddreg [dreg:$0x0];
	s2 =	stileid.u32  }
0x106: {  	s1 =	rddreg [dreg:$0x1];
	p0 =	sne.s32 s2, $0x0  }
0x107: {  	s3 =	rddreg [dreg:$0x2];
	[bflag:$0x3] =	sbarrier.arrive $0xFFFF;
	s2 =	simm.s32 @!p0 $0x1C05  }
0x108: {  	[timem:s3], [sflag:s2] =	dma.local @!p0 [hbm:s0], s1  }
0x109: {  	s0 =	simm.s32 @!p0 $0x5  }
0x10a: {  	_ =	swait.ge @!p0 [sflag:s0], s1  }
0x10b: {  	s1 =	ssub.s32 @!p0 $0x0, s1;
	[sflag:s0] =	ssyncset.done @!p0 $0x0  }
0x10c: {  	[sflag:s0] =	ssyncadd.s32 @!p0 s1  }
0x10d: {  	[bflag:$0x3] =	sbarrier.arrive $0xFFFF  }
0x10e: {  	_ =	shalt  }

</sc_bundles>
